<compile_context>
chip_gen: v7x
topology: tpu7x:2x2x1
jax: 0.10.2.dev20260603
libtpu: 0.0.44.dev20260713+nightly
codegen_flags: <defaults>
</compile_context>

<pallas_src>
import functools

import jax
import jax.numpy as jnp
import numpy as np
from jax import lax
from jax.experimental import pallas as pl
from jax.experimental.pallas import tpu as pltpu
from jax.experimental.pallas import tpu_sc as plsc

B = 128
V = 100000
W = 1024
NT = V // W
TW = V - NT * W
BR = 8
NR = B // BR
UNROLL = 8
UNROLL2 = 8

_K1 = np.uint32(0)
_K2 = np.uint32(42)
_TINY = np.float32(1.1754943508222875e-38)
_I32_BIG = np.int32(2**31 - 1)


def _threefry_bits(cnt_lo):
    ks0 = _K1
    ks1 = _K2
    ks2 = np.uint32(_K1 ^ _K2 ^ np.uint32(0x1BD11BDA))

    x0 = jnp.zeros_like(cnt_lo) + ks0
    x1 = cnt_lo + ks1

    def rnd(x0, x1, r):
        x0 = x0 + x1
        x1 = (x1 << np.uint32(r)) | (x1 >> np.uint32(32 - r))
        x1 = x0 ^ x1
        return x0, x1

    for r in (13, 15, 26, 6):
        x0, x1 = rnd(x0, x1, r)
    x0 = x0 + ks1
    x1 = x1 + np.uint32(ks2 + np.uint32(1))
    for r in (17, 29, 16, 24):
        x0, x1 = rnd(x0, x1, r)
    x0 = x0 + ks2
    x1 = x1 + np.uint32(ks0 + np.uint32(2))
    for r in (13, 15, 26, 6):
        x0, x1 = rnd(x0, x1, r)
    x0 = x0 + ks0
    x1 = x1 + np.uint32(ks1 + np.uint32(3))
    for r in (17, 29, 16, 24):
        x0, x1 = rnd(x0, x1, r)
    x0 = x0 + ks1
    x1 = x1 + np.uint32(ks2 + np.uint32(4))
    for r in (13, 15, 26, 6):
        x0, x1 = rnd(x0, x1, r)
    x0 = x0 + ks2
    x1 = x1 + np.uint32(ks0 + np.uint32(5))
    return x0 ^ x1


def _gumbel_score(blk, cnt):
    bits = _threefry_bits(cnt.astype(jnp.uint32))
    fbits = (bits >> np.uint32(9)) | np.uint32(0x3F800000)
    floats = lax.bitcast_convert_type(fbits, jnp.float32) - np.float32(1.0)
    u = jnp.maximum(_TINY, floats + _TINY)
    return blk - jnp.log(-jnp.log(u))


def _dense_body(logits_ref, lp_ref, idx_ref):
    j = pl.program_id(0)
    row0 = j * BR

    rowi = lax.broadcasted_iota(jnp.int32, (BR, W), 0)
    lane = lax.broadcasted_iota(jnp.int32, (BR, W), 1)
    cnt0 = (row0 + rowi) * V + lane

    def chunk(t, carry):
        a_score, a_cnt = carry
        c0 = pl.multiple_of(t * W, W)
        blk = logits_ref[:, pl.ds(c0, W)]
        cnt = cnt0 + t * W
        score = _gumbel_score(blk, cnt)
        upd = score > a_score
        return jnp.where(upd, score, a_score), jnp.where(upd, cnt, a_cnt)

    neg_inf = jnp.full((BR, W), -jnp.inf, jnp.float32)
    a_score, a_cnt = lax.fori_loop(
        0, NT, chunk, (neg_inf, jnp.zeros((BR, W), jnp.int32)),
        unroll=UNROLL)

    def chunk2a(t, a_lmax):
        c0 = pl.multiple_of(t * W, W)
        return jnp.maximum(a_lmax, logits_ref[:, pl.ds(c0, W)])

    a_lmax = lax.fori_loop(0, NT, chunk2a, neg_inf, unroll=UNROLL2)

    def chunk2b(t, se):
        c0 = pl.multiple_of(t * W, W)
        return se + jnp.exp(logits_ref[:, pl.ds(c0, W)] - a_lmax)

    se = lax.fori_loop(0, NT, chunk2b, jnp.zeros((BR, W), jnp.float32),
                       unroll=UNROLL2)

    tblk = logits_ref[:, NT * W:V]
    tcnt = ((row0 + lax.broadcasted_iota(jnp.int32, (BR, TW), 0)) * V
            + NT * W + lax.broadcasted_iota(jnp.int32, (BR, TW), 1))
    tscore = _gumbel_score(tblk, tcnt)

    m_main = jnp.max(a_score, axis=1)
    m_tail = jnp.max(tscore, axis=1)
    m_sc = jnp.maximum(m_main, m_tail)
    cand_m = jnp.min(jnp.where(a_score == m_sc[:, None], a_cnt, _I32_BIG),
                     axis=1)
    cand_t = jnp.min(jnp.where(tscore == m_sc[:, None], tcnt, _I32_BIG),
                     axis=1)
    cnt_win = jnp.minimum(cand_m, cand_t)

    lm_t = jnp.max(tblk, axis=1)
    m_row = jnp.maximum(jnp.max(a_lmax, axis=1), lm_t)
    se_row = (jnp.sum(se * jnp.exp(a_lmax - m_row[:, None]), axis=1)
              + jnp.sum(jnp.exp(tblk - m_row[:, None]), axis=1))

    bits_w = _threefry_bits(cnt_win.astype(jnp.uint32))
    fb_w = (bits_w >> np.uint32(9)) | np.uint32(0x3F800000)
    fl_w = lax.bitcast_convert_type(fb_w, jnp.float32) - np.float32(1.0)
    u_w = jnp.maximum(_TINY, fl_w + _TINY)
    l_win = m_sc + jnp.log(-jnp.log(u_w))

    rvec = cnt0[:, 0]
    lp_ref[j, :] = l_win - (m_row + jnp.log(se_row))
    idx_ref[j, :] = cnt_win - rvec


def _dense_call(logits, interpret=False):
    lp2, idx2 = pl.pallas_call(
        _dense_body,
        grid=(NR,),
        in_specs=[pl.BlockSpec((BR, V), lambda j: (j, 0))],
        out_specs=[pl.BlockSpec((NR, BR), lambda j: (0, 0)),
                   pl.BlockSpec((NR, BR), lambda j: (0, 0))],
        out_shape=[jax.ShapeDtypeStruct((NR, BR), jnp.float32),
                   jax.ShapeDtypeStruct((NR, BR), jnp.int32)],
        compiler_params=pltpu.CompilerParams(
            dimension_semantics=("arbitrary",)),
        interpret=interpret,
    )(logits)
    return lp2.reshape(B), idx2.reshape(B)


def _sc_gather(action_space, idx):
    info = plsc.get_sparse_core_info()
    nc = info.num_cores
    n_workers = 16
    per_w = B // n_workers
    mesh = plsc.VectorSubcoreMesh(core_axis_name="c", subcore_axis_name="s")

    @functools.partial(
        pl.kernel, mesh=mesh,
        out_type=jax.ShapeDtypeStruct((B,), jnp.int32),
        scratch_types=[pltpu.VMEM((per_w,), jnp.int32),
                       pltpu.VMEM((per_w,), jnp.int32),
                       pltpu.SemaphoreType.DMA],
    )
    def gather_kernel(table_hbm, idx_hbm, out_hbm, idx_v, rows_v, sem):
        wid = lax.axis_index("s") * nc + lax.axis_index("c")

        @pl.when(wid < n_workers)
        def _():
            base = wid * per_w
            pltpu.sync_copy(idx_hbm.at[pl.ds(base, per_w)], idx_v)
            pltpu.async_copy(table_hbm.at[idx_v], rows_v, sem).wait()
            pltpu.sync_copy(rows_v, out_hbm.at[pl.ds(base, per_w)])

    return gather_kernel(action_space, idx)


def kernel(logits, action_space):
    log_probs, idx = _dense_call(logits)
    actions = _sc_gather(action_space, idx)
    return log_probs, actions

# --- scband reference (transcript-rebuilt; emitter-appended) ---
"""Pipeline reference for scband-rltuner-17961553232357 (READ-ONLY COPY).

The authoritative reference and input builder live on the scoring server;
editing this copy changes nothing except your own understanding.
"""

import jax, jax.numpy as jnp
import numpy as np

B = 128
V = 100000


def setup_inputs(seed: int = 0) -> dict:
    key = jax.random.key(seed)
    k1, k2 = jax.random.split(key)
    logits = jax.random.normal(k1, (B, V), dtype=jnp.float32)
    # integer action lookup table (generalizes the hardcoded 4x3 action_space)
    action_space = jax.random.randint(k2, (V,), 0, 64, dtype=jnp.int32)
    return {"logits": logits, "action_space": action_space}


def reference(logits, action_space):
    # Faithful jax translation of RLtuner.play_episode core math:
    #   action_index = Categorical(logits=episode_logits).sample()
    #   mask = one_hot(action_index, num_classes=ACTION_SPACE)
    #   episode_log_probs = sum(mask * log_softmax(logits), dim=1)
    #   action = gather(action_space, action_index)
    key = jax.random.key(42)
    action_index = jax.random.categorical(key, logits, axis=-1)  # [B]
    mask = jax.nn.one_hot(action_index, logits.shape[-1], dtype=logits.dtype)  # [B, V]
    log_p = jax.nn.log_softmax(logits, axis=-1)  # [B, V]
    episode_log_probs = jnp.sum(mask * log_p, axis=-1)  # [B]
    actions = jnp.take(action_space, action_index, axis=0)  # [B] gather
    return episode_log_probs, actions

if __name__ == "__main__":
    import jax
    _d = setup_inputs()
    print(jax.jit(kernel)(*tuple(_d.values())))

</pallas_src>

<mosaic_0001>
#map = affine_map<(d0, d1) -> (0)>
module attributes {stable_mosaic.version = 14 : i64} {
  func.func @gather_kernel(%arg0: i32, %arg1: i32, %arg2: memref<100000xi32, #tpu.memory_space<hbm>>, %arg3: memref<128xi32, #tpu.memory_space<hbm>>, %arg4: memref<128xi32, #tpu.memory_space<hbm>>, %arg5: memref<8xi32, #tpu.memory_space<vmem>>, %arg6: memref<8xi32, #tpu.memory_space<vmem>>, %arg7: memref<!tpu.dma_semaphore, #tpu.memory_space<semaphore_mem>>) attributes {dimension_semantics = [#tpu.dimension_semantics<core_parallel>, #tpu.dimension_semantics<subcore_parallel>], iteration_bounds = array<i64: 2, 16>, scalar_prefetch = 0 : i64, scratch_operands = 3 : i64, tpu.core_type = #tpu.core_type<sc_vector_subcore>, window_params = [{transform_indices = #map}, {transform_indices = #map}, {transform_indices = #map}]} {
    %mul3A = arith.constant 2 : i32
    %mul3A_0 = arith.muli %arg1, %mul3A : i32
    %add3A = arith.addi %mul3A_0, %arg0 : i32
    %lt3A = arith.constant 16 : i32
    %lt3A_1 = arith.cmpi slt, %add3A, %lt3A : i32
    %convert_element_type3A = arith.extui %lt3A_1 : i1 to i32
    %cond3A = arith.constant 0 : i32
    %cond3A_2 = arith.cmpi ne, %convert_element_type3A, %cond3A : i32
    scf.if %cond3A_2 {
      %mul3A_3 = arith.constant 8 : i32
      %mul3A_4 = arith.muli %add3A, %mul3A_3 : i32
      "tpu.region"() ({
        %run_scoped3A = tpu.sem_alloc : memref<!tpu.dma_semaphore, #tpu.memory_space<semaphore_mem>>
        %dma_start3A_7 = tpu.memref_slice %arg3[%mul3A_4] : memref<128xi32, #tpu.memory_space<hbm>> -> memref<8xi32, #tpu.memory_space<hbm>>
        %dma_start3A_8 = tpu.memref_slice %arg3[%mul3A_4] : memref<128xi32, #tpu.memory_space<hbm>> -> memref<8xi32, #tpu.memory_space<hbm>>
        tpu.enqueue_dma source(%dma_start3A_8 : memref<8xi32, #tpu.memory_space<hbm>>) target(%arg5 : memref<8xi32, #tpu.memory_space<vmem>>) target_semaphore(%run_scoped3A : memref<!tpu.dma_semaphore, #tpu.memory_space<semaphore_mem>>)
        %dma_wait3A_9 = tpu.memref_slice %arg3[%mul3A_4] : memref<128xi32, #tpu.memory_space<hbm>> -> memref<8xi32, #tpu.memory_space<hbm>>
        %dma_wait3A_10 = tpu.memref_slice %arg3[%mul3A_4] : memref<128xi32, #tpu.memory_space<hbm>> -> memref<8xi32, #tpu.memory_space<hbm>>
        tpu.wait_dma2 semaphore(%run_scoped3A : memref<!tpu.dma_semaphore, #tpu.memory_space<semaphore_mem>>) src(%dma_wait3A_10 : memref<8xi32, #tpu.memory_space<hbm>>) dst(%arg5 : memref<8xi32, #tpu.memory_space<vmem>>)
        tpu.yield
      }) : () -> ()
      %dma_start3A = arith.constant 0 : i32
      %dma_start3A_5 = tpu.memref_slice %arg2[%dma_start3A] : memref<100000xi32, #tpu.memory_space<hbm>> -> memref<100000xi32, #tpu.memory_space<hbm>>
      tpu.enqueue_indirect_dma source(%dma_start3A_5 : memref<100000xi32, #tpu.memory_space<hbm>>) target(%arg6 : memref<8xi32, #tpu.memory_space<vmem>>) offsets(%arg5 : memref<8xi32, #tpu.memory_space<vmem>>) semaphore(%arg7 : memref<!tpu.dma_semaphore, #tpu.memory_space<semaphore_mem>>)
      %dma_wait3A = arith.constant 0 : i32
      %dma_wait3A_6 = tpu.memref_slice %arg2[%dma_wait3A] : memref<100000xi32, #tpu.memory_space<hbm>> -> memref<100000xi32, #tpu.memory_space<hbm>>
      tpu.wait_indirect_dma semaphore(%arg7 : memref<!tpu.dma_semaphore, #tpu.memory_space<semaphore_mem>>) src(%dma_wait3A_6 : memref<100000xi32, #tpu.memory_space<hbm>>) dst(%arg6 : memref<8xi32, #tpu.memory_space<vmem>>)
      "tpu.region"() ({
        %run_scoped3A = tpu.sem_alloc : memref<!tpu.dma_semaphore, #tpu.memory_space<semaphore_mem>>
        %dma_start3A_7 = tpu.memref_slice %arg4[%mul3A_4] : memref<128xi32, #tpu.memory_space<hbm>> -> memref<8xi32, #tpu.memory_space<hbm>>
        %dma_start3A_8 = tpu.memref_slice %arg4[%mul3A_4] : memref<128xi32, #tpu.memory_space<hbm>> -> memref<8xi32, #tpu.memory_space<hbm>>
        tpu.enqueue_dma source(%arg6 : memref<8xi32, #tpu.memory_space<vmem>>) target(%dma_start3A_8 : memref<8xi32, #tpu.memory_space<hbm>>) target_semaphore(%run_scoped3A : memref<!tpu.dma_semaphore, #tpu.memory_space<semaphore_mem>>)
        %dma_wait3A_9 = tpu.memref_slice %arg4[%mul3A_4] : memref<128xi32, #tpu.memory_space<hbm>> -> memref<8xi32, #tpu.memory_space<hbm>>
        %dma_wait3A_10 = tpu.memref_slice %arg4[%mul3A_4] : memref<128xi32, #tpu.memory_space<hbm>> -> memref<8xi32, #tpu.memory_space<hbm>>
        tpu.wait_dma2 semaphore(%run_scoped3A : memref<!tpu.dma_semaphore, #tpu.memory_space<semaphore_mem>>) src(%arg6 : memref<8xi32, #tpu.memory_space<vmem>>) dst(%dma_wait3A_10 : memref<8xi32, #tpu.memory_space<hbm>>)
        tpu.yield
      }) : () -> ()
    } else {
    }
    return
  }
}

module attributes {stable_mosaic.version = 14 : i64} {
  func.func @_dense_body(%arg0: i32, %arg1: memref<8x100000xf32, #tpu.memory_space<vmem>>, %arg2: memref<16x8xf32, #tpu.memory_space<vmem>>, %arg3: memref<16x8xi32, #tpu.memory_space<vmem>>) attributes {dimension_semantics = [#tpu.dimension_semantics<arbitrary>], iteration_bounds = array<i64: 16>, scalar_prefetch = 0 : i64, scratch_operands = 0 : i64, tpu.core_type = #tpu.core_type<tc>, window_params = [{transform_indices = @transform_0, window_bounds = array<i64: 8, 100000>}, {pipeline_mode = #tpu.pipeline_mode<synchronous>, transform_indices = @transform_1, window_bounds = array<i64: 16, 8>}, {pipeline_mode = #tpu.pipeline_mode<synchronous>, transform_indices = @transform_2, window_bounds = array<i64: 16, 8>}]} {
    %mul3A = arith.constant 8 : i32
    %mul3A_0 = arith.muli %arg0, %mul3A : i32
    %iota3A = tpu.iota {dimensions = array<i32: 0>} : vector<8x1024xi32>
    %iota3A_1 = tpu.iota {dimensions = array<i32: 1>} : vector<8x1024xi32>
    %add3A = vector.broadcast %mul3A_0 : i32 to vector<8x1024xi32>
    %add3A_2 = arith.addi %add3A, %iota3A : vector<8x1024xi32>
    %mul3A_3 = arith.constant 100000 : i32
    %mul3A_4 = vector.broadcast %mul3A_3 : i32 to vector<8x1024xi32>
    %mul3A_5 = arith.muli %add3A_2, %mul3A_4 : vector<8x1024xi32>
    %add3A_6 = arith.addi %mul3A_5, %iota3A_1 : vector<8x1024xi32>
    %broadcast_in_dim3A = arith.constant 0xFF800000 : f32
    %broadcast_in_dim3A_7 = vector.broadcast %broadcast_in_dim3A : f32 to vector<8x1024xf32>
    %broadcast_in_dim3A_8 = arith.constant 0 : i32
    %broadcast_in_dim3A_9 = vector.broadcast %broadcast_in_dim3A_8 : i32 to vector<8x1024xi32>
    %scan3A = arith.constant 0 : i32
    %scan3A_10 = arith.constant 96 : i32
    %scan3A_11 = arith.addi %scan3A, %scan3A_10 : i32
    %scan3A_12 = arith.constant 8 : i32
    %scan3A_13:2 = scf.for %scan3A_835 = %scan3A to %scan3A_11 step %scan3A_12 iter_args(%scan3A_836 = %broadcast_in_dim3A_7, %scan3A_837 = %broadcast_in_dim3A_9) -> (vector<8x1024xf32>, vector<8x1024xi32>)  : i32 {
      %mul3A_838 = arith.constant 1024 : i32
      %mul3A_839 = arith.muli %scan3A_835, %mul3A_838 : i32
      %multiple_of3A_840 = tpu.assume_multiple %mul3A_839, 1024 : i32
      %get3A_841 = arith.constant 0 : index
      %get3A_842 = arith.index_cast %multiple_of3A_840 : i32 to index
      %get3A_843 = vector.load %arg1[%get3A_841, %get3A_842] : memref<8x100000xf32, #tpu.memory_space<vmem>>, vector<8x1024xf32>
      %mul3A_844 = arith.constant 1024 : i32
      %mul3A_845 = arith.muli %scan3A_835, %mul3A_844 : i32
      %add3A_846 = vector.broadcast %mul3A_845 : i32 to vector<8x1024xi32>
      %add3A_847 = arith.addi %add3A_6, %add3A_846 : vector<8x1024xi32>
      %broadcast_in_dim3A_848 = arith.constant 0 : i32
      %broadcast_in_dim3A_849 = vector.broadcast %broadcast_in_dim3A_848 : i32 to vector<8x1024xi32>
      %add3A_850 = arith.constant 0 : i32
      %add3A_851 = vector.broadcast %add3A_850 : i32 to vector<8x1024xi32>
      %add3A_852 = arith.addi %broadcast_in_dim3A_849, %add3A_851 : vector<8x1024xi32>
      %add3A_853 = arith.constant 42 : i32
      %add3A_854 = vector.broadcast %add3A_853 : i32 to vector<8x1024xi32>
      %add3A_855 = arith.addi %add3A_847, %add3A_854 : vector<8x1024xi32>
      %add3A_856 = arith.addi %add3A_852, %add3A_855 : vector<8x1024xi32>
      %shift_left3A_857 = arith.constant 13 : i32
      %shift_left3A_858 = vector.broadcast %shift_left3A_857 : i32 to vector<8x1024xi32>
      %shift_left3A_859 = arith.shli %add3A_855, %shift_left3A_858 : vector<8x1024xi32>
      %shift_right_logical3A_860 = arith.constant 19 : i32
      %shift_right_logical3A_861 = vector.broadcast %shift_right_logical3A_860 : i32 to vector<8x1024xi32>
      %shift_right_logical3A_862 = arith.shrui %add3A_855, %shift_right_logical3A_861 : vector<8x1024xi32>
      %or3A_863 = arith.ori %shift_left3A_859, %shift_right_logical3A_862 : vector<8x1024xi32>
      %xor3A_864 = arith.xori %add3A_856, %or3A_863 : vector<8x1024xi32>
      %add3A_865 = arith.addi %add3A_856, %xor3A_864 : vector<8x1024xi32>
      %shift_left3A_866 = arith.constant 15 : i32
      %shift_left3A_867 = vector.broadcast %shift_left3A_866 : i32 to vector<8x1024xi32>
      %shift_left3A_868 = arith.shli %xor3A_864, %shift_left3A_867 : vector<8x1024xi32>
      %shift_right_logical3A_869 = arith.constant 17 : i32
      %shift_right_logical3A_870 = vector.broadcast %shift_right_logical3A_869 : i32 to vector<8x1024xi32>
      %shift_right_logical3A_871 = arith.shrui %xor3A_864, %shift_right_logical3A_870 : vector<8x1024xi32>
      %or3A_872 = arith.ori %shift_left3A_868, %shift_right_logical3A_871 : vector<8x1024xi32>
      %xor3A_873 = arith.xori %add3A_865, %or3A_872 : vector<8x1024xi32>
      %add3A_874 = arith.addi %add3A_865, %xor3A_873 : vector<8x1024xi32>
      %shift_left3A_875 = arith.constant 26 : i32
      %shift_left3A_876 = vector.broadcast %shift_left3A_875 : i32 to vector<8x1024xi32>
      %shift_left3A_877 = arith.shli %xor3A_873, %shift_left3A_876 : vector<8x1024xi32>
      %shift_right_logical3A_878 = arith.constant 6 : i32
      %shift_right_logical3A_879 = vector.broadcast %shift_right_logical3A_878 : i32 to vector<8x1024xi32>
      %shift_right_logical3A_880 = arith.shrui %xor3A_873, %shift_right_logical3A_879 : vector<8x1024xi32>
      %or3A_881 = arith.ori %shift_left3A_877, %shift_right_logical3A_880 : vector<8x1024xi32>
      %xor3A_882 = arith.xori %add3A_874, %or3A_881 : vector<8x1024xi32>
      %add3A_883 = arith.addi %add3A_874, %xor3A_882 : vector<8x1024xi32>
      %shift_left3A_884 = arith.constant 6 : i32
      %shift_left3A_885 = vector.broadcast %shift_left3A_884 : i32 to vector<8x1024xi32>
      %shift_left3A_886 = arith.shli %xor3A_882, %shift_left3A_885 : vector<8x1024xi32>
      %shift_right_logical3A_887 = arith.constant 26 : i32
      %shift_right_logical3A_888 = vector.broadcast %shift_right_logical3A_887 : i32 to vector<8x1024xi32>
      %shift_right_logical3A_889 = arith.shrui %xor3A_882, %shift_right_logical3A_888 : vector<8x1024xi32>
      %or3A_890 = arith.ori %shift_left3A_886, %shift_right_logical3A_889 : vector<8x1024xi32>
      %xor3A_891 = arith.xori %add3A_883, %or3A_890 : vector<8x1024xi32>
      %add3A_892 = arith.constant 42 : i32
      %add3A_893 = vector.broadcast %add3A_892 : i32 to vector<8x1024xi32>
      %add3A_894 = arith.addi %add3A_883, %add3A_893 : vector<8x1024xi32>
      %add3A_895 = arith.constant 466689009 : i32
      %add3A_896 = vector.broadcast %add3A_895 : i32 to vector<8x1024xi32>
      %add3A_897 = arith.addi %xor3A_891, %add3A_896 : vector<8x1024xi32>
      %add3A_898 = arith.addi %add3A_894, %add3A_897 : vector<8x1024xi32>
      %shift_left3A_899 = arith.constant 17 : i32
      %shift_left3A_900 = vector.broadcast %shift_left3A_899 : i32 to vector<8x1024xi32>
      %shift_left3A_901 = arith.shli %add3A_897, %shift_left3A_900 : vector<8x1024xi32>
      %shift_right_logical3A_902 = arith.constant 15 : i32
      %shift_right_logical3A_903 = vector.broadcast %shift_right_logical3A_902 : i32 to vector<8x1024xi32>
      %shift_right_logical3A_904 = arith.shrui %add3A_897, %shift_right_logical3A_903 : vector<8x1024xi32>
      %or3A_905 = arith.ori %shift_left3A_901, %shift_right_logical3A_904 : vector<8x1024xi32>
      %xor3A_906 = arith.xori %add3A_898, %or3A_905 : vector<8x1024xi32>
      %add3A_907 = arith.addi %add3A_898, %xor3A_906 : vector<8x1024xi32>
      %shift_left3A_908 = arith.constant 29 : i32
      %shift_left3A_909 = vector.broadcast %shift_left3A_908 : i32 to vector<8x1024xi32>
      %shift_left3A_910 = arith.shli %xor3A_906, %shift_left3A_909 : vector<8x1024xi32>
      %shift_right_logical3A_911 = arith.constant 3 : i32
      %shift_right_logical3A_912 = vector.broadcast %shift_right_logical3A_911 : i32 to vector<8x1024xi32>
      %shift_right_logical3A_913 = arith.shrui %xor3A_906, %shift_right_logical3A_912 : vector<8x1024xi32>
      %or3A_914 = arith.ori %shift_left3A_910, %shift_right_logical3A_913 : vector<8x1024xi32>
      %xor3A_915 = arith.xori %add3A_907, %or3A_914 : vector<8x1024xi32>
      %add3A_916 = arith.addi %add3A_907, %xor3A_915 : vector<8x1024xi32>
      %shift_left3A_917 = arith.constant 16 : i32
      %shift_left3A_918 = vector.broadcast %shift_left3A_917 : i32 to vector<8x1024xi32>
      %shift_left3A_919 = arith.shli %xor3A_915, %shift_left3A_918 : vector<8x1024xi32>
      %shift_right_logical3A_920 = arith.constant 16 : i32
      %shift_right_logical3A_921 = vector.broadcast %shift_right_logical3A_920 : i32 to vector<8x1024xi32>
      %shift_right_logical3A_922 = arith.shrui %xor3A_915, %shift_right_logical3A_921 : vector<8x1024xi32>
      %or3A_923 = arith.ori %shift_left3A_919, %shift_right_logical3A_922 : vector<8x1024xi32>
      %xor3A_924 = arith.xori %add3A_916, %or3A_923 : vector<8x1024xi32>
      %add3A_925 = arith.addi %add3A_916, %xor3A_924 : vector<8x1024xi32>
      %shift_left3A_926 = arith.constant 24 : i32
      %shift_left3A_927 = vector.broadcast %shift_left3A_926 : i32 to vector<8x1024xi32>
      %shift_left3A_928 = arith.shli %xor3A_924, %shift_left3A_927 : vector<8x1024xi32>
      %shift_right_logical3A_929 = arith.constant 8 : i32
      %shift_right_logical3A_930 = vector.broadcast %shift_right_logical3A_929 : i32 to vector<8x1024xi32>
      %shift_right_logical3A_931 = arith.shrui %xor3A_924, %shift_right_logical3A_930 : vector<8x1024xi32>
      %or3A_932 = arith.ori %shift_left3A_928, %shift_right_logical3A_931 : vector<8x1024xi32>
      %xor3A_933 = arith.xori %add3A_925, %or3A_932 : vector<8x1024xi32>
      %add3A_934 = arith.constant 466689008 : i32
      %add3A_935 = vector.broadcast %add3A_934 : i32 to vector<8x1024xi32>
      %add3A_936 = arith.addi %add3A_925, %add3A_935 : vector<8x1024xi32>
      %add3A_937 = arith.constant 2 : i32
      %add3A_938 = vector.broadcast %add3A_937 : i32 to vector<8x1024xi32>
      %add3A_939 = arith.addi %xor3A_933, %add3A_938 : vector<8x1024xi32>
      %add3A_940 = arith.addi %add3A_936, %add3A_939 : vector<8x1024xi32>
      %shift_left3A_941 = arith.constant 13 : i32
      %shift_left3A_942 = vector.broadcast %shift_left3A_941 : i32 to vector<8x1024xi32>
      %shift_left3A_943 = arith.shli %add3A_939, %shift_left3A_942 : vector<8x1024xi32>
      %shift_right_logical3A_944 = arith.constant 19 : i32
      %shift_right_logical3A_945 = vector.broadcast %shift_right_logical3A_944 : i32 to vector<8x1024xi32>
      %shift_right_logical3A_946 = arith.shrui %add3A_939, %shift_right_logical3A_945 : vector<8x1024xi32>
      %or3A_947 = arith.ori %shift_left3A_943, %shift_right_logical3A_946 : vector<8x1024xi32>
      %xor3A_948 = arith.xori %add3A_940, %or3A_947 : vector<8x1024xi32>
      %add3A_949 = arith.addi %add3A_940, %xor3A_948 : vector<8x1024xi32>
      %shift_left3A_950 = arith.constant 15 : i32
      %shift_left3A_951 = vector.broadcast %shift_left3A_950 : i32 to vector<8x1024xi32>
      %shift_left3A_952 = arith.shli %xor3A_948, %shift_left3A_951 : vector<8x1024xi32>
      %shift_right_logical3A_953 = arith.constant 17 : i32
      %shift_right_logical3A_954 = vector.broadcast %shift_right_logical3A_953 : i32 to vector<8x1024xi32>
      %shift_right_logical3A_955 = arith.shrui %xor3A_948, %shift_right_logical3A_954 : vector<8x1024xi32>
      %or3A_956 = arith.ori %shift_left3A_952, %shift_right_logical3A_955 : vector<8x1024xi32>
      %xor3A_957 = arith.xori %add3A_949, %or3A_956 : vector<8x1024xi32>
      %add3A_958 = arith.addi %add3A_949, %xor3A_957 : vector<8x1024xi32>
      %shift_left3A_959 = arith.constant 26 : i32
      %shift_left3A_960 = vector.broadcast %shift_left3A_959 : i32 to vector<8x1024xi32>
      %shift_left3A_961 = arith.shli %xor3A_957, %shift_left3A_960 : vector<8x1024xi32>
      %shift_right_logical3A_962 = arith.constant 6 : i32
      %shift_right_logical3A_963 = vector.broadcast %shift_right_logical3A_962 : i32 to vector<8x1024xi32>
      %shift_right_logical3A_964 = arith.shrui %xor3A_957, %shift_right_logical3A_963 : vector<8x1024xi32>
      %or3A_965 = arith.ori %shift_left3A_961, %shift_right_logical3A_964 : vector<8x1024xi32>
      %xor3A_966 = arith.xori %add3A_958, %or3A_965 : vector<8x1024xi32>
      %add3A_967 = arith.addi %add3A_958, %xor3A_966 : vector<8x1024xi32>
      %shift_left3A_968 = arith.constant 6 : i32
      %shift_left3A_969 = vector.broadcast %shift_left3A_968 : i32 to vector<8x1024xi32>
      %shift_left3A_970 = arith.shli %xor3A_966, %shift_left3A_969 : vector<8x1024xi32>
      %shift_right_logical3A_971 = arith.constant 26 : i32
      %shift_right_logical3A_972 = vector.broadcast %shift_right_logical3A_971 : i32 to vector<8x1024xi32>
      %shift_right_logical3A_973 = arith.shrui %xor3A_966, %shift_right_logical3A_972 : vector<8x1024xi32>
      %or3A_974 = arith.ori %shift_left3A_970, %shift_right_logical3A_973 : vector<8x1024xi32>
      %xor3A_975 = arith.xori %add3A_967, %or3A_974 : vector<8x1024xi32>
      %add3A_976 = arith.constant 0 : i32
      %add3A_977 = vector.broadcast %add3A_976 : i32 to vector<8x1024xi32>
      %add3A_978 = arith.addi %add3A_967, %add3A_977 : vector<8x1024xi32>
      %add3A_979 = arith.constant 45 : i32
      %add3A_980 = vector.broadcast %add3A_979 : i32 to vector<8x1024xi32>
      %add3A_981 = arith.addi %xor3A_975, %add3A_980 : vector<8x1024xi32>
      %add3A_982 = arith.addi %add3A_978, %add3A_981 : vector<8x1024xi32>
      %shift_left3A_983 = arith.constant 17 : i32
      %shift_left3A_984 = vector.broadcast %shift_left3A_983 : i32 to vector<8x1024xi32>
      %shift_left3A_985 = arith.shli %add3A_981, %shift_left3A_984 : vector<8x1024xi32>
      %shift_right_logical3A_986 = arith.constant 15 : i32
      %shift_right_logical3A_987 = vector.broadcast %shift_right_logical3A_986 : i32 to vector<8x1024xi32>
      %shift_right_logical3A_988 = arith.shrui %add3A_981, %shift_right_logical3A_987 : vector<8x1024xi32>
      %or3A_989 = arith.ori %shift_left3A_985, %shift_right_logical3A_988 : vector<8x1024xi32>
      %xor3A_990 = arith.xori %add3A_982, %or3A_989 : vector<8x1024xi32>
      %add3A_991 = arith.addi %add3A_982, %xor3A_990 : vector<8x1024xi32>
      %shift_left3A_992 = arith.constant 29 : i32
      %shift_left3A_993 = vector.broadcast %shift_left3A_992 : i32 to vector<8x1024xi32>
      %shift_left3A_994 = arith.shli %xor3A_990, %shift_left3A_993 : vector<8x1024xi32>
      %shift_right_logical3A_995 = arith.constant 3 : i32
      %shift_right_logical3A_996 = vector.broadcast %shift_right_logical3A_995 : i32 to vector<8x1024xi32>
      %shift_right_logical3A_997 = arith.shrui %xor3A_990, %shift_right_logical3A_996 : vector<8x1024xi32>
      %or3A_998 = arith.ori %shift_left3A_994, %shift_right_logical3A_997 : vector<8x1024xi32>
      %xor3A_999 = arith.xori %add3A_991, %or3A_998 : vector<8x1024xi32>
      %add3A_1000 = arith.addi %add3A_991, %xor3A_999 : vector<8x1024xi32>
      %shift_left3A_1001 = arith.constant 16 : i32
      %shift_left3A_1002 = vector.broadcast %shift_left3A_1001 : i32 to vector<8x1024xi32>
      %shift_left3A_1003 = arith.shli %xor3A_999, %shift_left3A_1002 : vector<8x1024xi32>
      %shift_right_logical3A_1004 = arith.constant 16 : i32
      %shift_right_logical3A_1005 = vector.broadcast %shift_right_logical3A_1004 : i32 to vector<8x1024xi32>
      %shift_right_logical3A_1006 = arith.shrui %xor3A_999, %shift_right_logical3A_1005 : vector<8x1024xi32>
      %or3A_1007 = arith.ori %shift_left3A_1003, %shift_right_logical3A_1006 : vector<8x1024xi32>
      %xor3A_1008 = arith.xori %add3A_1000, %or3A_1007 : vector<8x1024xi32>
      %add3A_1009 = arith.addi %add3A_1000, %xor3A_1008 : vector<8x1024xi32>
      %shift_left3A_1010 = arith.constant 24 : i32
      %shift_left3A_1011 = vector.broadcast %shift_left3A_1010 : i32 to vector<8x1024xi32>
      %shift_left3A_1012 = arith.shli %xor3A_1008, %shift_left3A_1011 : vector<8x1024xi32>
      %shift_right_logical3A_1013 = arith.constant 8 : i32
      %shift_right_logical3A_1014 = vector.broadcast %shift_right_logical3A_1013 : i32 to vector<8x1024xi32>
      %shift_right_logical3A_1015 = arith.shrui %xor3A_1008, %shift_right_logical3A_1014 : vector<8x1024xi32>
      %or3A_1016 = arith.ori %shift_left3A_1012, %shift_right_logical3A_1015 : vector<8x1024xi32>
      %xor3A_1017 = arith.xori %add3A_1009, %or3A_1016 : vector<8x1024xi32>
      %add3A_1018 = arith.constant 42 : i32
      %add3A_1019 = vector.broadcast %add3A_1018 : i32 to vector<8x1024xi32>
      %add3A_1020 = arith.addi %add3A_1009, %add3A_1019 : vector<8x1024xi32>
      %add3A_1021 = arith.constant 466689012 : i32
      %add3A_1022 = vector.broadcast %add3A_1021 : i32 to vector<8x1024xi32>
      %add3A_1023 = arith.addi %xor3A_1017, %add3A_1022 : vector<8x1024xi32>
      %add3A_1024 = arith.addi %add3A_1020, %add3A_1023 : vector<8x1024xi32>
      %shift_left3A_1025 = arith.constant 13 : i32
      %shift_left3A_1026 = vector.broadcast %shift_left3A_1025 : i32 to vector<8x1024xi32>
      %shift_left3A_1027 = arith.shli %add3A_1023, %shift_left3A_1026 : vector<8x1024xi32>
      %shift_right_logical3A_1028 = arith.constant 19 : i32
      %shift_right_logical3A_1029 = vector.broadcast %shift_right_logical3A_1028 : i32 to vector<8x1024xi32>
      %shift_right_logical3A_1030 = arith.shrui %add3A_1023, %shift_right_logical3A_1029 : vector<8x1024xi32>
      %or3A_1031 = arith.ori %shift_left3A_1027, %shift_right_logical3A_1030 : vector<8x1024xi32>
      %xor3A_1032 = arith.xori %add3A_1024, %or3A_1031 : vector<8x1024xi32>
      %add3A_1033 = arith.addi %add3A_1024, %xor3A_1032 : vector<8x1024xi32>
      %shift_left3A_1034 = arith.constant 15 : i32
      %shift_left3A_1035 = vector.broadcast %shift_left3A_1034 : i32 to vector<8x1024xi32>
      %shift_left3A_1036 = arith.shli %xor3A_1032, %shift_left3A_1035 : vector<8x1024xi32>
      %shift_right_logical3A_1037 = arith.constant 17 : i32
      %shift_right_logical3A_1038 = vector.broadcast %shift_right_logical3A_1037 : i32 to vector<8x1024xi32>
      %shift_right_logical3A_1039 = arith.shrui %xor3A_1032, %shift_right_logical3A_1038 : vector<8x1024xi32>
      %or3A_1040 = arith.ori %shift_left3A_1036, %shift_right_logical3A_1039 : vector<8x1024xi32>
      %xor3A_1041 = arith.xori %add3A_1033, %or3A_1040 : vector<8x1024xi32>
      %add3A_1042 = arith.addi %add3A_1033, %xor3A_1041 : vector<8x1024xi32>
      %shift_left3A_1043 = arith.constant 26 : i32
      %shift_left3A_1044 = vector.broadcast %shift_left3A_1043 : i32 to vector<8x1024xi32>
      %shift_left3A_1045 = arith.shli %xor3A_1041, %shift_left3A_1044 : vector<8x1024xi32>
      %shift_right_logical3A_1046 = arith.constant 6 : i32
      %shift_right_logical3A_1047 = vector.broadcast %shift_right_logical3A_1046 : i32 to vector<8x1024xi32>
      %shift_right_logical3A_1048 = arith.shrui %xor3A_1041, %shift_right_logical3A_1047 : vector<8x1024xi32>
      %or3A_1049 = arith.ori %shift_left3A_1045, %shift_right_logical3A_1048 : vector<8x1024xi32>
      %xor3A_1050 = arith.xori %add3A_1042, %or3A_1049 : vector<8x1024xi32>
      %add3A_1051 = arith.addi %add3A_1042, %xor3A_1050 : vector<8x1024xi32>
      %shift_left3A_1052 = arith.constant 6 : i32
      %shift_left3A_1053 = vector.broadcast %shift_left3A_1052 : i32 to vector<8x1024xi32>
      %shift_left3A_1054 = arith.shli %xor3A_1050, %shift_left3A_1053 : vector<8x1024xi32>
      %shift_right_logical3A_1055 = arith.constant 26 : i32
      %shift_right_logical3A_1056 = vector.broadcast %shift_right_logical3A_1055 : i32 to vector<8x1024xi32>
      %shift_right_logical3A_1057 = arith.shrui %xor3A_1050, %shift_right_logical3A_1056 : vector<8x1024xi32>
      %or3A_1058 = arith.ori %shift_left3A_1054, %shift_right_logical3A_1057 : vector<8x1024xi32>
      %xor3A_1059 = arith.xori %add3A_1051, %or3A_1058 : vector<8x1024xi32>
      %add3A_1060 = arith.constant 466689008 : i32
      %add3A_1061 = vector.broadcast %add3A_1060 : i32 to vector<8x1024xi32>
      %add3A_1062 = arith.addi %add3A_1051, %add3A_1061 : vector<8x1024xi32>
      %add3A_1063 = arith.constant 5 : i32
      %add3A_1064 = vector.broadcast %add3A_1063 : i32 to vector<8x1024xi32>
      %add3A_1065 = arith.addi %xor3A_1059, %add3A_1064 : vector<8x1024xi32>
      %xor3A_1066 = arith.xori %add3A_1062, %add3A_1065 : vector<8x1024xi32>
      %shift_right_logical3A_1067 = arith.constant 9 : i32
      %shift_right_logical3A_1068 = vector.broadcast %shift_right_logical3A_1067 : i32 to vector<8x1024xi32>
      %shift_right_logical3A_1069 = arith.shrui %xor3A_1066, %shift_right_logical3A_1068 : vector<8x1024xi32>
      %or3A_1070 = arith.constant 1065353216 : i32
      %or3A_1071 = vector.broadcast %or3A_1070 : i32 to vector<8x1024xi32>
      %or3A_1072 = arith.ori %shift_right_logical3A_1069, %or3A_1071 : vector<8x1024xi32>
      %bitcast_convert_type3A_1073 = tpu.bitcast %or3A_1072 : vector<8x1024xi32> -> vector<8x1024xf32>
      %sub3A_1074 = arith.constant 1.000000e+00 : f32
      %sub3A_1075 = vector.broadcast %sub3A_1074 : f32 to vector<8x1024xf32>
      %sub3A_1076 = arith.subf %bitcast_convert_type3A_1073, %sub3A_1075 : vector<8x1024xf32>
      %add3A_1077 = arith.constant 1.17549435E-38 : f32
      %add3A_1078 = vector.broadcast %add3A_1077 : f32 to vector<8x1024xf32>
      %add3A_1079 = arith.addf %sub3A_1076, %add3A_1078 : vector<8x1024xf32>
      %max3A_1080 = arith.constant 1.17549435E-38 : f32
      %max3A_1081 = vector.broadcast %max3A_1080 : f32 to vector<8x1024xf32>
      %max3A_1082 = arith.maximumf %max3A_1081, %add3A_1079 : vector<8x1024xf32>
      %log3A_1083 = math.log %max3A_1082 : vector<8x1024xf32>
      %neg3A_1084 = arith.constant 0.000000e+00 : f32
      %neg3A_1085 = vector.broadcast %neg3A_1084 : f32 to vector<8x1024xf32>
      %neg3A_1086 = arith.subf %neg3A_1085, %log3A_1083 : vector<8x1024xf32>
      %log3A_1087 = math.log %neg3A_1086 : vector<8x1024xf32>
      %sub3A_1088 = arith.subf %get3A_843, %log3A_1087 : vector<8x1024xf32>
      %gt3A_1089 = arith.cmpf ogt, %sub3A_1088, %scan3A_836 : vector<8x1024xf32>
      %select_n3A_1090 = arith.select %gt3A_1089, %sub3A_1088, %scan3A_836 : vector<8x1024xi1>, vector<8x1024xf32>
      %select_n3A_1091 = arith.select %gt3A_1089, %add3A_847, %scan3A_837 : vector<8x1024xi1>, vector<8x1024xi32>
      %scan3A_1092 = arith.constant 1 : i32
      %scan3A_1093 = arith.addi %scan3A_835, %scan3A_1092 : i32
      %mul3A_1094 = arith.constant 1024 : i32
      %mul3A_1095 = arith.muli %scan3A_1093, %mul3A_1094 : i32
      %multiple_of3A_1096 = tpu.assume_multiple %mul3A_1095, 1024 : i32
      %get3A_1097 = arith.constant 0 : index
      %get3A_1098 = arith.index_cast %multiple_of3A_1096 : i32 to index
      %get3A_1099 = vector.load %arg1[%get3A_1097, %get3A_1098] : memref<8x100000xf32, #tpu.memory_space<vmem>>, vector<8x1024xf32>
      %mul3A_1100 = arith.constant 1024 : i32
      %mul3A_1101 = arith.muli %scan3A_1093, %mul3A_1100 : i32
      %add3A_1102 = vector.broadcast %mul3A_1101 : i32 to vector<8x1024xi32>
      %add3A_1103 = arith.addi %add3A_6, %add3A_1102 : vector<8x1024xi32>
      %broadcast_in_dim3A_1104 = arith.constant 0 : i32
      %broadcast_in_dim3A_1105 = vector.broadcast %broadcast_in_dim3A_1104 : i32 to vector<8x1024xi32>
      %add3A_1106 = arith.constant 0 : i32
      %add3A_1107 = vector.broadcast %add3A_1106 : i32 to vector<8x1024xi32>
      %add3A_1108 = arith.addi %broadcast_in_dim3A_1105, %add3A_1107 : vector<8x1024xi32>
      %add3A_1109 = arith.constant 42 : i32
      %add3A_1110 = vector.broadcast %add3A_1109 : i32 to vector<8x1024xi32>
      %add3A_1111 = arith.addi %add3A_1103, %add3A_1110 : vector<8x1024xi32>
      %add3A_1112 = arith.addi %add3A_1108, %add3A_1111 : vector<8x1024xi32>
      %shift_left3A_1113 = arith.constant 13 : i32
      %shift_left3A_1114 = vector.broadcast %shift_left3A_1113 : i32 to vector<8x1024xi32>
      %shift_left3A_1115 = arith.shli %add3A_1111, %shift_left3A_1114 : vector<8x1024xi32>
      %shift_right_logical3A_1116 = arith.constant 19 : i32
      %shift_right_logical3A_1117 = vector.broadcast %shift_right_logical3A_1116 : i32 to vector<8x1024xi32>
      %shift_right_logical3A_1118 = arith.shrui %add3A_1111, %shift_right_logical3A_1117 : vector<8x1024xi32>
      %or3A_1119 = arith.ori %shift_left3A_1115, %shift_right_logical3A_1118 : vector<8x1024xi32>
      %xor3A_1120 = arith.xori %add3A_1112, %or3A_1119 : vector<8x1024xi32>
      %add3A_1121 = arith.addi %add3A_1112, %xor3A_1120 : vector<8x1024xi32>
      %shift_left3A_1122 = arith.constant 15 : i32
      %shift_left3A_1123 = vector.broadcast %shift_left3A_1122 : i32 to vector<8x1024xi32>
      %shift_left3A_1124 = arith.shli %xor3A_1120, %shift_left3A_1123 : vector<8x1024xi32>
      %shift_right_logical3A_1125 = arith.constant 17 : i32
      %shift_right_logical3A_1126 = vector.broadcast %shift_right_logical3A_1125 : i32 to vector<8x1024xi32>
      %shift_right_logical3A_1127 = arith.shrui %xor3A_1120, %shift_right_logical3A_1126 : vector<8x1024xi32>
      %or3A_1128 = arith.ori %shift_left3A_1124, %shift_right_logical3A_1127 : vector<8x1024xi32>
      %xor3A_1129 = arith.xori %add3A_1121, %or3A_1128 : vector<8x1024xi32>
      %add3A_1130 = arith.addi %add3A_1121, %xor3A_1129 : vector<8x1024xi32>
      %shift_left3A_1131 = arith.constant 26 : i32
      %shift_left3A_1132 = vector.broadcast %shift_left3A_1131 : i32 to vector<8x1024xi32>
      %shift_left3A_1133 = arith.shli %xor3A_1129, %shift_left3A_1132 : vector<8x1024xi32>
      %shift_right_logical3A_1134 = arith.constant 6 : i32
      %shift_right_logical3A_1135 = vector.broadcast %shift_right_logical3A_1134 : i32 to vector<8x1024xi32>
      %shift_right_logical3A_1136 = arith.shrui %xor3A_1129, %shift_right_logical3A_1135 : vector<8x1024xi32>
      %or3A_1137 = arith.ori %shift_left3A_1133, %shift_right_logical3A_1136 : vector<8x1024xi32>
      %xor3A_1138 = arith.xori %add3A_1130, %or3A_1137 : vector<8x1024xi32>
      %add3A_1139 = arith.addi %add3A_1130, %xor3A_1138 : vector<8x1024xi32>
      %shift_left3A_1140 = arith.constant 6 : i32
      %shift_left3A_1141 = vector.broadcast %shift_left3A_1140 : i32 to vector<8x1024xi32>
      %shift_left3A_1142 = arith.shli %xor3A_1138, %shift_left3A_1141 : vector<8x1024xi32>
      %shift_right_logical3A_1143 = arith.constant 26 : i32
      %shift_right_logical3A_1144 = vector.broadcast %shift_right_logical3A_1143 : i32 to vector<8x1024xi32>
      %shift_right_logical3A_1145 = arith.shrui %xor3A_1138, %shift_right_logical3A_1144 : vector<8x1024xi32>
      %or3A_1146 = arith.ori %shift_left3A_1142, %shift_right_logical3A_1145 : vector<8x1024xi32>
      %xor3A_1147 = arith.xori %add3A_1139, %or3A_1146 : vector<8x1024xi32>
      %add3A_1148 = arith.constant 42 : i32
      %add3A_1149 = vector.broadcast %add3A_1148 : i32 to vector<8x1024xi32>
      %add3A_1150 = arith.addi %add3A_1139, %add3A_1149 : vector<8x1024xi32>
      %add3A_1151 = arith.constant 466689009 : i32
      %add3A_1152 = vector.broadcast %add3A_1151 : i32 to vector<8x1024xi32>
      %add3A_1153 = arith.addi %xor3A_1147, %add3A_1152 : vector<8x1024xi32>
      %add3A_1154 = arith.addi %add3A_1150, %add3A_1153 : vector<8x1024xi32>
      %shift_left3A_1155 = arith.constant 17 : i32
      %shift_left3A_1156 = vector.broadcast %shift_left3A_1155 : i32 to vector<8x1024xi32>
      %shift_left3A_1157 = arith.shli %add3A_1153, %shift_left3A_1156 : vector<8x1024xi32>
      %shift_right_logical3A_1158 = arith.constant 15 : i32
      %shift_right_logical3A_1159 = vector.broadcast %shift_right_logical3A_1158 : i32 to vector<8x1024xi32>
      %shift_right_logical3A_1160 = arith.shrui %add3A_1153, %shift_right_logical3A_1159 : vector<8x1024xi32>
      %or3A_1161 = arith.ori %shift_left3A_1157, %shift_right_logical3A_1160 : vector<8x1024xi32>
      %xor3A_1162 = arith.xori %add3A_1154, %or3A_1161 : vector<8x1024xi32>
      %add3A_1163 = arith.addi %add3A_1154, %xor3A_1162 : vector<8x1024xi32>
      %shift_left3A_1164 = arith.constant 29 : i32
      %shift_left3A_1165 = vector.broadcast %shift_left3A_1164 : i32 to vector<8x1024xi32>
      %shift_left3A_1166 = arith.shli %xor3A_1162, %shift_left3A_1165 : vector<8x1024xi32>
      %shift_right_logical3A_1167 = arith.constant 3 : i32
      %shift_right_logical3A_1168 = vector.broadcast %shift_right_logical3A_1167 : i32 to vector<8x1024xi32>
      %shift_right_logical3A_1169 = arith.shrui %xor3A_1162, %shift_right_logical3A_1168 : vector<8x1024xi32>
      %or3A_1170 = arith.ori %shift_left3A_1166, %shift_right_logical3A_1169 : vector<8x1024xi32>
      %xor3A_1171 = arith.xori %add3A_1163, %or3A_1170 : vector<8x1024xi32>
      %add3A_1172 = arith.addi %add3A_1163, %xor3A_1171 : vector<8x1024xi32>
      %shift_left3A_1173 = arith.constant 16 : i32
      %shift_left3A_1174 = vector.broadcast %shift_left3A_1173 : i32 to vector<8x1024xi32>
      %shift_left3A_1175 = arith.shli %xor3A_1171, %shift_left3A_1174 : vector<8x1024xi32>
      %shift_right_logical3A_1176 = arith.constant 16 : i32
      %shift_right_logical3A_1177 = vector.broadcast %shift_right_logical3A_1176 : i32 to vector<8x1024xi32>
      %shift_right_logical3A_1178 = arith.shrui %xor3A_1171, %shift_right_logical3A_1177 : vector<8x1024xi32>
      %or3A_1179 = arith.ori %shift_left3A_1175, %shift_right_logical3A_1178 : vector<8x1024xi32>
      %xor3A_1180 = arith.xori %add3A_1172, %or3A_1179 : vector<8x1024xi32>
      %add3A_1181 = arith.addi %add3A_1172, %xor3A_1180 : vector<8x1024xi32>
      %shift_left3A_1182 = arith.constant 24 : i32
      %shift_left3A_1183 = vector.broadcast %shift_left3A_1182 : i32 to vector<8x1024xi32>
      %shift_left3A_1184 = arith.shli %xor3A_1180, %shift_left3A_1183 : vector<8x1024xi32>
      %shift_right_logical3A_1185 = arith.constant 8 : i32
      %shift_right_logical3A_1186 = vector.broadcast %shift_right_logical3A_1185 : i32 to vector<8x1024xi32>
      %shift_right_logical3A_1187 = arith.shrui %xor3A_1180, %shift_right_logical3A_1186 : vector<8x1024xi32>
      %or3A_1188 = arith.ori %shift_left3A_1184, %shift_right_logical3A_1187 : vector<8x1024xi32>
      %xor3A_1189 = arith.xori %add3A_1181, %or3A_1188 : vector<8x1024xi32>
      %add3A_1190 = arith.constant 466689008 : i32
      %add3A_1191 = vector.broadcast %add3A_1190 : i32 to vector<8x1024xi32>
      %add3A_1192 = arith.addi %add3A_1181, %add3A_1191 : vector<8x1024xi32>
      %add3A_1193 = arith.constant 2 : i32
      %add3A_1194 = vector.broadcast %add3A_1193 : i32 to vector<8x1024xi32>
      %add3A_1195 = arith.addi %xor3A_1189, %add3A_1194 : vector<8x1024xi32>
      %add3A_1196 = arith.addi %add3A_1192, %add3A_1195 : vector<8x1024xi32>
      %shift_left3A_1197 = arith.constant 13 : i32
      %shift_left3A_1198 = vector.broadcast %shift_left3A_1197 : i32 to vector<8x1024xi32>
      %shift_left3A_1199 = arith.shli %add3A_1195, %shift_left3A_1198 : vector<8x1024xi32>
      %shift_right_logical3A_1200 = arith.constant 19 : i32
      %shift_right_logical3A_1201 = vector.broadcast %shift_right_logical3A_1200 : i32 to vector<8x1024xi32>
      %shift_right_logical3A_1202 = arith.shrui %add3A_1195, %shift_right_logical3A_1201 : vector<8x1024xi32>
      %or3A_1203 = arith.ori %shift_left3A_1199, %shift_right_logical3A_1202 : vector<8x1024xi32>
      %xor3A_1204 = arith.xori %add3A_1196, %or3A_1203 : vector<8x1024xi32>
      %add3A_1205 = arith.addi %add3A_1196, %xor3A_1204 : vector<8x1024xi32>
      %shift_left3A_1206 = arith.constant 15 : i32
      %shift_left3A_1207 = vector.broadcast %shift_left3A_1206 : i32 to vector<8x1024xi32>
      %shift_left3A_1208 = arith.shli %xor3A_1204, %shift_left3A_1207 : vector<8x1024xi32>
      %shift_right_logical3A_1209 = arith.constant 17 : i32
      %shift_right_logical3A_1210 = vector.broadcast %shift_right_logical3A_1209 : i32 to vector<8x1024xi32>
      %shift_right_logical3A_1211 = arith.shrui %xor3A_1204, %shift_right_logical3A_1210 : vector<8x1024xi32>
      %or3A_1212 = arith.ori %shift_left3A_1208, %shift_right_logical3A_1211 : vector<8x1024xi32>
      %xor3A_1213 = arith.xori %add3A_1205, %or3A_1212 : vector<8x1024xi32>
      %add3A_1214 = arith.addi %add3A_1205, %xor3A_1213 : vector<8x1024xi32>
      %shift_left3A_1215 = arith.constant 26 : i32
      %shift_left3A_1216 = vector.broadcast %shift_left3A_1215 : i32 to vector<8x1024xi32>
      %shift_left3A_1217 = arith.shli %xor3A_1213, %shift_left3A_1216 : vector<8x1024xi32>
      %shift_right_logical3A_1218 = arith.constant 6 : i32
      %shift_right_logical3A_1219 = vector.broadcast %shift_right_logical3A_1218 : i32 to vector<8x1024xi32>
      %shift_right_logical3A_1220 = arith.shrui %xor3A_1213, %shift_right_logical3A_1219 : vector<8x1024xi32>
      %or3A_1221 = arith.ori %shift_left3A_1217, %shift_right_logical3A_1220 : vector<8x1024xi32>
      %xor3A_1222 = arith.xori %add3A_1214, %or3A_1221 : vector<8x1024xi32>
      %add3A_1223 = arith.addi %add3A_1214, %xor3A_1222 : vector<8x1024xi32>
      %shift_left3A_1224 = arith.constant 6 : i32
      %shift_left3A_1225 = vector.broadcast %shift_left3A_1224 : i32 to vector<8x1024xi32>
      %shift_left3A_1226 = arith.shli %xor3A_1222, %shift_left3A_1225 : vector<8x1024xi32>
      %shift_right_logical3A_1227 = arith.constant 26 : i32
      %shift_right_logical3A_1228 = vector.broadcast %shift_right_logical3A_1227 : i32 to vector<8x1024xi32>
      %shift_right_logical3A_1229 = arith.shrui %xor3A_1222, %shift_right_logical3A_1228 : vector<8x1024xi32>
      %or3A_1230 = arith.ori %shift_left3A_1226, %shift_right_logical3A_1229 : vector<8x1024xi32>
      %xor3A_1231 = arith.xori %add3A_1223, %or3A_1230 : vector<8x1024xi32>
      %add3A_1232 = arith.constant 0 : i32
      %add3A_1233 = vector.broadcast %add3A_1232 : i32 to vector<8x1024xi32>
      %add3A_1234 = arith.addi %add3A_1223, %add3A_1233 : vector<8x1024xi32>
      %add3A_1235 = arith.constant 45 : i32
      %add3A_1236 = vector.broadcast %add3A_1235 : i32 to vector<8x1024xi32>
      %add3A_1237 = arith.addi %xor3A_1231, %add3A_1236 : vector<8x1024xi32>
      %add3A_1238 = arith.addi %add3A_1234, %add3A_1237 : vector<8x1024xi32>
      %shift_left3A_1239 = arith.constant 17 : i32
      %shift_left3A_1240 = vector.broadcast %shift_left3A_1239 : i32 to vector<8x1024xi32>
      %shift_left3A_1241 = arith.shli %add3A_1237, %shift_left3A_1240 : vector<8x1024xi32>
      %shift_right_logical3A_1242 = arith.constant 15 : i32
      %shift_right_logical3A_1243 = vector.broadcast %shift_right_logical3A_1242 : i32 to vector<8x1024xi32>
      %shift_right_logical3A_1244 = arith.shrui %add3A_1237, %shift_right_logical3A_1243 : vector<8x1024xi32>
      %or3A_1245 = arith.ori %shift_left3A_1241, %shift_right_logical3A_1244 : vector<8x1024xi32>
      %xor3A_1246 = arith.xori %add3A_1238, %or3A_1245 : vector<8x1024xi32>
      %add3A_1247 = arith.addi %add3A_1238, %xor3A_1246 : vector<8x1024xi32>
      %shift_left3A_1248 = arith.constant 29 : i32
      %shift_left3A_1249 = vector.broadcast %shift_left3A_1248 : i32 to vector<8x1024xi32>
      %shift_left3A_1250 = arith.shli %xor3A_1246, %shift_left3A_1249 : vector<8x1024xi32>
      %shift_right_logical3A_1251 = arith.constant 3 : i32
      %shift_right_logical3A_1252 = vector.broadcast %shift_right_logical3A_1251 : i32 to vector<8x1024xi32>
      %shift_right_logical3A_1253 = arith.shrui %xor3A_1246, %shift_right_logical3A_1252 : vector<8x1024xi32>
      %or3A_1254 = arith.ori %shift_left3A_1250, %shift_right_logical3A_1253 : vector<8x1024xi32>
      %xor3A_1255 = arith.xori %add3A_1247, %or3A_1254 : vector<8x1024xi32>
      %add3A_1256 = arith.addi %add3A_1247, %xor3A_1255 : vector<8x1024xi32>
      %shift_left3A_1257 = arith.constant 16 : i32
      %shift_left3A_1258 = vector.broadcast %shift_left3A_1257 : i32 to vector<8x1024xi32>
      %shift_left3A_1259 = arith.shli %xor3A_1255, %shift_left3A_1258 : vector<8x1024xi32>
      %shift_right_logical3A_1260 = arith.constant 16 : i32
      %shift_right_logical3A_1261 = vector.broadcast %shift_right_logical3A_1260 : i32 to vector<8x1024xi32>
      %shift_right_logical3A_1262 = arith.shrui %xor3A_1255, %shift_right_logical3A_1261 : vector<8x1024xi32>
      %or3A_1263 = arith.ori %shift_left3A_1259, %shift_right_logical3A_1262 : vector<8x1024xi32>
      %xor3A_1264 = arith.xori %add3A_1256, %or3A_1263 : vector<8x1024xi32>
      %add3A_1265 = arith.addi %add3A_1256, %xor3A_1264 : vector<8x1024xi32>
      %shift_left3A_1266 = arith.constant 24 : i32
      %shift_left3A_1267 = vector.broadcast %shift_left3A_1266 : i32 to vector<8x1024xi32>
      %shift_left3A_1268 = arith.shli %xor3A_1264, %shift_left3A_1267 : vector<8x1024xi32>
      %shift_right_logical3A_1269 = arith.constant 8 : i32
      %shift_right_logical3A_1270 = vector.broadcast %shift_right_logical3A_1269 : i32 to vector<8x1024xi32>
      %shift_right_logical3A_1271 = arith.shrui %xor3A_1264, %shift_right_logical3A_1270 : vector<8x1024xi32>
      %or3A_1272 = arith.ori %shift_left3A_1268, %shift_right_logical3A_1271 : vector<8x1024xi32>
      %xor3A_1273 = arith.xori %add3A_1265, %or3A_1272 : vector<8x1024xi32>
      %add3A_1274 = arith.constant 42 : i32
      %add3A_1275 = vector.broadcast %add3A_1274 : i32 to vector<8x1024xi32>
      %add3A_1276 = arith.addi %add3A_1265, %add3A_1275 : vector<8x1024xi32>
      %add3A_1277 = arith.constant 466689012 : i32
      %add3A_1278 = vector.broadcast %add3A_1277 : i32 to vector<8x1024xi32>
      %add3A_1279 = arith.addi %xor3A_1273, %add3A_1278 : vector<8x1024xi32>
      %add3A_1280 = arith.addi %add3A_1276, %add3A_1279 : vector<8x1024xi32>
      %shift_left3A_1281 = arith.constant 13 : i32
      %shift_left3A_1282 = vector.broadcast %shift_left3A_1281 : i32 to vector<8x1024xi32>
      %shift_left3A_1283 = arith.shli %add3A_1279, %shift_left3A_1282 : vector<8x1024xi32>
      %shift_right_logical3A_1284 = arith.constant 19 : i32
      %shift_right_logical3A_1285 = vector.broadcast %shift_right_logical3A_1284 : i32 to vector<8x1024xi32>
      %shift_right_logical3A_1286 = arith.shrui %add3A_1279, %shift_right_logical3A_1285 : vector<8x1024xi32>
      %or3A_1287 = arith.ori %shift_left3A_1283, %shift_right_logical3A_1286 : vector<8x1024xi32>
      %xor3A_1288 = arith.xori %add3A_1280, %or3A_1287 : vector<8x1024xi32>
      %add3A_1289 = arith.addi %add3A_1280, %xor3A_1288 : vector<8x1024xi32>
      %shift_left3A_1290 = arith.constant 15 : i32
      %shift_left3A_1291 = vector.broadcast %shift_left3A_1290 : i32 to vector<8x1024xi32>
      %shift_left3A_1292 = arith.shli %xor3A_1288, %shift_left3A_1291 : vector<8x1024xi32>
      %shift_right_logical3A_1293 = arith.constant 17 : i32
      %shift_right_logical3A_1294 = vector.broadcast %shift_right_logical3A_1293 : i32 to vector<8x1024xi32>
      %shift_right_logical3A_1295 = arith.shrui %xor3A_1288, %shift_right_logical3A_1294 : vector<8x1024xi32>
      %or3A_1296 = arith.ori %shift_left3A_1292, %shift_right_logical3A_1295 : vector<8x1024xi32>
      %xor3A_1297 = arith.xori %add3A_1289, %or3A_1296 : vector<8x1024xi32>
      %add3A_1298 = arith.addi %add3A_1289, %xor3A_1297 : vector<8x1024xi32>
      %shift_left3A_1299 = arith.constant 26 : i32
      %shift_left3A_1300 = vector.broadcast %shift_left3A_1299 : i32 to vector<8x1024xi32>
      %shift_left3A_1301 = arith.shli %xor3A_1297, %shift_left3A_1300 : vector<8x1024xi32>
      %shift_right_logical3A_1302 = arith.constant 6 : i32
      %shift_right_logical3A_1303 = vector.broadcast %shift_right_logical3A_1302 : i32 to vector<8x1024xi32>
      %shift_right_logical3A_1304 = arith.shrui %xor3A_1297, %shift_right_logical3A_1303 : vector<8x1024xi32>
      %or3A_1305 = arith.ori %shift_left3A_1301, %shift_right_logical3A_1304 : vector<8x1024xi32>
      %xor3A_1306 = arith.xori %add3A_1298, %or3A_1305 : vector<8x1024xi32>
      %add3A_1307 = arith.addi %add3A_1298, %xor3A_1306 : vector<8x1024xi32>
      %shift_left3A_1308 = arith.constant 6 : i32
      %shift_left3A_1309 = vector.broadcast %shift_left3A_1308 : i32 to vector<8x1024xi32>
      %shift_left3A_1310 = arith.shli %xor3A_1306, %shift_left3A_1309 : vector<8x1024xi32>
      %shift_right_logical3A_1311 = arith.constant 26 : i32
      %shift_right_logical3A_1312 = vector.broadcast %shift_right_logical3A_1311 : i32 to vector<8x1024xi32>
      %shift_right_logical3A_1313 = arith.shrui %xor3A_1306, %shift_right_logical3A_1312 : vector<8x1024xi32>
      %or3A_1314 = arith.ori %shift_left3A_1310, %shift_right_logical3A_1313 : vector<8x1024xi32>
      %xor3A_1315 = arith.xori %add3A_1307, %or3A_1314 : vector<8x1024xi32>
      %add3A_1316 = arith.constant 466689008 : i32
      %add3A_1317 = vector.broadcast %add3A_1316 : i32 to vector<8x1024xi32>
      %add3A_1318 = arith.addi %add3A_1307, %add3A_1317 : vector<8x1024xi32>
      %add3A_1319 = arith.constant 5 : i32
      %add3A_1320 = vector.broadcast %add3A_1319 : i32 to vector<8x1024xi32>
      %add3A_1321 = arith.addi %xor3A_1315, %add3A_1320 : vector<8x1024xi32>
      %xor3A_1322 = arith.xori %add3A_1318, %add3A_1321 : vector<8x1024xi32>
      %shift_right_logical3A_1323 = arith.constant 9 : i32
      %shift_right_logical3A_1324 = vector.broadcast %shift_right_logical3A_1323 : i32 to vector<8x1024xi32>
      %shift_right_logical3A_1325 = arith.shrui %xor3A_1322, %shift_right_logical3A_1324 : vector<8x1024xi32>
      %or3A_1326 = arith.constant 1065353216 : i32
      %or3A_1327 = vector.broadcast %or3A_1326 : i32 to vector<8x1024xi32>
      %or3A_1328 = arith.ori %shift_right_logical3A_1325, %or3A_1327 : vector<8x1024xi32>
      %bitcast_convert_type3A_1329 = tpu.bitcast %or3A_1328 : vector<8x1024xi32> -> vector<8x1024xf32>
      %sub3A_1330 = arith.constant 1.000000e+00 : f32
      %sub3A_1331 = vector.broadcast %sub3A_1330 : f32 to vector<8x1024xf32>
      %sub3A_1332 = arith.subf %bitcast_convert_type3A_1329, %sub3A_1331 : vector<8x1024xf32>
      %add3A_1333 = arith.constant 1.17549435E-38 : f32
      %add3A_1334 = vector.broadcast %add3A_1333 : f32 to vector<8x1024xf32>
      %add3A_1335 = arith.addf %sub3A_1332, %add3A_1334 : vector<8x1024xf32>
      %max3A_1336 = arith.constant 1.17549435E-38 : f32
      %max3A_1337 = vector.broadcast %max3A_1336 : f32 to vector<8x1024xf32>
      %max3A_1338 = arith.maximumf %max3A_1337, %add3A_1335 : vector<8x1024xf32>
      %log3A_1339 = math.log %max3A_1338 : vector<8x1024xf32>
      %neg3A_1340 = arith.constant 0.000000e+00 : f32
      %neg3A_1341 = vector.broadcast %neg3A_1340 : f32 to vector<8x1024xf32>
      %neg3A_1342 = arith.subf %neg3A_1341, %log3A_1339 : vector<8x1024xf32>
      %log3A_1343 = math.log %neg3A_1342 : vector<8x1024xf32>
      %sub3A_1344 = arith.subf %get3A_1099, %log3A_1343 : vector<8x1024xf32>
      %gt3A_1345 = arith.cmpf ogt, %sub3A_1344, %select_n3A_1090 : vector<8x1024xf32>
      %select_n3A_1346 = arith.select %gt3A_1345, %sub3A_1344, %select_n3A_1090 : vector<8x1024xi1>, vector<8x1024xf32>
      %select_n3A_1347 = arith.select %gt3A_1345, %add3A_1103, %select_n3A_1091 : vector<8x1024xi1>, vector<8x1024xi32>
      %scan3A_1348 = arith.constant 2 : i32
      %scan3A_1349 = arith.addi %scan3A_835, %scan3A_1348 : i32
      %mul3A_1350 = arith.constant 1024 : i32
      %mul3A_1351 = arith.muli %scan3A_1349, %mul3A_1350 : i32
      %multiple_of3A_1352 = tpu.assume_multiple %mul3A_1351, 1024 : i32
      %get3A_1353 = arith.constant 0 : index
      %get3A_1354 = arith.index_cast %multiple_of3A_1352 : i32 to index
      %get3A_1355 = vector.load %arg1[%get3A_1353, %get3A_1354] : memref<8x100000xf32, #tpu.memory_space<vmem>>, vector<8x1024xf32>
      %mul3A_1356 = arith.constant 1024 : i32
      %mul3A_1357 = arith.muli %scan3A_1349, %mul3A_1356 : i32
      %add3A_1358 = vector.broadcast %mul3A_1357 : i32 to vector<8x1024xi32>
      %add3A_1359 = arith.addi %add3A_6, %add3A_1358 : vector<8x1024xi32>
      %broadcast_in_dim3A_1360 = arith.constant 0 : i32
      %broadcast_in_dim3A_1361 = vector.broadcast %broadcast_in_dim3A_1360 : i32 to vector<8x1024xi32>
      %add3A_1362 = arith.constant 0 : i32
      %add3A_1363 = vector.broadcast %add3A_1362 : i32 to vector<8x1024xi32>
      %add3A_1364 = arith.addi %broadcast_in_dim3A_1361, %add3A_1363 : vector<8x1024xi32>
      %add3A_1365 = arith.constant 42 : i32
      %add3A_1366 = vector.broadcast %add3A_1365 : i32 to vector<8x1024xi32>
      %add3A_1367 = arith.addi %add3A_1359, %add3A_1366 : vector<8x1024xi32>
      %add3A_1368 = arith.addi %add3A_1364, %add3A_1367 : vector<8x1024xi32>
      %shift_left3A_1369 = arith.constant 13 : i32
      %shift_left3A_1370 = vector.broadcast %shift_left3A_1369 : i32 to vector<8x1024xi32>
      %shift_left3A_1371 = arith.shli %add3A_1367, %shift_left3A_1370 : vector<8x1024xi32>
      %shift_right_logical3A_1372 = arith.constant 19 : i32
      %shift_right_logical3A_1373 = vector.broadcast %shift_right_logical3A_1372 : i32 to vector<8x1024xi32>
      %shift_right_logical3A_1374 = arith.shrui %add3A_1367, %shift_right_logical3A_1373 : vector<8x1024xi32>
      %or3A_1375 = arith.ori %shift_left3A_1371, %shift_right_logical3A_1374 : vector<8x1024xi32>
      %xor3A_1376 = arith.xori %add3A_1368, %or3A_1375 : vector<8x1024xi32>
      %add3A_1377 = arith.addi %add3A_1368, %xor3A_1376 : vector<8x1024xi32>
      %shift_left3A_1378 = arith.constant 15 : i32
      %shift_left3A_1379 = vector.broadcast %shift_left3A_1378 : i32 to vector<8x1024xi32>
      %shift_left3A_1380 = arith.shli %xor3A_1376, %shift_left3A_1379 : vector<8x1024xi32>
      %shift_right_logical3A_1381 = arith.constant 17 : i32
      %shift_right_logical3A_1382 = vector.broadcast %shift_right_logical3A_1381 : i32 to vector<8x1024xi32>
      %shift_right_logical3A_1383 = arith.shrui %xor3A_1376, %shift_right_logical3A_1382 : vector<8x1024xi32>
      %or3A_1384 = arith.ori %shift_left3A_1380, %shift_right_logical3A_1383 : vector<8x1024xi32>
      %xor3A_1385 = arith.xori %add3A_1377, %or3A_1384 : vector<8x1024xi32>
      %add3A_1386 = arith.addi %add3A_1377, %xor3A_1385 : vector<8x1024xi32>
      %shift_left3A_1387 = arith.constant 26 : i32
      %shift_left3A_1388 = vector.broadcast %shift_left3A_1387 : i32 to vector<8x1024xi32>
      %shift_left3A_1389 = arith.shli %xor3A_1385, %shift_left3A_1388 : vector<8x1024xi32>
      %shift_right_logical3A_1390 = arith.constant 6 : i32
      %shift_right_logical3A_1391 = vector.broadcast %shift_right_logical3A_1390 : i32 to vector<8x1024xi32>
      %shift_right_logical3A_1392 = arith.shrui %xor3A_1385, %shift_right_logical3A_1391 : vector<8x1024xi32>
      %or3A_1393 = arith.ori %shift_left3A_1389, %shift_right_logical3A_1392 : vector<8x1024xi32>
      %xor3A_1394 = arith.xori %add3A_1386, %or3A_1393 : vector<8x1024xi32>
      %add3A_1395 = arith.addi %add3A_1386, %xor3A_1394 : vector<8x1024xi32>
      %shift_left3A_1396 = arith.constant 6 : i32
      %shift_left3A_1397 = vector.broadcast %shift_left3A_1396 : i32 to vector<8x1024xi32>
      %shift_left3A_1398 = arith.shli %xor3A_1394, %shift_left3A_1397 : vector<8x1024xi32>
      %shift_right_logical3A_1399 = arith.constant 26 : i32
      %shift_right_logical3A_1400 = vector.broadcast %shift_right_logical3A_1399 : i32 to vector<8x1024xi32>
      %shift_right_logical3A_1401 = arith.shrui %xor3A_1394, %shift_right_logical3A_1400 : vector<8x1024xi32>
      %or3A_1402 = arith.ori %shift_left3A_1398, %shift_right_logical3A_1401 : vector<8x1024xi32>
      %xor3A_1403 = arith.xori %add3A_1395, %or3A_1402 : vector<8x1024xi32>
      %add3A_1404 = arith.constant 42 : i32
      %add3A_1405 = vector.broadcast %add3A_1404 : i32 to vector<8x1024xi32>
      %add3A_1406 = arith.addi %add3A_1395, %add3A_1405 : vector<8x1024xi32>
      %add3A_1407 = arith.constant 466689009 : i32
      %add3A_1408 = vector.broadcast %add3A_1407 : i32 to vector<8x1024xi32>
      %add3A_1409 = arith.addi %xor3A_1403, %add3A_1408 : vector<8x1024xi32>
      %add3A_1410 = arith.addi %add3A_1406, %add3A_1409 : vector<8x1024xi32>
      %shift_left3A_1411 = arith.constant 17 : i32
      %shift_left3A_1412 = vector.broadcast %shift_left3A_1411 : i32 to vector<8x1024xi32>
      %shift_left3A_1413 = arith.shli %add3A_1409, %shift_left3A_1412 : vector<8x1024xi32>
      %shift_right_logical3A_1414 = arith.constant 15 : i32
      %shift_right_logical3A_1415 = vector.broadcast %shift_right_logical3A_1414 : i32 to vector<8x1024xi32>
      %shift_right_logical3A_1416 = arith.shrui %add3A_1409, %shift_right_logical3A_1415 : vector<8x1024xi32>
      %or3A_1417 = arith.ori %shift_left3A_1413, %shift_right_logical3A_1416 : vector<8x1024xi32>
      %xor3A_1418 = arith.xori %add3A_1410, %or3A_1417 : vector<8x1024xi32>
      %add3A_1419 = arith.addi %add3A_1410, %xor3A_1418 : vector<8x1024xi32>
      %shift_left3A_1420 = arith.constant 29 : i32
      %shift_left3A_1421 = vector.broadcast %shift_left3A_1420 : i32 to vector<8x1024xi32>
      %shift_left3A_1422 = arith.shli %xor3A_1418, %shift_left3A_1421 : vector<8x1024xi32>
      %shift_right_logical3A_1423 = arith.constant 3 : i32
      %shift_right_logical3A_1424 = vector.broadcast %shift_right_logical3A_1423 : i32 to vector<8x1024xi32>
      %shift_right_logical3A_1425 = arith.shrui %xor3A_1418, %shift_right_logical3A_1424 : vector<8x1024xi32>
      %or3A_1426 = arith.ori %shift_left3A_1422, %shift_right_logical3A_1425 : vector<8x1024xi32>
      %xor3A_1427 = arith.xori %add3A_1419, %or3A_1426 : vector<8x1024xi32>
      %add3A_1428 = arith.addi %add3A_1419, %xor3A_1427 : vector<8x1024xi32>
      %shift_left3A_1429 = arith.constant 16 : i32
      %shift_left3A_1430 = vector.broadcast %shift_left3A_1429 : i32 to vector<8x1024xi32>
      %shift_left3A_1431 = arith.shli %xor3A_1427, %shift_left3A_1430 : vector<8x1024xi32>
      %shift_right_logical3A_1432 = arith.constant 16 : i32
      %shift_right_logical3A_1433 = vector.broadcast %shift_right_logical3A_1432 : i32 to vector<8x1024xi32>
      %shift_right_logical3A_1434 = arith.shrui %xor3A_1427, %shift_right_logical3A_1433 : vector<8x1024xi32>
      %or3A_1435 = arith.ori %shift_left3A_1431, %shift_right_logical3A_1434 : vector<8x1024xi32>
      %xor3A_1436 = arith.xori %add3A_1428, %or3A_1435 : vector<8x1024xi32>
      %add3A_1437 = arith.addi %add3A_1428, %xor3A_1436 : vector<8x1024xi32>
      %shift_left3A_1438 = arith.constant 24 : i32
      %shift_left3A_1439 = vector.broadcast %shift_left3A_1438 : i32 to vector<8x1024xi32>
      %shift_left3A_1440 = arith.shli %xor3A_1436, %shift_left3A_1439 : vector<8x1024xi32>
      %shift_right_logical3A_1441 = arith.constant 8 : i32
      %shift_right_logical3A_1442 = vector.broadcast %shift_right_logical3A_1441 : i32 to vector<8x1024xi32>
      %shift_right_logical3A_1443 = arith.shrui %xor3A_1436, %shift_right_logical3A_1442 : vector<8x1024xi32>
      %or3A_1444 = arith.ori %shift_left3A_1440, %shift_right_logical3A_1443 : vector<8x1024xi32>
      %xor3A_1445 = arith.xori %add3A_1437, %or3A_1444 : vector<8x1024xi32>
      %add3A_1446 = arith.constant 466689008 : i32
      %add3A_1447 = vector.broadcast %add3A_1446 : i32 to vector<8x1024xi32>
      %add3A_1448 = arith.addi %add3A_1437, %add3A_1447 : vector<8x1024xi32>
      %add3A_1449 = arith.constant 2 : i32
      %add3A_1450 = vector.broadcast %add3A_1449 : i32 to vector<8x1024xi32>
      %add3A_1451 = arith.addi %xor3A_1445, %add3A_1450 : vector<8x1024xi32>
      %add3A_1452 = arith.addi %add3A_1448, %add3A_1451 : vector<8x1024xi32>
      %shift_left3A_1453 = arith.constant 13 : i32
      %shift_left3A_1454 = vector.broadcast %shift_left3A_1453 : i32 to vector<8x1024xi32>
      %shift_left3A_1455 = arith.shli %add3A_1451, %shift_left3A_1454 : vector<8x1024xi32>
      %shift_right_logical3A_1456 = arith.constant 19 : i32
      %shift_right_logical3A_1457 = vector.broadcast %shift_right_logical3A_1456 : i32 to vector<8x1024xi32>
      %shift_right_logical3A_1458 = arith.shrui %add3A_1451, %shift_right_logical3A_1457 : vector<8x1024xi32>
      %or3A_1459 = arith.ori %shift_left3A_1455, %shift_right_logical3A_1458 : vector<8x1024xi32>
      %xor3A_1460 = arith.xori %add3A_1452, %or3A_1459 : vector<8x1024xi32>
      %add3A_1461 = arith.addi %add3A_1452, %xor3A_1460 : vector<8x1024xi32>
      %shift_left3A_1462 = arith.constant 15 : i32
      %shift_left3A_1463 = vector.broadcast %shift_left3A_1462 : i32 to vector<8x1024xi32>
      %shift_left3A_1464 = arith.shli %xor3A_1460, %shift_left3A_1463 : vector<8x1024xi32>
      %shift_right_logical3A_1465 = arith.constant 17 : i32
      %shift_right_logical3A_1466 = vector.broadcast %shift_right_logical3A_1465 : i32 to vector<8x1024xi32>
      %shift_right_logical3A_1467 = arith.shrui %xor3A_1460, %shift_right_logical3A_1466 : vector<8x1024xi32>
      %or3A_1468 = arith.ori %shift_left3A_1464, %shift_right_logical3A_1467 : vector<8x1024xi32>
      %xor3A_1469 = arith.xori %add3A_1461, %or3A_1468 : vector<8x1024xi32>
      %add3A_1470 = arith.addi %add3A_1461, %xor3A_1469 : vector<8x1024xi32>
      %shift_left3A_1471 = arith.constant 26 : i32
      %shift_left3A_1472 = vector.broadcast %shift_left3A_1471 : i32 to vector<8x1024xi32>
      %shift_left3A_1473 = arith.shli %xor3A_1469, %shift_left3A_1472 : vector<8x1024xi32>
      %shift_right_logical3A_1474 = arith.constant 6 : i32
      %shift_right_logical3A_1475 = vector.broadcast %shift_right_logical3A_1474 : i32 to vector<8x1024xi32>
      %shift_right_logical3A_1476 = arith.shrui %xor3A_1469, %shift_right_logical3A_1475 : vector<8x1024xi32>
      %or3A_1477 = arith.ori %shift_left3A_1473, %shift_right_logical3A_1476 : vector<8x1024xi32>
      %xor3A_1478 = arith.xori %add3A_1470, %or3A_1477 : vector<8x1024xi32>
      %add3A_1479 = arith.addi %add3A_1470, %xor3A_1478 : vector<8x1024xi32>
      %shift_left3A_1480 = arith.constant 6 : i32
      %shift_left3A_1481 = vector.broadcast %shift_left3A_1480 : i32 to vector<8x1024xi32>
      %shift_left3A_1482 = arith.shli %xor3A_1478, %shift_left3A_1481 : vector<8x1024xi32>
      %shift_right_logical3A_1483 = arith.constant 26 : i32
      %shift_right_logical3A_1484 = vector.broadcast %shift_right_logical3A_1483 : i32 to vector<8x1024xi32>
      %shift_right_logical3A_1485 = arith.shrui %xor3A_1478, %shift_right_logical3A_1484 : vector<8x1024xi32>
      %or3A_1486 = arith.ori %shift_left3A_1482, %shift_right_logical3A_1485 : vector<8x1024xi32>
      %xor3A_1487 = arith.xori %add3A_1479, %or3A_1486 : vector<8x1024xi32>
      %add3A_1488 = arith.constant 0 : i32
      %add3A_1489 = vector.broadcast %add3A_1488 : i32 to vector<8x1024xi32>
      %add3A_1490 = arith.addi %add3A_1479, %add3A_1489 : vector<8x1024xi32>
      %add3A_1491 = arith.constant 45 : i32
      %add3A_1492 = vector.broadcast %add3A_1491 : i32 to vector<8x1024xi32>
      %add3A_1493 = arith.addi %xor3A_1487, %add3A_1492 : vector<8x1024xi32>
      %add3A_1494 = arith.addi %add3A_1490, %add3A_1493 : vector<8x1024xi32>
      %shift_left3A_1495 = arith.constant 17 : i32
      %shift_left3A_1496 = vector.broadcast %shift_left3A_1495 : i32 to vector<8x1024xi32>
      %shift_left3A_1497 = arith.shli %add3A_1493, %shift_left3A_1496 : vector<8x1024xi32>
      %shift_right_logical3A_1498 = arith.constant 15 : i32
      %shift_right_logical3A_1499 = vector.broadcast %shift_right_logical3A_1498 : i32 to vector<8x1024xi32>
      %shift_right_logical3A_1500 = arith.shrui %add3A_1493, %shift_right_logical3A_1499 : vector<8x1024xi32>
      %or3A_1501 = arith.ori %shift_left3A_1497, %shift_right_logical3A_1500 : vector<8x1024xi32>
      %xor3A_1502 = arith.xori %add3A_1494, %or3A_1501 : vector<8x1024xi32>
      %add3A_1503 = arith.addi %add3A_1494, %xor3A_1502 : vector<8x1024xi32>
      %shift_left3A_1504 = arith.constant 29 : i32
      %shift_left3A_1505 = vector.broadcast %shift_left3A_1504 : i32 to vector<8x1024xi32>
      %shift_left3A_1506 = arith.shli %xor3A_1502, %shift_left3A_1505 : vector<8x1024xi32>
      %shift_right_logical3A_1507 = arith.constant 3 : i32
      %shift_right_logical3A_1508 = vector.broadcast %shift_right_logical3A_1507 : i32 to vector<8x1024xi32>
      %shift_right_logical3A_1509 = arith.shrui %xor3A_1502, %shift_right_logical3A_1508 : vector<8x1024xi32>
      %or3A_1510 = arith.ori %shift_left3A_1506, %shift_right_logical3A_1509 : vector<8x1024xi32>
      %xor3A_1511 = arith.xori %add3A_1503, %or3A_1510 : vector<8x1024xi32>
      %add3A_1512 = arith.addi %add3A_1503, %xor3A_1511 : vector<8x1024xi32>
      %shift_left3A_1513 = arith.constant 16 : i32
      %shift_left3A_1514 = vector.broadcast %shift_left3A_1513 : i32 to vector<8x1024xi32>
      %shift_left3A_1515 = arith.shli %xor3A_1511, %shift_left3A_1514 : vector<8x1024xi32>
      %shift_right_logical3A_1516 = arith.constant 16 : i32
      %shift_right_logical3A_1517 = vector.broadcast %shift_right_logical3A_1516 : i32 to vector<8x1024xi32>
      %shift_right_logical3A_1518 = arith.shrui %xor3A_1511, %shift_right_logical3A_1517 : vector<8x1024xi32>
      %or3A_1519 = arith.ori %shift_left3A_1515, %shift_right_logical3A_1518 : vector<8x1024xi32>
      %xor3A_1520 = arith.xori %add3A_1512, %or3A_1519 : vector<8x1024xi32>
      %add3A_1521 = arith.addi %add3A_1512, %xor3A_1520 : vector<8x1024xi32>
      %shift_left3A_1522 = arith.constant 24 : i32
      %shift_left3A_1523 = vector.broadcast %shift_left3A_1522 : i32 to vector<8x1024xi32>
      %shift_left3A_1524 = arith.shli %xor3A_1520, %shift_left3A_1523 : vector<8x1024xi32>
      %shift_right_logical3A_1525 = arith.constant 8 : i32
      %shift_right_logical3A_1526 = vector.broadcast %shift_right_logical3A_1525 : i32 to vector<8x1024xi32>
      %shift_right_logical3A_1527 = arith.shrui %xor3A_1520, %shift_right_logical3A_1526 : vector<8x1024xi32>
      %or3A_1528 = arith.ori %shift_left3A_1524, %shift_right_logical3A_1527 : vector<8x1024xi32>
      %xor3A_1529 = arith.xori %add3A_1521, %or3A_1528 : vector<8x1024xi32>
      %add3A_1530 = arith.constant 42 : i32
      %add3A_1531 = vector.broadcast %add3A_1530 : i32 to vector<8x1024xi32>
      %add3A_1532 = arith.addi %add3A_1521, %add3A_1531 : vector<8x1024xi32>
      %add3A_1533 = arith.constant 466689012 : i32
      %add3A_1534 = vector.broadcast %add3A_1533 : i32 to vector<8x1024xi32>
      %add3A_1535 = arith.addi %xor3A_1529, %add3A_1534 : vector<8x1024xi32>
      %add3A_1536 = arith.addi %add3A_1532, %add3A_1535 : vector<8x1024xi32>
      %shift_left3A_1537 = arith.constant 13 : i32
      %shift_left3A_1538 = vector.broadcast %shift_left3A_1537 : i32 to vector<8x1024xi32>
      %shift_left3A_1539 = arith.shli %add3A_1535, %shift_left3A_1538 : vector<8x1024xi32>
      %shift_right_logical3A_1540 = arith.constant 19 : i32
      %shift_right_logical3A_1541 = vector.broadcast %shift_right_logical3A_1540 : i32 to vector<8x1024xi32>
      %shift_right_logical3A_1542 = arith.shrui %add3A_1535, %shift_right_logical3A_1541 : vector<8x1024xi32>
      %or3A_1543 = arith.ori %shift_left3A_1539, %shift_right_logical3A_1542 : vector<8x1024xi32>
      %xor3A_1544 = arith.xori %add3A_1536, %or3A_1543 : vector<8x1024xi32>
      %add3A_1545 = arith.addi %add3A_1536, %xor3A_1544 : vector<8x1024xi32>
      %shift_left3A_1546 = arith.constant 15 : i32
      %shift_left3A_1547 = vector.broadcast %shift_left3A_1546 : i32 to vector<8x1024xi32>
      %shift_left3A_1548 = arith.shli %xor3A_1544, %shift_left3A_1547 : vector<8x1024xi32>
      %shift_right_logical3A_1549 = arith.constant 17 : i32
      %shift_right_logical3A_1550 = vector.broadcast %shift_right_logical3A_1549 : i32 to vector<8x1024xi32>
      %shift_right_logical3A_1551 = arith.shrui %xor3A_1544, %shift_right_logical3A_1550 : vector<8x1024xi32>
      %or3A_1552 = arith.ori %shift_left3A_1548, %shift_right_logical3A_1551 : vector<8x1024xi32>
      %xor3A_1553 = arith.xori %add3A_1545, %or3A_1552 : vector<8x1024xi32>
      %add3A_1554 = arith.addi %add3A_1545, %xor3A_1553 : vector<8x1024xi32>
      %shift_left3A_1555 = arith.constant 26 : i32
      %shift_left3A_1556 = vector.broadcast %shift_left3A_1555 : i32 to vector<8x1024xi32>
      %shift_left3A_1557 = arith.shli %xor3A_1553, %shift_left3A_1556 : vector<8x1024xi32>
      %shift_right_logical3A_1558 = arith.constant 6 : i32
      %shift_right_logical3A_1559 = vector.broadcast %shift_right_logical3A_1558 : i32 to vector<8x1024xi32>
      %shift_right_logical3A_1560 = arith.shrui %xor3A_1553, %shift_right_logical3A_1559 : vector<8x1024xi32>
      %or3A_1561 = arith.ori %shift_left3A_1557, %shift_right_logical3A_1560 : vector<8x1024xi32>
      %xor3A_1562 = arith.xori %add3A_1554, %or3A_1561 : vector<8x1024xi32>
      %add3A_1563 = arith.addi %add3A_1554, %xor3A_1562 : vector<8x1024xi32>
      %shift_left3A_1564 = arith.constant 6 : i32
      %shift_left3A_1565 = vector.broadcast %shift_left3A_1564 : i32 to vector<8x1024xi32>
      %shift_left3A_1566 = arith.shli %xor3A_1562, %shift_left3A_1565 : vector<8x1024xi32>
      %shift_right_logical3A_1567 = arith.constant 26 : i32
      %shift_right_logical3A_1568 = vector.broadcast %shift_right_logical3A_1567 : i32 to vector<8x1024xi32>
      %shift_right_logical3A_1569 = arith.shrui %xor3A_1562, %shift_right_logical3A_1568 : vector<8x1024xi32>
      %or3A_1570 = arith.ori %shift_left3A_1566, %shift_right_logical3A_1569 : vector<8x1024xi32>
      %xor3A_1571 = arith.xori %add3A_1563, %or3A_1570 : vector<8x1024xi32>
      %add3A_1572 = arith.constant 466689008 : i32
      %add3A_1573 = vector.broadcast %add3A_1572 : i32 to vector<8x1024xi32>
      %add3A_1574 = arith.addi %add3A_1563, %add3A_1573 : vector<8x1024xi32>
      %add3A_1575 = arith.constant 5 : i32
      %add3A_1576 = vector.broadcast %add3A_1575 : i32 to vector<8x1024xi32>
      %add3A_1577 = arith.addi %xor3A_1571, %add3A_1576 : vector<8x1024xi32>
      %xor3A_1578 = arith.xori %add3A_1574, %add3A_1577 : vector<8x1024xi32>
      %shift_right_logical3A_1579 = arith.constant 9 : i32
      %shift_right_logical3A_1580 = vector.broadcast %shift_right_logical3A_1579 : i32 to vector<8x1024xi32>
      %shift_right_logical3A_1581 = arith.shrui %xor3A_1578, %shift_right_logical3A_1580 : vector<8x1024xi32>
      %or3A_1582 = arith.constant 1065353216 : i32
      %or3A_1583 = vector.broadcast %or3A_1582 : i32 to vector<8x1024xi32>
      %or3A_1584 = arith.ori %shift_right_logical3A_1581, %or3A_1583 : vector<8x1024xi32>
      %bitcast_convert_type3A_1585 = tpu.bitcast %or3A_1584 : vector<8x1024xi32> -> vector<8x1024xf32>
      %sub3A_1586 = arith.constant 1.000000e+00 : f32
      %sub3A_1587 = vector.broadcast %sub3A_1586 : f32 to vector<8x1024xf32>
      %sub3A_1588 = arith.subf %bitcast_convert_type3A_1585, %sub3A_1587 : vector<8x1024xf32>
      %add3A_1589 = arith.constant 1.17549435E-38 : f32
      %add3A_1590 = vector.broadcast %add3A_1589 : f32 to vector<8x1024xf32>
      %add3A_1591 = arith.addf %sub3A_1588, %add3A_1590 : vector<8x1024xf32>
      %max3A_1592 = arith.constant 1.17549435E-38 : f32
      %max3A_1593 = vector.broadcast %max3A_1592 : f32 to vector<8x1024xf32>
      %max3A_1594 = arith.maximumf %max3A_1593, %add3A_1591 : vector<8x1024xf32>
      %log3A_1595 = math.log %max3A_1594 : vector<8x1024xf32>
      %neg3A_1596 = arith.constant 0.000000e+00 : f32
      %neg3A_1597 = vector.broadcast %neg3A_1596 : f32 to vector<8x1024xf32>
      %neg3A_1598 = arith.subf %neg3A_1597, %log3A_1595 : vector<8x1024xf32>
      %log3A_1599 = math.log %neg3A_1598 : vector<8x1024xf32>
      %sub3A_1600 = arith.subf %get3A_1355, %log3A_1599 : vector<8x1024xf32>
      %gt3A_1601 = arith.cmpf ogt, %sub3A_1600, %select_n3A_1346 : vector<8x1024xf32>
      %select_n3A_1602 = arith.select %gt3A_1601, %sub3A_1600, %select_n3A_1346 : vector<8x1024xi1>, vector<8x1024xf32>
      %select_n3A_1603 = arith.select %gt3A_1601, %add3A_1359, %select_n3A_1347 : vector<8x1024xi1>, vector<8x1024xi32>
      %scan3A_1604 = arith.constant 3 : i32
      %scan3A_1605 = arith.addi %scan3A_835, %scan3A_1604 : i32
      %mul3A_1606 = arith.constant 1024 : i32
      %mul3A_1607 = arith.muli %scan3A_1605, %mul3A_1606 : i32
      %multiple_of3A_1608 = tpu.assume_multiple %mul3A_1607, 1024 : i32
      %get3A_1609 = arith.constant 0 : index
      %get3A_1610 = arith.index_cast %multiple_of3A_1608 : i32 to index
      %get3A_1611 = vector.load %arg1[%get3A_1609, %get3A_1610] : memref<8x100000xf32, #tpu.memory_space<vmem>>, vector<8x1024xf32>
      %mul3A_1612 = arith.constant 1024 : i32
      %mul3A_1613 = arith.muli %scan3A_1605, %mul3A_1612 : i32
      %add3A_1614 = vector.broadcast %mul3A_1613 : i32 to vector<8x1024xi32>
      %add3A_1615 = arith.addi %add3A_6, %add3A_1614 : vector<8x1024xi32>
      %broadcast_in_dim3A_1616 = arith.constant 0 : i32
      %broadcast_in_dim3A_1617 = vector.broadcast %broadcast_in_dim3A_1616 : i32 to vector<8x1024xi32>
      %add3A_1618 = arith.constant 0 : i32
      %add3A_1619 = vector.broadcast %add3A_1618 : i32 to vector<8x1024xi32>
      %add3A_1620 = arith.addi %broadcast_in_dim3A_1617, %add3A_1619 : vector<8x1024xi32>
      %add3A_1621 = arith.constant 42 : i32
      %add3A_1622 = vector.broadcast %add3A_1621 : i32 to vector<8x1024xi32>
      %add3A_1623 = arith.addi %add3A_1615, %add3A_1622 : vector<8x1024xi32>
      %add3A_1624 = arith.addi %add3A_1620, %add3A_1623 : vector<8x1024xi32>
      %shift_left3A_1625 = arith.constant 13 : i32
      %shift_left3A_1626 = vector.broadcast %shift_left3A_1625 : i32 to vector<8x1024xi32>
      %shift_left3A_1627 = arith.shli %add3A_1623, %shift_left3A_1626 : vector<8x1024xi32>
      %shift_right_logical3A_1628 = arith.constant 19 : i32
      %shift_right_logical3A_1629 = vector.broadcast %shift_right_logical3A_1628 : i32 to vector<8x1024xi32>
      %shift_right_logical3A_1630 = arith.shrui %add3A_1623, %shift_right_logical3A_1629 : vector<8x1024xi32>
      %or3A_1631 = arith.ori %shift_left3A_1627, %shift_right_logical3A_1630 : vector<8x1024xi32>
      %xor3A_1632 = arith.xori %add3A_1624, %or3A_1631 : vector<8x1024xi32>
      %add3A_1633 = arith.addi %add3A_1624, %xor3A_1632 : vector<8x1024xi32>
      %shift_left3A_1634 = arith.constant 15 : i32
      %shift_left3A_1635 = vector.broadcast %shift_left3A_1634 : i32 to vector<8x1024xi32>
      %shift_left3A_1636 = arith.shli %xor3A_1632, %shift_left3A_1635 : vector<8x1024xi32>
      %shift_right_logical3A_1637 = arith.constant 17 : i32
      %shift_right_logical3A_1638 = vector.broadcast %shift_right_logical3A_1637 : i32 to vector<8x1024xi32>
      %shift_right_logical3A_1639 = arith.shrui %xor3A_1632, %shift_right_logical3A_1638 : vector<8x1024xi32>
      %or3A_1640 = arith.ori %shift_left3A_1636, %shift_right_logical3A_1639 : vector<8x1024xi32>
      %xor3A_1641 = arith.xori %add3A_1633, %or3A_1640 : vector<8x1024xi32>
      %add3A_1642 = arith.addi %add3A_1633, %xor3A_1641 : vector<8x1024xi32>
      %shift_left3A_1643 = arith.constant 26 : i32
      %shift_left3A_1644 = vector.broadcast %shift_left3A_1643 : i32 to vector<8x1024xi32>
      %shift_left3A_1645 = arith.shli %xor3A_1641, %shift_left3A_1644 : vector<8x1024xi32>
      %shift_right_logical3A_1646 = arith.constant 6 : i32
      %shift_right_logical3A_1647 = vector.broadcast %shift_right_logical3A_1646 : i32 to vector<8x1024xi32>
      %shift_right_logical3A_1648 = arith.shrui %xor3A_1641, %shift_right_logical3A_1647 : vector<8x1024xi32>
      %or3A_1649 = arith.ori %shift_left3A_1645, %shift_right_logical3A_1648 : vector<8x1024xi32>
      %xor3A_1650 = arith.xori %add3A_1642, %or3A_1649 : vector<8x1024xi32>
      %add3A_1651 = arith.addi %add3A_1642, %xor3A_1650 : vector<8x1024xi32>
      %shift_left3A_1652 = arith.constant 6 : i32
      %shift_left3A_1653 = vector.broadcast %shift_left3A_1652 : i32 to vector<8x1024xi32>
      %shift_left3A_1654 = arith.shli %xor3A_1650, %shift_left3A_1653 : vector<8x1024xi32>
      %shift_right_logical3A_1655 = arith.constant 26 : i32
      %shift_right_logical3A_1656 = vector.broadcast %shift_right_logical3A_1655 : i32 to vector<8x1024xi32>
      %shift_right_logical3A_1657 = arith.shrui %xor3A_1650, %shift_right_logical3A_1656 : vector<8x1024xi32>
      %or3A_1658 = arith.ori %shift_left3A_1654, %shift_right_logical3A_1657 : vector<8x1024xi32>
      %xor3A_1659 = arith.xori %add3A_1651, %or3A_1658 : vector<8x1024xi32>
      %add3A_1660 = arith.constant 42 : i32
      %add3A_1661 = vector.broadcast %add3A_1660 : i32 to vector<8x1024xi32>
      %add3A_1662 = arith.addi %add3A_1651, %add3A_1661 : vector<8x1024xi32>
      %add3A_1663 = arith.constant 466689009 : i32
      %add3A_1664 = vector.broadcast %add3A_1663 : i32 to vector<8x1024xi32>
      %add3A_1665 = arith.addi %xor3A_1659, %add3A_1664 : vector<8x1024xi32>
      %add3A_1666 = arith.addi %add3A_1662, %add3A_1665 : vector<8x1024xi32>
      %shift_left3A_1667 = arith.constant 17 : i32
      %shift_left3A_1668 = vector.broadcast %shift_left3A_1667 : i32 to vector<8x1024xi32>
      %shift_left3A_1669 = arith.shli %add3A_1665, %shift_left3A_1668 : vector<8x1024xi32>
      %shift_right_logical3A_1670 = arith.constant 15 : i32
      %shift_right_logical3A_1671 = vector.broadcast %shift_right_logical3A_1670 : i32 to vector<8x1024xi32>
      %shift_right_logical3A_1672 = arith.shrui %add3A_1665, %shift_right_logical3A_1671 : vector<8x1024xi32>
      %or3A_1673 = arith.ori %shift_left3A_1669, %shift_right_logical3A_1672 : vector<8x1024xi32>
      %xor3A_1674 = arith.xori %add3A_1666, %or3A_1673 : vector<8x1024xi32>
      %add3A_1675 = arith.addi %add3A_1666, %xor3A_1674 : vector<8x1024xi32>
      %shift_left3A_1676 = arith.constant 29 : i32
      %shift_left3A_1677 = vector.broadcast %shift_left3A_1676 : i32 to vector<8x1024xi32>
      %shift_left3A_1678 = arith.shli %xor3A_1674, %shift_left3A_1677 : vector<8x1024xi32>
      %shift_right_logical3A_1679 = arith.constant 3 : i32
      %shift_right_logical3A_1680 = vector.broadcast %shift_right_logical3A_1679 : i32 to vector<8x1024xi32>
      %shift_right_logical3A_1681 = arith.shrui %xor3A_1674, %shift_right_logical3A_1680 : vector<8x1024xi32>
      %or3A_1682 = arith.ori %shift_left3A_1678, %shift_right_logical3A_1681 : vector<8x1024xi32>
      %xor3A_1683 = arith.xori %add3A_1675, %or3A_1682 : vector<8x1024xi32>
      %add3A_1684 = arith.addi %add3A_1675, %xor3A_1683 : vector<8x1024xi32>
      %shift_left3A_1685 = arith.constant 16 : i32
      %shift_left3A_1686 = vector.broadcast %shift_left3A_1685 : i32 to vector<8x1024xi32>
      %shift_left3A_1687 = arith.shli %xor3A_1683, %shift_left3A_1686 : vector<8x1024xi32>
      %shift_right_logical3A_1688 = arith.constant 16 : i32
      %shift_right_logical3A_1689 = vector.broadcast %shift_right_logical3A_1688 : i32 to vector<8x1024xi32>
      %shift_right_logical3A_1690 = arith.shrui %xor3A_1683, %shift_right_logical3A_1689 : vector<8x1024xi32>
      %or3A_1691 = arith.ori %shift_left3A_1687, %shift_right_logical3A_1690 : vector<8x1024xi32>
      %xor3A_1692 = arith.xori %add3A_1684, %or3A_1691 : vector<8x1024xi32>
      %add3A_1693 = arith.addi %add3A_1684, %xor3A_1692 : vector<8x1024xi32>
      %shift_left3A_1694 = arith.constant 24 : i32
      %shift_left3A_1695 = vector.broadcast %shift_left3A_1694 : i32 to vector<8x1024xi32>
      %shift_left3A_1696 = arith.shli %xor3A_1692, %shift_left3A_1695 : vector<8x1024xi32>
      %shift_right_logical3A_1697 = arith.constant 8 : i32
      %shift_right_logical3A_1698 = vector.broadcast %shift_right_logical3A_1697 : i32 to vector<8x1024xi32>
      %shift_right_logical3A_1699 = arith.shrui %xor3A_1692, %shift_right_logical3A_1698 : vector<8x1024xi32>
      %or3A_1700 = arith.ori %shift_left3A_1696, %shift_right_logical3A_1699 : vector<8x1024xi32>
      %xor3A_1701 = arith.xori %add3A_1693, %or3A_1700 : vector<8x1024xi32>
      %add3A_1702 = arith.constant 466689008 : i32
      %add3A_1703 = vector.broadcast %add3A_1702 : i32 to vector<8x1024xi32>
      %add3A_1704 = arith.addi %add3A_1693, %add3A_1703 : vector<8x1024xi32>
      %add3A_1705 = arith.constant 2 : i32
      %add3A_1706 = vector.broadcast %add3A_1705 : i32 to vector<8x1024xi32>
      %add3A_1707 = arith.addi %xor3A_1701, %add3A_1706 : vector<8x1024xi32>
      %add3A_1708 = arith.addi %add3A_1704, %add3A_1707 : vector<8x1024xi32>
      %shift_left3A_1709 = arith.constant 13 : i32
      %shift_left3A_1710 = vector.broadcast %shift_left3A_1709 : i32 to vector<8x1024xi32>
      %shift_left3A_1711 = arith.shli %add3A_1707, %shift_left3A_1710 : vector<8x1024xi32>
      %shift_right_logical3A_1712 = arith.constant 19 : i32
      %shift_right_logical3A_1713 = vector.broadcast %shift_right_logical3A_1712 : i32 to vector<8x1024xi32>
      %shift_right_logical3A_1714 = arith.shrui %add3A_1707, %shift_right_logical3A_1713 : vector<8x1024xi32>
      %or3A_1715 = arith.ori %shift_left3A_1711, %shift_right_logical3A_1714 : vector<8x1024xi32>
      %xor3A_1716 = arith.xori %add3A_1708, %or3A_1715 : vector<8x1024xi32>
      %add3A_1717 = arith.addi %add3A_1708, %xor3A_1716 : vector<8x1024xi32>
      %shift_left3A_1718 = arith.constant 15 : i32
      %shift_left3A_1719 = vector.broadcast %shift_left3A_1718 : i32 to vector<8x1024xi32>
      %shift_left3A_1720 = arith.shli %xor3A_1716, %shift_left3A_1719 : vector<8x1024xi32>
      %shift_right_logical3A_1721 = arith.constant 17 : i32
      %shift_right_logical3A_1722 = vector.broadcast %shift_right_logical3A_1721 : i32 to vector<8x1024xi32>
      %shift_right_logical3A_1723 = arith.shrui %xor3A_1716, %shift_right_logical3A_1722 : vector<8x1024xi32>
      %or3A_1724 = arith.ori %shift_left3A_1720, %shift_right_logical3A_1723 : vector<8x1024xi32>
      %xor3A_1725 = arith.xori %add3A_1717, %or3A_1724 : vector<8x1024xi32>
      %add3A_1726 = arith.addi %add3A_1717, %xor3A_1725 : vector<8x1024xi32>
      %shift_left3A_1727 = arith.constant 26 : i32
      %shift_left3A_1728 = vector.broadcast %shift_left3A_1727 : i32 to vector<8x1024xi32>
      %shift_left3A_1729 = arith.shli %xor3A_1725, %shift_left3A_1728 : vector<8x1024xi32>
      %shift_right_logical3A_1730 = arith.constant 6 : i32
      %shift_right_logical3A_1731 = vector.broadcast %shift_right_logical3A_1730 : i32 to vector<8x1024xi32>
      %shift_right_logical3A_1732 = arith.shrui %xor3A_1725, %shift_right_logical3A_1731 : vector<8x1024xi32>
      %or3A_1733 = arith.ori %shift_left3A_1729, %shift_right_logical3A_1732 : vector<8x1024xi32>
      %xor3A_1734 = arith.xori %add3A_1726, %or3A_1733 : vector<8x1024xi32>
      %add3A_1735 = arith.addi %add3A_1726, %xor3A_1734 : vector<8x1024xi32>
      %shift_left3A_1736 = arith.constant 6 : i32
      %shift_left3A_1737 = vector.broadcast %shift_left3A_1736 : i32 to vector<8x1024xi32>
      %shift_left3A_1738 = arith.shli %xor3A_1734, %shift_left3A_1737 : vector<8x1024xi32>
      %shift_right_logical3A_1739 = arith.constant 26 : i32
      %shift_right_logical3A_1740 = vector.broadcast %shift_right_logical3A_1739 : i32 to vector<8x1024xi32>
      %shift_right_logical3A_1741 = arith.shrui %xor3A_1734, %shift_right_logical3A_1740 : vector<8x1024xi32>
      %or3A_1742 = arith.ori %shift_left3A_1738, %shift_right_logical3A_1741 : vector<8x1024xi32>
      %xor3A_1743 = arith.xori %add3A_1735, %or3A_1742 : vector<8x1024xi32>
      %add3A_1744 = arith.constant 0 : i32
      %add3A_1745 = vector.broadcast %add3A_1744 : i32 to vector<8x1024xi32>
      %add3A_1746 = arith.addi %add3A_1735, %add3A_1745 : vector<8x1024xi32>
      %add3A_1747 = arith.constant 45 : i32
      %add3A_1748 = vector.broadcast %add3A_1747 : i32 to vector<8x1024xi32>
      %add3A_1749 = arith.addi %xor3A_1743, %add3A_1748 : vector<8x1024xi32>
      %add3A_1750 = arith.addi %add3A_1746, %add3A_1749 : vector<8x1024xi32>
      %shift_left3A_1751 = arith.constant 17 : i32
      %shift_left3A_1752 = vector.broadcast %shift_left3A_1751 : i32 to vector<8x1024xi32>
      %shift_left3A_1753 = arith.shli %add3A_1749, %shift_left3A_1752 : vector<8x1024xi32>
      %shift_right_logical3A_1754 = arith.constant 15 : i32
      %shift_right_logical3A_1755 = vector.broadcast %shift_right_logical3A_1754 : i32 to vector<8x1024xi32>
      %shift_right_logical3A_1756 = arith.shrui %add3A_1749, %shift_right_logical3A_1755 : vector<8x1024xi32>
      %or3A_1757 = arith.ori %shift_left3A_1753, %shift_right_logical3A_1756 : vector<8x1024xi32>
      %xor3A_1758 = arith.xori %add3A_1750, %or3A_1757 : vector<8x1024xi32>
      %add3A_1759 = arith.addi %add3A_1750, %xor3A_1758 : vector<8x1024xi32>
      %shift_left3A_1760 = arith.constant 29 : i32
      %shift_left3A_1761 = vector.broadcast %shift_left3A_1760 : i32 to vector<8x1024xi32>
      %shift_left3A_1762 = arith.shli %xor3A_1758, %shift_left3A_1761 : vector<8x1024xi32>
      %shift_right_logical3A_1763 = arith.constant 3 : i32
      %shift_right_logical3A_1764 = vector.broadcast %shift_right_logical3A_1763 : i32 to vector<8x1024xi32>
      %shift_right_logical3A_1765 = arith.shrui %xor3A_1758, %shift_right_logical3A_1764 : vector<8x1024xi32>
      %or3A_1766 = arith.ori %shift_left3A_1762, %shift_right_logical3A_1765 : vector<8x1024xi32>
      %xor3A_1767 = arith.xori %add3A_1759, %or3A_1766 : vector<8x1024xi32>
      %add3A_1768 = arith.addi %add3A_1759, %xor3A_1767 : vector<8x1024xi32>
      %shift_left3A_1769 = arith.constant 16 : i32
      %shift_left3A_1770 = vector.broadcast %shift_left3A_1769 : i32 to vector<8x1024xi32>
      %shift_left3A_1771 = arith.shli %xor3A_1767, %shift_left3A_1770 : vector<8x1024xi32>
      %shift_right_logical3A_1772 = arith.constant 16 : i32
      %shift_right_logical3A_1773 = vector.broadcast %shift_right_logical3A_1772 : i32 to vector<8x1024xi32>
      %shift_right_logical3A_1774 = arith.shrui %xor3A_1767, %shift_right_logical3A_1773 : vector<8x1024xi32>
      %or3A_1775 = arith.ori %shift_left3A_1771, %shift_right_logical3A_1774 : vector<8x1024xi32>
      %xor3A_1776 = arith.xori %add3A_1768, %or3A_1775 : vector<8x1024xi32>
      %add3A_1777 = arith.addi %add3A_1768, %xor3A_1776 : vector<8x1024xi32>
      %shift_left3A_1778 = arith.constant 24 : i32
      %shift_left3A_1779 = vector.broadcast %shift_left3A_1778 : i32 to vector<8x1024xi32>
      %shift_left3A_1780 = arith.shli %xor3A_1776, %shift_left3A_1779 : vector<8x1024xi32>
      %shift_right_logical3A_1781 = arith.constant 8 : i32
      %shift_right_logical3A_1782 = vector.broadcast %shift_right_logical3A_1781 : i32 to vector<8x1024xi32>
      %shift_right_logical3A_1783 = arith.shrui %xor3A_1776, %shift_right_logical3A_1782 : vector<8x1024xi32>
      %or3A_1784 = arith.ori %shift_left3A_1780, %shift_right_logical3A_1783 : vector<8x1024xi32>
      %xor3A_1785 = arith.xori %add3A_1777, %or3A_1784 : vector<8x1024xi32>
      %add3A_1786 = arith.constant 42 : i32
      %add3A_1787 = vector.broadcast %add3A_1786 : i32 to vector<8x1024xi32>
      %add3A_1788 = arith.addi %add3A_1777, %add3A_1787 : vector<8x1024xi32>
      %add3A_1789 = arith.constant 466689012 : i32
      %add3A_1790 = vector.broadcast %add3A_1789 : i32 to vector<8x1024xi32>
      %add3A_1791 = arith.addi %xor3A_1785, %add3A_1790 : vector<8x1024xi32>
      %add3A_1792 = arith.addi %add3A_1788, %add3A_1791 : vector<8x1024xi32>
      %shift_left3A_1793 = arith.constant 13 : i32
      %shift_left3A_1794 = vector.broadcast %shift_left3A_1793 : i32 to vector<8x1024xi32>
      %shift_left3A_1795 = arith.shli %add3A_1791, %shift_left3A_1794 : vector<8x1024xi32>
      %shift_right_logical3A_1796 = arith.constant 19 : i32
      %shift_right_logical3A_1797 = vector.broadcast %shift_right_logical3A_1796 : i32 to vector<8x1024xi32>
      %shift_right_logical3A_1798 = arith.shrui %add3A_1791, %shift_right_logical3A_1797 : vector<8x1024xi32>
      %or3A_1799 = arith.ori %shift_left3A_1795, %shift_right_logical3A_1798 : vector<8x1024xi32>
      %xor3A_1800 = arith.xori %add3A_1792, %or3A_1799 : vector<8x1024xi32>
      %add3A_1801 = arith.addi %add3A_1792, %xor3A_1800 : vector<8x1024xi32>
      %shift_left3A_1802 = arith.constant 15 : i32
      %shift_left3A_1803 = vector.broadcast %shift_left3A_1802 : i32 to vector<8x1024xi32>
      %shift_left3A_1804 = arith.shli %xor3A_1800, %shift_left3A_1803 : vector<8x1024xi32>
      %shift_right_logical3A_1805 = arith.constant 17 : i32
      %shift_right_logical3A_1806 = vector.broadcast %shift_right_logical3A_1805 : i32 to vector<8x1024xi32>
      %shift_right_logical3A_1807 = arith.shrui %xor3A_1800, %shift_right_logical3A_1806 : vector<8x1024xi32>
      %or3A_1808 = arith.ori %shift_left3A_1804, %shift_right_logical3A_1807 : vector<8x1024xi32>
      %xor3A_1809 = arith.xori %add3A_1801, %or3A_1808 : vector<8x1024xi32>
      %add3A_1810 = arith.addi %add3A_1801, %xor3A_1809 : vector<8x1024xi32>
      %shift_left3A_1811 = arith.constant 26 : i32
      %shift_left3A_1812 = vector.broadcast %shift_left3A_1811 : i32 to vector<8x1024xi32>
      %shift_left3A_1813 = arith.shli %xor3A_1809, %shift_left3A_1812 : vector<8x1024xi32>
      %shift_right_logical3A_1814 = arith.constant 6 : i32
      %shift_right_logical3A_1815 = vector.broadcast %shift_right_logical3A_1814 : i32 to vector<8x1024xi32>
      %shift_right_logical3A_1816 = arith.shrui %xor3A_1809, %shift_right_logical3A_1815 : vector<8x1024xi32>
      %or3A_1817 = arith.ori %shift_left3A_1813, %shift_right_logical3A_1816 : vector<8x1024xi32>
      %xor3A_1818 = arith.xori %add3A_1810, %or3A_1817 : vector<8x1024xi32>
      %add3A_1819 = arith.addi %add3A_1810, %xor3A_1818 : vector<8x1024xi32>
      %shift_left3A_1820 = arith.constant 6 : i32
      %shift_left3A_1821 = vector.broadcast %shift_left3A_1820 : i32 to vector<8x1024xi32>
      %shift_left3A_1822 = arith.shli %xor3A_1818, %shift_left3A_1821 : vector<8x1024xi32>
      %shift_right_logical3A_1823 = arith.constant 26 : i32
      %shift_right_logical3A_1824 = vector.broadcast %shift_right_logical3A_1823 : i32 to vector<8x1024xi32>
      %shift_right_logical3A_1825 = arith.shrui %xor3A_1818, %shift_right_logical3A_1824 : vector<8x1024xi32>
      %or3A_1826 = arith.ori %shift_left3A_1822, %shift_right_logical3A_1825 : vector<8x1024xi32>
      %xor3A_1827 = arith.xori %add3A_1819, %or3A_1826 : vector<8x1024xi32>
      %add3A_1828 = arith.constant 466689008 : i32
      %add3A_1829 = vector.broadcast %add3A_1828 : i32 to vector<8x1024xi32>
      %add3A_1830 = arith.addi %add3A_1819, %add3A_1829 : vector<8x1024xi32>
      %add3A_1831 = arith.constant 5 : i32
      %add3A_1832 = vector.broadcast %add3A_1831 : i32 to vector<8x1024xi32>
      %add3A_1833 = arith.addi %xor3A_1827, %add3A_1832 : vector<8x1024xi32>
      %xor3A_1834 = arith.xori %add3A_1830, %add3A_1833 : vector<8x1024xi32>
      %shift_right_logical3A_1835 = arith.constant 9 : i32
      %shift_right_logical3A_1836 = vector.broadcast %shift_right_logical3A_1835 : i32 to vector<8x1024xi32>
      %shift_right_logical3A_1837 = arith.shrui %xor3A_1834, %shift_right_logical3A_1836 : vector<8x1024xi32>
      %or3A_1838 = arith.constant 1065353216 : i32
      %or3A_1839 = vector.broadcast %or3A_1838 : i32 to vector<8x1024xi32>
      %or3A_1840 = arith.ori %shift_right_logical3A_1837, %or3A_1839 : vector<8x1024xi32>
      %bitcast_convert_type3A_1841 = tpu.bitcast %or3A_1840 : vector<8x1024xi32> -> vector<8x1024xf32>
      %sub3A_1842 = arith.constant 1.000000e+00 : f32
      %sub3A_1843 = vector.broadcast %sub3A_1842 : f32 to vector<8x1024xf32>
      %sub3A_1844 = arith.subf %bitcast_convert_type3A_1841, %sub3A_1843 : vector<8x1024xf32>
      %add3A_1845 = arith.constant 1.17549435E-38 : f32
      %add3A_1846 = vector.broadcast %add3A_1845 : f32 to vector<8x1024xf32>
      %add3A_1847 = arith.addf %sub3A_1844, %add3A_1846 : vector<8x1024xf32>
      %max3A_1848 = arith.constant 1.17549435E-38 : f32
      %max3A_1849 = vector.broadcast %max3A_1848 : f32 to vector<8x1024xf32>
      %max3A_1850 = arith.maximumf %max3A_1849, %add3A_1847 : vector<8x1024xf32>
      %log3A_1851 = math.log %max3A_1850 : vector<8x1024xf32>
      %neg3A_1852 = arith.constant 0.000000e+00 : f32
      %neg3A_1853 = vector.broadcast %neg3A_1852 : f32 to vector<8x1024xf32>
      %neg3A_1854 = arith.subf %neg3A_1853, %log3A_1851 : vector<8x1024xf32>
      %log3A_1855 = math.log %neg3A_1854 : vector<8x1024xf32>
      %sub3A_1856 = arith.subf %get3A_1611, %log3A_1855 : vector<8x1024xf32>
      %gt3A_1857 = arith.cmpf ogt, %sub3A_1856, %select_n3A_1602 : vector<8x1024xf32>
      %select_n3A_1858 = arith.select %gt3A_1857, %sub3A_1856, %select_n3A_1602 : vector<8x1024xi1>, vector<8x1024xf32>
      %select_n3A_1859 = arith.select %gt3A_1857, %add3A_1615, %select_n3A_1603 : vector<8x1024xi1>, vector<8x1024xi32>
      %scan3A_1860 = arith.constant 4 : i32
      %scan3A_1861 = arith.addi %scan3A_835, %scan3A_1860 : i32
      %mul3A_1862 = arith.constant 1024 : i32
      %mul3A_1863 = arith.muli %scan3A_1861, %mul3A_1862 : i32
      %multiple_of3A_1864 = tpu.assume_multiple %mul3A_1863, 1024 : i32
      %get3A_1865 = arith.constant 0 : index
      %get3A_1866 = arith.index_cast %multiple_of3A_1864 : i32 to index
      %get3A_1867 = vector.load %arg1[%get3A_1865, %get3A_1866] : memref<8x100000xf32, #tpu.memory_space<vmem>>, vector<8x1024xf32>
      %mul3A_1868 = arith.constant 1024 : i32
      %mul3A_1869 = arith.muli %scan3A_1861, %mul3A_1868 : i32
      %add3A_1870 = vector.broadcast %mul3A_1869 : i32 to vector<8x1024xi32>
      %add3A_1871 = arith.addi %add3A_6, %add3A_1870 : vector<8x1024xi32>
      %broadcast_in_dim3A_1872 = arith.constant 0 : i32
      %broadcast_in_dim3A_1873 = vector.broadcast %broadcast_in_dim3A_1872 : i32 to vector<8x1024xi32>
      %add3A_1874 = arith.constant 0 : i32
      %add3A_1875 = vector.broadcast %add3A_1874 : i32 to vector<8x1024xi32>
      %add3A_1876 = arith.addi %broadcast_in_dim3A_1873, %add3A_1875 : vector<8x1024xi32>
      %add3A_1877 = arith.constant 42 : i32
      %add3A_1878 = vector.broadcast %add3A_1877 : i32 to vector<8x1024xi32>
      %add3A_1879 = arith.addi %add3A_1871, %add3A_1878 : vector<8x1024xi32>
      %add3A_1880 = arith.addi %add3A_1876, %add3A_1879 : vector<8x1024xi32>
      %shift_left3A_1881 = arith.constant 13 : i32
      %shift_left3A_1882 = vector.broadcast %shift_left3A_1881 : i32 to vector<8x1024xi32>
      %shift_left3A_1883 = arith.shli %add3A_1879, %shift_left3A_1882 : vector<8x1024xi32>
      %shift_right_logical3A_1884 = arith.constant 19 : i32
      %shift_right_logical3A_1885 = vector.broadcast %shift_right_logical3A_1884 : i32 to vector<8x1024xi32>
      %shift_right_logical3A_1886 = arith.shrui %add3A_1879, %shift_right_logical3A_1885 : vector<8x1024xi32>
      %or3A_1887 = arith.ori %shift_left3A_1883, %shift_right_logical3A_1886 : vector<8x1024xi32>
      %xor3A_1888 = arith.xori %add3A_1880, %or3A_1887 : vector<8x1024xi32>
      %add3A_1889 = arith.addi %add3A_1880, %xor3A_1888 : vector<8x1024xi32>
      %shift_left3A_1890 = arith.constant 15 : i32
      %shift_left3A_1891 = vector.broadcast %shift_left3A_1890 : i32 to vector<8x1024xi32>
      %shift_left3A_1892 = arith.shli %xor3A_1888, %shift_left3A_1891 : vector<8x1024xi32>
      %shift_right_logical3A_1893 = arith.constant 17 : i32
      %shift_right_logical3A_1894 = vector.broadcast %shift_right_logical3A_1893 : i32 to vector<8x1024xi32>
      %shift_right_logical3A_1895 = arith.shrui %xor3A_1888, %shift_right_logical3A_1894 : vector<8x1024xi32>
      %or3A_1896 = arith.ori %shift_left3A_1892, %shift_right_logical3A_1895 : vector<8x1024xi32>
      %xor3A_1897 = arith.xori %add3A_1889, %or3A_1896 : vector<8x1024xi32>
      %add3A_1898 = arith.addi %add3A_1889, %xor3A_1897 : vector<8x1024xi32>
      %shift_left3A_1899 = arith.constant 26 : i32
      %shift_left3A_1900 = vector.broadcast %shift_left3A_1899 : i32 to vector<8x1024xi32>
      %shift_left3A_1901 = arith.shli %xor3A_1897, %shift_left3A_1900 : vector<8x1024xi32>
      %shift_right_logical3A_1902 = arith.constant 6 : i32
      %shift_right_logical3A_1903 = vector.broadcast %shift_right_logical3A_1902 : i32 to vector<8x1024xi32>
      %shift_right_logical3A_1904 = arith.shrui %xor3A_1897, %shift_right_logical3A_1903 : vector<8x1024xi32>
      %or3A_1905 = arith.ori %shift_left3A_1901, %shift_right_logical3A_1904 : vector<8x1024xi32>
      %xor3A_1906 = arith.xori %add3A_1898, %or3A_1905 : vector<8x1024xi32>
      %add3A_1907 = arith.addi %add3A_1898, %xor3A_1906 : vector<8x1024xi32>
      %shift_left3A_1908 = arith.constant 6 : i32
      %shift_left3A_1909 = vector.broadcast %shift_left3A_1908 : i32 to vector<8x1024xi32>
      %shift_left3A_1910 = arith.shli %xor3A_1906, %shift_left3A_1909 : vector<8x1024xi32>
      %shift_right_logical3A_1911 = arith.constant 26 : i32
      %shift_right_logical3A_1912 = vector.broadcast %shift_right_logical3A_1911 : i32 to vector<8x1024xi32>
      %shift_right_logical3A_1913 = arith.shrui %xor3A_1906, %shift_right_logical3A_1912 : vector<8x1024xi32>
      %or3A_1914 = arith.ori %shift_left3A_1910, %shift_right_logical3A_1913 : vector<8x1024xi32>
      %xor3A_1915 = arith.xori %add3A_1907, %or3A_1914 : vector<8x1024xi32>
      %add3A_1916 = arith.constant 42 : i32
      %add3A_1917 = vector.broadcast %add3A_1916 : i32 to vector<8x1024xi32>
      %add3A_1918 = arith.addi %add3A_1907, %add3A_1917 : vector<8x1024xi32>
      %add3A_1919 = arith.constant 466689009 : i32
      %add3A_1920 = vector.broadcast %add3A_1919 : i32 to vector<8x1024xi32>
      %add3A_1921 = arith.addi %xor3A_1915, %add3A_1920 : vector<8x1024xi32>
      %add3A_1922 = arith.addi %add3A_1918, %add3A_1921 : vector<8x1024xi32>
      %shift_left3A_1923 = arith.constant 17 : i32
      %shift_left3A_1924 = vector.broadcast %shift_left3A_1923 : i32 to vector<8x1024xi32>
      %shift_left3A_1925 = arith.shli %add3A_1921, %shift_left3A_1924 : vector<8x1024xi32>
      %shift_right_logical3A_1926 = arith.constant 15 : i32
      %shift_right_logical3A_1927 = vector.broadcast %shift_right_logical3A_1926 : i32 to vector<8x1024xi32>
      %shift_right_logical3A_1928 = arith.shrui %add3A_1921, %shift_right_logical3A_1927 : vector<8x1024xi32>
      %or3A_1929 = arith.ori %shift_left3A_1925, %shift_right_logical3A_1928 : vector<8x1024xi32>
      %xor3A_1930 = arith.xori %add3A_1922, %or3A_1929 : vector<8x1024xi32>
      %add3A_1931 = arith.addi %add3A_1922, %xor3A_1930 : vector<8x1024xi32>
      %shift_left3A_1932 = arith.constant 29 : i32
      %shift_left3A_1933 = vector.broadcast %shift_left3A_1932 : i32 to vector<8x1024xi32>
      %shift_left3A_1934 = arith.shli %xor3A_1930, %shift_left3A_1933 : vector<8x1024xi32>
      %shift_right_logical3A_1935 = arith.constant 3 : i32
      %shift_right_logical3A_1936 = vector.broadcast %shift_right_logical3A_1935 : i32 to vector<8x1024xi32>
      %shift_right_logical3A_1937 = arith.shrui %xor3A_1930, %shift_right_logical3A_1936 : vector<8x1024xi32>
      %or3A_1938 = arith.ori %shift_left3A_1934, %shift_right_logical3A_1937 : vector<8x1024xi32>
      %xor3A_1939 = arith.xori %add3A_1931, %or3A_1938 : vector<8x1024xi32>
      %add3A_1940 = arith.addi %add3A_1931, %xor3A_1939 : vector<8x1024xi32>
      %shift_left3A_1941 = arith.constant 16 : i32
      %shift_left3A_1942 = vector.broadcast %shift_left3A_1941 : i32 to vector<8x1024xi32>
      %shift_left3A_1943 = arith.shli %xor3A_1939, %shift_left3A_1942 : vector<8x1024xi32>
      %shift_right_logical3A_1944 = arith.constant 16 : i32
      %shift_right_logical3A_1945 = vector.broadcast %shift_right_logical3A_1944 : i32 to vector<8x1024xi32>
      %shift_right_logical3A_1946 = arith.shrui %xor3A_1939, %shift_right_logical3A_1945 : vector<8x1024xi32>
      %or3A_1947 = arith.ori %shift_left3A_1943, %shift_right_logical3A_1946 : vector<8x1024xi32>
      %xor3A_1948 = arith.xori %add3A_1940, %or3A_1947 : vector<8x1024xi32>
      %add3A_1949 = arith.addi %add3A_1940, %xor3A_1948 : vector<8x1024xi32>
      %shift_left3A_1950 = arith.constant 24 : i32
      %shift_left3A_1951 = vector.broadcast %shift_left3A_1950 : i32 to vector<8x1024xi32>
      %shift_left3A_1952 = arith.shli %xor3A_1948, %shift_left3A_1951 : vector<8x1024xi32>
      %shift_right_logical3A_1953 = arith.constant 8 : i32
      %shift_right_logical3A_1954 = vector.broadcast %shift_right_logical3A_1953 : i32 to vector<8x1024xi32>
      %shift_right_logical3A_1955 = arith.shrui %xor3A_1948, %shift_right_logical3A_1954 : vector<8x1024xi32>
      %or3A_1956 = arith.ori %shift_left3A_1952, %shift_right_logical3A_1955 : vector<8x1024xi32>
      %xor3A_1957 = arith.xori %add3A_1949, %or3A_1956 : vector<8x1024xi32>
      %add3A_1958 = arith.constant 466689008 : i32
      %add3A_1959 = vector.broadcast %add3A_1958 : i32 to vector<8x1024xi32>
      %add3A_1960 = arith.addi %add3A_1949, %add3A_1959 : vector<8x1024xi32>
      %add3A_1961 = arith.constant 2 : i32
      %add3A_1962 = vector.broadcast %add3A_1961 : i32 to vector<8x1024xi32>
      %add3A_1963 = arith.addi %xor3A_1957, %add3A_1962 : vector<8x1024xi32>
      %add3A_1964 = arith.addi %add3A_1960, %add3A_1963 : vector<8x1024xi32>
      %shift_left3A_1965 = arith.constant 13 : i32
      %shift_left3A_1966 = vector.broadcast %shift_left3A_1965 : i32 to vector<8x1024xi32>
      %shift_left3A_1967 = arith.shli %add3A_1963, %shift_left3A_1966 : vector<8x1024xi32>
      %shift_right_logical3A_1968 = arith.constant 19 : i32
      %shift_right_logical3A_1969 = vector.broadcast %shift_right_logical3A_1968 : i32 to vector<8x1024xi32>
      %shift_right_logical3A_1970 = arith.shrui %add3A_1963, %shift_right_logical3A_1969 : vector<8x1024xi32>
      %or3A_1971 = arith.ori %shift_left3A_1967, %shift_right_logical3A_1970 : vector<8x1024xi32>
      %xor3A_1972 = arith.xori %add3A_1964, %or3A_1971 : vector<8x1024xi32>
      %add3A_1973 = arith.addi %add3A_1964, %xor3A_1972 : vector<8x1024xi32>
      %shift_left3A_1974 = arith.constant 15 : i32
      %shift_left3A_1975 = vector.broadcast %shift_left3A_1974 : i32 to vector<8x1024xi32>
      %shift_left3A_1976 = arith.shli %xor3A_1972, %shift_left3A_1975 : vector<8x1024xi32>
      %shift_right_logical3A_1977 = arith.constant 17 : i32
      %shift_right_logical3A_1978 = vector.broadcast %shift_right_logical3A_1977 : i32 to vector<8x1024xi32>
      %shift_right_logical3A_1979 = arith.shrui %xor3A_1972, %shift_right_logical3A_1978 : vector<8x1024xi32>
      %or3A_1980 = arith.ori %shift_left3A_1976, %shift_right_logical3A_1979 : vector<8x1024xi32>
      %xor3A_1981 = arith.xori %add3A_1973, %or3A_1980 : vector<8x1024xi32>
      %add3A_1982 = arith.addi %add3A_1973, %xor3A_1981 : vector<8x1024xi32>
      %shift_left3A_1983 = arith.constant 26 : i32
      %shift_left3A_1984 = vector.broadcast %shift_left3A_1983 : i32 to vector<8x1024xi32>
      %shift_left3A_1985 = arith.shli %xor3A_1981, %shift_left3A_1984 : vector<8x1024xi32>
      %shift_right_logical3A_1986 = arith.constant 6 : i32
      %shift_right_logical3A_1987 = vector.broadcast %shift_right_logical3A_1986 : i32 to vector<8x1024xi32>
      %shift_right_logical3A_1988 = arith.shrui %xor3A_1981, %shift_right_logical3A_1987 : vector<8x1024xi32>
      %or3A_1989 = arith.ori %shift_left3A_1985, %shift_right_logical3A_1988 : vector<8x1024xi32>
      %xor3A_1990 = arith.xori %add3A_1982, %or3A_1989 : vector<8x1024xi32>
      %add3A_1991 = arith.addi %add3A_1982, %xor3A_1990 : vector<8x1024xi32>
      %shift_left3A_1992 = arith.constant 6 : i32
      %shift_left3A_1993 = vector.broadcast %shift_left3A_1992 : i32 to vector<8x1024xi32>
      %shift_left3A_1994 = arith.shli %xor3A_1990, %shift_left3A_1993 : vector<8x1024xi32>
      %shift_right_logical3A_1995 = arith.constant 26 : i32
      %shift_right_logical3A_1996 = vector.broadcast %shift_right_logical3A_1995 : i32 to vector<8x1024xi32>
      %shift_right_logical3A_1997 = arith.shrui %xor3A_1990, %shift_right_logical3A_1996 : vector<8x1024xi32>
      %or3A_1998 = arith.ori %shift_left3A_1994, %shift_right_logical3A_1997 : vector<8x1024xi32>
      %xor3A_1999 = arith.xori %add3A_1991, %or3A_1998 : vector<8x1024xi32>
      %add3A_2000 = arith.constant 0 : i32
      %add3A_2001 = vector.broadcast %add3A_2000 : i32 to vector<8x1024xi32>
      %add3A_2002 = arith.addi %add3A_1991, %add3A_2001 : vector<8x1024xi32>
      %add3A_2003 = arith.constant 45 : i32
      %add3A_2004 = vector.broadcast %add3A_2003 : i32 to vector<8x1024xi32>
      %add3A_2005 = arith.addi %xor3A_1999, %add3A_2004 : vector<8x1024xi32>
      %add3A_2006 = arith.addi %add3A_2002, %add3A_2005 : vector<8x1024xi32>
      %shift_left3A_2007 = arith.constant 17 : i32
      %shift_left3A_2008 = vector.broadcast %shift_left3A_2007 : i32 to vector<8x1024xi32>
      %shift_left3A_2009 = arith.shli %add3A_2005, %shift_left3A_2008 : vector<8x1024xi32>
      %shift_right_logical3A_2010 = arith.constant 15 : i32
      %shift_right_logical3A_2011 = vector.broadcast %shift_right_logical3A_2010 : i32 to vector<8x1024xi32>
      %shift_right_logical3A_2012 = arith.shrui %add3A_2005, %shift_right_logical3A_2011 : vector<8x1024xi32>
      %or3A_2013 = arith.ori %shift_left3A_2009, %shift_right_logical3A_2012 : vector<8x1024xi32>
      %xor3A_2014 = arith.xori %add3A_2006, %or3A_2013 : vector<8x1024xi32>
      %add3A_2015 = arith.addi %add3A_2006, %xor3A_2014 : vector<8x1024xi32>
      %shift_left3A_2016 = arith.constant 29 : i32
      %shift_left3A_2017 = vector.broadcast %shift_left3A_2016 : i32 to vector<8x1024xi32>
      %shift_left3A_2018 = arith.shli %xor3A_2014, %shift_left3A_2017 : vector<8x1024xi32>
      %shift_right_logical3A_2019 = arith.constant 3 : i32
      %shift_right_logical3A_2020 = vector.broadcast %shift_right_logical3A_2019 : i32 to vector<8x1024xi32>
      %shift_right_logical3A_2021 = arith.shrui %xor3A_2014, %shift_right_logical3A_2020 : vector<8x1024xi32>
      %or3A_2022 = arith.ori %shift_left3A_2018, %shift_right_logical3A_2021 : vector<8x1024xi32>
      %xor3A_2023 = arith.xori %add3A_2015, %or3A_2022 : vector<8x1024xi32>
      %add3A_2024 = arith.addi %add3A_2015, %xor3A_2023 : vector<8x1024xi32>
      %shift_left3A_2025 = arith.constant 16 : i32
      %shift_left3A_2026 = vector.broadcast %shift_left3A_2025 : i32 to vector<8x1024xi32>
      %shift_left3A_2027 = arith.shli %xor3A_2023, %shift_left3A_2026 : vector<8x1024xi32>
      %shift_right_logical3A_2028 = arith.constant 16 : i32
      %shift_right_logical3A_2029 = vector.broadcast %shift_right_logical3A_2028 : i32 to vector<8x1024xi32>
      %shift_right_logical3A_2030 = arith.shrui %xor3A_2023, %shift_right_logical3A_2029 : vector<8x1024xi32>
      %or3A_2031 = arith.ori %shift_left3A_2027, %shift_right_logical3A_2030 : vector<8x1024xi32>
      %xor3A_2032 = arith.xori %add3A_2024, %or3A_2031 : vector<8x1024xi32>
      %add3A_2033 = arith.addi %add3A_2024, %xor3A_2032 : vector<8x1024xi32>
      %shift_left3A_2034 = arith.constant 24 : i32
      %shift_left3A_2035 = vector.broadcast %shift_left3A_2034 : i32 to vector<8x1024xi32>
      %shift_left3A_2036 = arith.shli %xor3A_2032, %shift_left3A_2035 : vector<8x1024xi32>
      %shift_right_logical3A_2037 = arith.constant 8 : i32
      %shift_right_logical3A_2038 = vector.broadcast %shift_right_logical3A_2037 : i32 to vector<8x1024xi32>
      %shift_right_logical3A_2039 = arith.shrui %xor3A_2032, %shift_right_logical3A_2038 : vector<8x1024xi32>
      %or3A_2040 = arith.ori %shift_left3A_2036, %shift_right_logical3A_2039 : vector<8x1024xi32>
      %xor3A_2041 = arith.xori %add3A_2033, %or3A_2040 : vector<8x1024xi32>
      %add3A_2042 = arith.constant 42 : i32
      %add3A_2043 = vector.broadcast %add3A_2042 : i32 to vector<8x1024xi32>
      %add3A_2044 = arith.addi %add3A_2033, %add3A_2043 : vector<8x1024xi32>
      %add3A_2045 = arith.constant 466689012 : i32
      %add3A_2046 = vector.broadcast %add3A_2045 : i32 to vector<8x1024xi32>
      %add3A_2047 = arith.addi %xor3A_2041, %add3A_2046 : vector<8x1024xi32>
      %add3A_2048 = arith.addi %add3A_2044, %add3A_2047 : vector<8x1024xi32>
      %shift_left3A_2049 = arith.constant 13 : i32
      %shift_left3A_2050 = vector.broadcast %shift_left3A_2049 : i32 to vector<8x1024xi32>
      %shift_left3A_2051 = arith.shli %add3A_2047, %shift_left3A_2050 : vector<8x1024xi32>
      %shift_right_logical3A_2052 = arith.constant 19 : i32
      %shift_right_logical3A_2053 = vector.broadcast %shift_right_logical3A_2052 : i32 to vector<8x1024xi32>
      %shift_right_logical3A_2054 = arith.shrui %add3A_2047, %shift_right_logical3A_2053 : vector<8x1024xi32>
      %or3A_2055 = arith.ori %shift_left3A_2051, %shift_right_logical3A_2054 : vector<8x1024xi32>
      %xor3A_2056 = arith.xori %add3A_2048, %or3A_2055 : vector<8x1024xi32>
      %add3A_2057 = arith.addi %add3A_2048, %xor3A_2056 : vector<8x1024xi32>
      %shift_left3A_2058 = arith.constant 15 : i32
      %shift_left3A_2059 = vector.broadcast %shift_left3A_2058 : i32 to vector<8x1024xi32>
      %shift_left3A_2060 = arith.shli %xor3A_2056, %shift_left3A_2059 : vector<8x1024xi32>
      %shift_right_logical3A_2061 = arith.constant 17 : i32
      %shift_right_logical3A_2062 = vector.broadcast %shift_right_logical3A_2061 : i32 to vector<8x1024xi32>
      %shift_right_logical3A_2063 = arith.shrui %xor3A_2056, %shift_right_logical3A_2062 : vector<8x1024xi32>
      %or3A_2064 = arith.ori %shift_left3A_2060, %shift_right_logical3A_2063 : vector<8x1024xi32>
      %xor3A_2065 = arith.xori %add3A_2057, %or3A_2064 : vector<8x1024xi32>
      %add3A_2066 = arith.addi %add3A_2057, %xor3A_2065 : vector<8x1024xi32>
      %shift_left3A_2067 = arith.constant 26 : i32
      %shift_left3A_2068 = vector.broadcast %shift_left3A_2067 : i32 to vector<8x1024xi32>
      %shift_left3A_2069 = arith.shli %xor3A_2065, %shift_left3A_2068 : vector<8x1024xi32>
      %shift_right_logical3A_2070 = arith.constant 6 : i32
      %shift_right_logical3A_2071 = vector.broadcast %shift_right_logical3A_2070 : i32 to vector<8x1024xi32>
      %shift_right_logical3A_2072 = arith.shrui %xor3A_2065, %shift_right_logical3A_2071 : vector<8x1024xi32>
      %or3A_2073 = arith.ori %shift_left3A_2069, %shift_right_logical3A_2072 : vector<8x1024xi32>
      %xor3A_2074 = arith.xori %add3A_2066, %or3A_2073 : vector<8x1024xi32>
      %add3A_2075 = arith.addi %add3A_2066, %xor3A_2074 : vector<8x1024xi32>
      %shift_left3A_2076 = arith.constant 6 : i32
      %shift_left3A_2077 = vector.broadcast %shift_left3A_2076 : i32 to vector<8x1024xi32>
      %shift_left3A_2078 = arith.shli %xor3A_2074, %shift_left3A_2077 : vector<8x1024xi32>
      %shift_right_logical3A_2079 = arith.constant 26 : i32
      %shift_right_logical3A_2080 = vector.broadcast %shift_right_logical3A_2079 : i32 to vector<8x1024xi32>
      %shift_right_logical3A_2081 = arith.shrui %xor3A_2074, %shift_right_logical3A_2080 : vector<8x1024xi32>
      %or3A_2082 = arith.ori %shift_left3A_2078, %shift_right_logical3A_2081 : vector<8x1024xi32>
      %xor3A_2083 = arith.xori %add3A_2075, %or3A_2082 : vector<8x1024xi32>
      %add3A_2084 = arith.constant 466689008 : i32
      %add3A_2085 = vector.broadcast %add3A_2084 : i32 to vector<8x1024xi32>
      %add3A_2086 = arith.addi %add3A_2075, %add3A_2085 : vector<8x1024xi32>
      %add3A_2087 = arith.constant 5 : i32
      %add3A_2088 = vector.broadcast %add3A_2087 : i32 to vector<8x1024xi32>
      %add3A_2089 = arith.addi %xor3A_2083, %add3A_2088 : vector<8x1024xi32>
      %xor3A_2090 = arith.xori %add3A_2086, %add3A_2089 : vector<8x1024xi32>
      %shift_right_logical3A_2091 = arith.constant 9 : i32
      %shift_right_logical3A_2092 = vector.broadcast %shift_right_logical3A_2091 : i32 to vector<8x1024xi32>
      %shift_right_logical3A_2093 = arith.shrui %xor3A_2090, %shift_right_logical3A_2092 : vector<8x1024xi32>
      %or3A_2094 = arith.constant 1065353216 : i32
      %or3A_2095 = vector.broadcast %or3A_2094 : i32 to vector<8x1024xi32>
      %or3A_2096 = arith.ori %shift_right_logical3A_2093, %or3A_2095 : vector<8x1024xi32>
      %bitcast_convert_type3A_2097 = tpu.bitcast %or3A_2096 : vector<8x1024xi32> -> vector<8x1024xf32>
      %sub3A_2098 = arith.constant 1.000000e+00 : f32
      %sub3A_2099 = vector.broadcast %sub3A_2098 : f32 to vector<8x1024xf32>
      %sub3A_2100 = arith.subf %bitcast_convert_type3A_2097, %sub3A_2099 : vector<8x1024xf32>
      %add3A_2101 = arith.constant 1.17549435E-38 : f32
      %add3A_2102 = vector.broadcast %add3A_2101 : f32 to vector<8x1024xf32>
      %add3A_2103 = arith.addf %sub3A_2100, %add3A_2102 : vector<8x1024xf32>
      %max3A_2104 = arith.constant 1.17549435E-38 : f32
      %max3A_2105 = vector.broadcast %max3A_2104 : f32 to vector<8x1024xf32>
      %max3A_2106 = arith.maximumf %max3A_2105, %add3A_2103 : vector<8x1024xf32>
      %log3A_2107 = math.log %max3A_2106 : vector<8x1024xf32>
      %neg3A_2108 = arith.constant 0.000000e+00 : f32
      %neg3A_2109 = vector.broadcast %neg3A_2108 : f32 to vector<8x1024xf32>
      %neg3A_2110 = arith.subf %neg3A_2109, %log3A_2107 : vector<8x1024xf32>
      %log3A_2111 = math.log %neg3A_2110 : vector<8x1024xf32>
      %sub3A_2112 = arith.subf %get3A_1867, %log3A_2111 : vector<8x1024xf32>
      %gt3A_2113 = arith.cmpf ogt, %sub3A_2112, %select_n3A_1858 : vector<8x1024xf32>
      %select_n3A_2114 = arith.select %gt3A_2113, %sub3A_2112, %select_n3A_1858 : vector<8x1024xi1>, vector<8x1024xf32>
      %select_n3A_2115 = arith.select %gt3A_2113, %add3A_1871, %select_n3A_1859 : vector<8x1024xi1>, vector<8x1024xi32>
      %scan3A_2116 = arith.constant 5 : i32
      %scan3A_2117 = arith.addi %scan3A_835, %scan3A_2116 : i32
      %mul3A_2118 = arith.constant 1024 : i32
      %mul3A_2119 = arith.muli %scan3A_2117, %mul3A_2118 : i32
      %multiple_of3A_2120 = tpu.assume_multiple %mul3A_2119, 1024 : i32
      %get3A_2121 = arith.constant 0 : index
      %get3A_2122 = arith.index_cast %multiple_of3A_2120 : i32 to index
      %get3A_2123 = vector.load %arg1[%get3A_2121, %get3A_2122] : memref<8x100000xf32, #tpu.memory_space<vmem>>, vector<8x1024xf32>
      %mul3A_2124 = arith.constant 1024 : i32
      %mul3A_2125 = arith.muli %scan3A_2117, %mul3A_2124 : i32
      %add3A_2126 = vector.broadcast %mul3A_2125 : i32 to vector<8x1024xi32>
      %add3A_2127 = arith.addi %add3A_6, %add3A_2126 : vector<8x1024xi32>
      %broadcast_in_dim3A_2128 = arith.constant 0 : i32
      %broadcast_in_dim3A_2129 = vector.broadcast %broadcast_in_dim3A_2128 : i32 to vector<8x1024xi32>
      %add3A_2130 = arith.constant 0 : i32
      %add3A_2131 = vector.broadcast %add3A_2130 : i32 to vector<8x1024xi32>
      %add3A_2132 = arith.addi %broadcast_in_dim3A_2129, %add3A_2131 : vector<8x1024xi32>
      %add3A_2133 = arith.constant 42 : i32
      %add3A_2134 = vector.broadcast %add3A_2133 : i32 to vector<8x1024xi32>
      %add3A_2135 = arith.addi %add3A_2127, %add3A_2134 : vector<8x1024xi32>
      %add3A_2136 = arith.addi %add3A_2132, %add3A_2135 : vector<8x1024xi32>
      %shift_left3A_2137 = arith.constant 13 : i32
      %shift_left3A_2138 = vector.broadcast %shift_left3A_2137 : i32 to vector<8x1024xi32>
      %shift_left3A_2139 = arith.shli %add3A_2135, %shift_left3A_2138 : vector<8x1024xi32>
      %shift_right_logical3A_2140 = arith.constant 19 : i32
      %shift_right_logical3A_2141 = vector.broadcast %shift_right_logical3A_2140 : i32 to vector<8x1024xi32>
      %shift_right_logical3A_2142 = arith.shrui %add3A_2135, %shift_right_logical3A_2141 : vector<8x1024xi32>
      %or3A_2143 = arith.ori %shift_left3A_2139, %shift_right_logical3A_2142 : vector<8x1024xi32>
      %xor3A_2144 = arith.xori %add3A_2136, %or3A_2143 : vector<8x1024xi32>
      %add3A_2145 = arith.addi %add3A_2136, %xor3A_2144 : vector<8x1024xi32>
      %shift_left3A_2146 = arith.constant 15 : i32
      %shift_left3A_2147 = vector.broadcast %shift_left3A_2146 : i32 to vector<8x1024xi32>
      %shift_left3A_2148 = arith.shli %xor3A_2144, %shift_left3A_2147 : vector<8x1024xi32>
      %shift_right_logical3A_2149 = arith.constant 17 : i32
      %shift_right_logical3A_2150 = vector.broadcast %shift_right_logical3A_2149 : i32 to vector<8x1024xi32>
      %shift_right_logical3A_2151 = arith.shrui %xor3A_2144, %shift_right_logical3A_2150 : vector<8x1024xi32>
      %or3A_2152 = arith.ori %shift_left3A_2148, %shift_right_logical3A_2151 : vector<8x1024xi32>
      %xor3A_2153 = arith.xori %add3A_2145, %or3A_2152 : vector<8x1024xi32>
      %add3A_2154 = arith.addi %add3A_2145, %xor3A_2153 : vector<8x1024xi32>
      %shift_left3A_2155 = arith.constant 26 : i32
      %shift_left3A_2156 = vector.broadcast %shift_left3A_2155 : i32 to vector<8x1024xi32>
      %shift_left3A_2157 = arith.shli %xor3A_2153, %shift_left3A_2156 : vector<8x1024xi32>
      %shift_right_logical3A_2158 = arith.constant 6 : i32
      %shift_right_logical3A_2159 = vector.broadcast %shift_right_logical3A_2158 : i32 to vector<8x1024xi32>
      %shift_right_logical3A_2160 = arith.shrui %xor3A_2153, %shift_right_logical3A_2159 : vector<8x1024xi32>
      %or3A_2161 = arith.ori %shift_left3A_2157, %shift_right_logical3A_2160 : vector<8x1024xi32>
      %xor3A_2162 = arith.xori %add3A_2154, %or3A_2161 : vector<8x1024xi32>
      %add3A_2163 = arith.addi %add3A_2154, %xor3A_2162 : vector<8x1024xi32>
      %shift_left3A_2164 = arith.constant 6 : i32
      %shift_left3A_2165 = vector.broadcast %shift_left3A_2164 : i32 to vector<8x1024xi32>
      %shift_left3A_2166 = arith.shli %xor3A_2162, %shift_left3A_2165 : vector<8x1024xi32>
      %shift_right_logical3A_2167 = arith.constant 26 : i32
      %shift_right_logical3A_2168 = vector.broadcast %shift_right_logical3A_2167 : i32 to vector<8x1024xi32>
      %shift_right_logical3A_2169 = arith.shrui %xor3A_2162, %shift_right_logical3A_2168 : vector<8x1024xi32>
      %or3A_2170 = arith.ori %shift_left3A_2166, %shift_right_logical3A_2169 : vector<8x1024xi32>
      %xor3A_2171 = arith.xori %add3A_2163, %or3A_2170 : vector<8x1024xi32>
      %add3A_2172 = arith.constant 42 : i32
      %add3A_2173 = vector.broadcast %add3A_2172 : i32 to vector<8x1024xi32>
      %add3A_2174 = arith.addi %add3A_2163, %add3A_2173 : vector<8x1024xi32>
      %add3A_2175 = arith.constant 466689009 : i32
      %add3A_2176 = vector.broadcast %add3A_2175 : i32 to vector<8x1024xi32>
      %add3A_2177 = arith.addi %xor3A_2171, %add3A_2176 : vector<8x1024xi32>
      %add3A_2178 = arith.addi %add3A_2174, %add3A_2177 : vector<8x1024xi32>
      %shift_left3A_2179 = arith.constant 17 : i32
      %shift_left3A_2180 = vector.broadcast %shift_left3A_2179 : i32 to vector<8x1024xi32>
      %shift_left3A_2181 = arith.shli %add3A_2177, %shift_left3A_2180 : vector<8x1024xi32>
      %shift_right_logical3A_2182 = arith.constant 15 : i32
      %shift_right_logical3A_2183 = vector.broadcast %shift_right_logical3A_2182 : i32 to vector<8x1024xi32>
      %shift_right_logical3A_2184 = arith.shrui %add3A_2177, %shift_right_logical3A_2183 : vector<8x1024xi32>
      %or3A_2185 = arith.ori %shift_left3A_2181, %shift_right_logical3A_2184 : vector<8x1024xi32>
      %xor3A_2186 = arith.xori %add3A_2178, %or3A_2185 : vector<8x1024xi32>
      %add3A_2187 = arith.addi %add3A_2178, %xor3A_2186 : vector<8x1024xi32>
      %shift_left3A_2188 = arith.constant 29 : i32
      %shift_left3A_2189 = vector.broadcast %shift_left3A_2188 : i32 to vector<8x1024xi32>
      %shift_left3A_2190 = arith.shli %xor3A_2186, %shift_left3A_2189 : vector<8x1024xi32>
      %shift_right_logical3A_2191 = arith.constant 3 : i32
      %shift_right_logical3A_2192 = vector.broadcast %shift_right_logical3A_2191 : i32 to vector<8x1024xi32>
      %shift_right_logical3A_2193 = arith.shrui %xor3A_2186, %shift_right_logical3A_2192 : vector<8x1024xi32>
      %or3A_2194 = arith.ori %shift_left3A_2190, %shift_right_logical3A_2193 : vector<8x1024xi32>
      %xor3A_2195 = arith.xori %add3A_2187, %or3A_2194 : vector<8x1024xi32>
      %add3A_2196 = arith.addi %add3A_2187, %xor3A_2195 : vector<8x1024xi32>
      %shift_left3A_2197 = arith.constant 16 : i32
      %shift_left3A_2198 = vector.broadcast %shift_left3A_2197 : i32 to vector<8x1024xi32>
      %shift_left3A_2199 = arith.shli %xor3A_2195, %shift_left3A_2198 : vector<8x1024xi32>
      %shift_right_logical3A_2200 = arith.constant 16 : i32
      %shift_right_logical3A_2201 = vector.broadcast %shift_right_logical3A_2200 : i32 to vector<8x1024xi32>
      %shift_right_logical3A_2202 = arith.shrui %xor3A_2195, %shift_right_logical3A_2201 : vector<8x1024xi32>
      %or3A_2203 = arith.ori %shift_left3A_2199, %shift_right_logical3A_2202 : vector<8x1024xi32>
      %xor3A_2204 = arith.xori %add3A_2196, %or3A_2203 : vector<8x1024xi32>
      %add3A_2205 = arith.addi %add3A_2196, %xor3A_2204 : vector<8x1024xi32>
      %shift_left3A_2206 = arith.constant 24 : i32
      %shift_left3A_2207 = vector.broadcast %shift_left3A_2206 : i32 to vector<8x1024xi32>
      %shift_left3A_2208 = arith.shli %xor3A_2204, %shift_left3A_2207 : vector<8x1024xi32>
      %shift_right_logical3A_2209 = arith.constant 8 : i32
      %shift_right_logical3A_2210 = vector.broadcast %shift_right_logical3A_2209 : i32 to vector<8x1024xi32>
      %shift_right_logical3A_2211 = arith.shrui %xor3A_2204, %shift_right_logical3A_2210 : vector<8x1024xi32>
      %or3A_2212 = arith.ori %shift_left3A_2208, %shift_right_logical3A_2211 : vector<8x1024xi32>
      %xor3A_2213 = arith.xori %add3A_2205, %or3A_2212 : vector<8x1024xi32>
      %add3A_2214 = arith.constant 466689008 : i32
      %add3A_2215 = vector.broadcast %add3A_2214 : i32 to vector<8x1024xi32>
      %add3A_2216 = arith.addi %add3A_2205, %add3A_2215 : vector<8x1024xi32>
      %add3A_2217 = arith.constant 2 : i32
      %add3A_2218 = vector.broadcast %add3A_2217 : i32 to vector<8x1024xi32>
      %add3A_2219 = arith.addi %xor3A_2213, %add3A_2218 : vector<8x1024xi32>
      %add3A_2220 = arith.addi %add3A_2216, %add3A_2219 : vector<8x1024xi32>
      %shift_left3A_2221 = arith.constant 13 : i32
      %shift_left3A_2222 = vector.broadcast %shift_left3A_2221 : i32 to vector<8x1024xi32>
      %shift_left3A_2223 = arith.shli %add3A_2219, %shift_left3A_2222 : vector<8x1024xi32>
      %shift_right_logical3A_2224 = arith.constant 19 : i32
      %shift_right_logical3A_2225 = vector.broadcast %shift_right_logical3A_2224 : i32 to vector<8x1024xi32>
      %shift_right_logical3A_2226 = arith.shrui %add3A_2219, %shift_right_logical3A_2225 : vector<8x1024xi32>
      %or3A_2227 = arith.ori %shift_left3A_2223, %shift_right_logical3A_2226 : vector<8x1024xi32>
      %xor3A_2228 = arith.xori %add3A_2220, %or3A_2227 : vector<8x1024xi32>
      %add3A_2229 = arith.addi %add3A_2220, %xor3A_2228 : vector<8x1024xi32>
      %shift_left3A_2230 = arith.constant 15 : i32
      %shift_left3A_2231 = vector.broadcast %shift_left3A_2230 : i32 to vector<8x1024xi32>
      %shift_left3A_2232 = arith.shli %xor3A_2228, %shift_left3A_2231 : vector<8x1024xi32>
      %shift_right_logical3A_2233 = arith.constant 17 : i32
      %shift_right_logical3A_2234 = vector.broadcast %shift_right_logical3A_2233 : i32 to vector<8x1024xi32>
      %shift_right_logical3A_2235 = arith.shrui %xor3A_2228, %shift_right_logical3A_2234 : vector<8x1024xi32>
      %or3A_2236 = arith.ori %shift_left3A_2232, %shift_right_logical3A_2235 : vector<8x1024xi32>
      %xor3A_2237 = arith.xori %add3A_2229, %or3A_2236 : vector<8x1024xi32>
      %add3A_2238 = arith.addi %add3A_2229, %xor3A_2237 : vector<8x1024xi32>
      %shift_left3A_2239 = arith.constant 26 : i32
      %shift_left3A_2240 = vector.broadcast %shift_left3A_2239 : i32 to vector<8x1024xi32>
      %shift_left3A_2241 = arith.shli %xor3A_2237, %shift_left3A_2240 : vector<8x1024xi32>
      %shift_right_logical3A_2242 = arith.constant 6 : i32
      %shift_right_logical3A_2243 = vector.broadcast %shift_right_logical3A_2242 : i32 to vector<8x1024xi32>
      %shift_right_logical3A_2244 = arith.shrui %xor3A_2237, %shift_right_logical3A_2243 : vector<8x1024xi32>
      %or3A_2245 = arith.ori %shift_left3A_2241, %shift_right_logical3A_2244 : vector<8x1024xi32>
      %xor3A_2246 = arith.xori %add3A_2238, %or3A_2245 : vector<8x1024xi32>
      %add3A_2247 = arith.addi %add3A_2238, %xor3A_2246 : vector<8x1024xi32>
      %shift_left3A_2248 = arith.constant 6 : i32
      %shift_left3A_2249 = vector.broadcast %shift_left3A_2248 : i32 to vector<8x1024xi32>
      %shift_left3A_2250 = arith.shli %xor3A_2246, %shift_left3A_2249 : vector<8x1024xi32>
      %shift_right_logical3A_2251 = arith.constant 26 : i32
      %shift_right_logical3A_2252 = vector.broadcast %shift_right_logical3A_2251 : i32 to vector<8x1024xi32>
      %shift_right_logical3A_2253 = arith.shrui %xor3A_2246, %shift_right_logical3A_2252 : vector<8x1024xi32>
      %or3A_2254 = arith.ori %shift_left3A_2250, %shift_right_logical3A_2253 : vector<8x1024xi32>
      %xor3A_2255 = arith.xori %add3A_2247, %or3A_2254 : vector<8x1024xi32>
      %add3A_2256 = arith.constant 0 : i32
      %add3A_2257 = vector.broadcast %add3A_2256 : i32 to vector<8x1024xi32>
      %add3A_2258 = arith.addi %add3A_2247, %add3A_2257 : vector<8x1024xi32>
      %add3A_2259 = arith.constant 45 : i32
      %add3A_2260 = vector.broadcast %add3A_2259 : i32 to vector<8x1024xi32>
      %add3A_2261 = arith.addi %xor3A_2255, %add3A_2260 : vector<8x1024xi32>
      %add3A_2262 = arith.addi %add3A_2258, %add3A_2261 : vector<8x1024xi32>
      %shift_left3A_2263 = arith.constant 17 : i32
      %shift_left3A_2264 = vector.broadcast %shift_left3A_2263 : i32 to vector<8x1024xi32>
      %shift_left3A_2265 = arith.shli %add3A_2261, %shift_left3A_2264 : vector<8x1024xi32>
      %shift_right_logical3A_2266 = arith.constant 15 : i32
      %shift_right_logical3A_2267 = vector.broadcast %shift_right_logical3A_2266 : i32 to vector<8x1024xi32>
      %shift_right_logical3A_2268 = arith.shrui %add3A_2261, %shift_right_logical3A_2267 : vector<8x1024xi32>
      %or3A_2269 = arith.ori %shift_left3A_2265, %shift_right_logical3A_2268 : vector<8x1024xi32>
      %xor3A_2270 = arith.xori %add3A_2262, %or3A_2269 : vector<8x1024xi32>
      %add3A_2271 = arith.addi %add3A_2262, %xor3A_2270 : vector<8x1024xi32>
      %shift_left3A_2272 = arith.constant 29 : i32
      %shift_left3A_2273 = vector.broadcast %shift_left3A_2272 : i32 to vector<8x1024xi32>
      %shift_left3A_2274 = arith.shli %xor3A_2270, %shift_left3A_2273 : vector<8x1024xi32>
      %shift_right_logical3A_2275 = arith.constant 3 : i32
      %shift_right_logical3A_2276 = vector.broadcast %shift_right_logical3A_2275 : i32 to vector<8x1024xi32>
      %shift_right_logical3A_2277 = arith.shrui %xor3A_2270, %shift_right_logical3A_2276 : vector<8x1024xi32>
      %or3A_2278 = arith.ori %shift_left3A_2274, %shift_right_logical3A_2277 : vector<8x1024xi32>
      %xor3A_2279 = arith.xori %add3A_2271, %or3A_2278 : vector<8x1024xi32>
      %add3A_2280 = arith.addi %add3A_2271, %xor3A_2279 : vector<8x1024xi32>
      %shift_left3A_2281 = arith.constant 16 : i32
      %shift_left3A_2282 = vector.broadcast %shift_left3A_2281 : i32 to vector<8x1024xi32>
      %shift_left3A_2283 = arith.shli %xor3A_2279, %shift_left3A_2282 : vector<8x1024xi32>
      %shift_right_logical3A_2284 = arith.constant 16 : i32
      %shift_right_logical3A_2285 = vector.broadcast %shift_right_logical3A_2284 : i32 to vector<8x1024xi32>
      %shift_right_logical3A_2286 = arith.shrui %xor3A_2279, %shift_right_logical3A_2285 : vector<8x1024xi32>
      %or3A_2287 = arith.ori %shift_left3A_2283, %shift_right_logical3A_2286 : vector<8x1024xi32>
      %xor3A_2288 = arith.xori %add3A_2280, %or3A_2287 : vector<8x1024xi32>
      %add3A_2289 = arith.addi %add3A_2280, %xor3A_2288 : vector<8x1024xi32>
      %shift_left3A_2290 = arith.constant 24 : i32
      %shift_left3A_2291 = vector.broadcast %shift_left3A_2290 : i32 to vector<8x1024xi32>
      %shift_left3A_2292 = arith.shli %xor3A_2288, %shift_left3A_2291 : vector<8x1024xi32>
      %shift_right_logical3A_2293 = arith.constant 8 : i32
      %shift_right_logical3A_2294 = vector.broadcast %shift_right_logical3A_2293 : i32 to vector<8x1024xi32>
      %shift_right_logical3A_2295 = arith.shrui %xor3A_2288, %shift_right_logical3A_2294 : vector<8x1024xi32>
      %or3A_2296 = arith.ori %shift_left3A_2292, %shift_right_logical3A_2295 : vector<8x1024xi32>
      %xor3A_2297 = arith.xori %add3A_2289, %or3A_2296 : vector<8x1024xi32>
      %add3A_2298 = arith.constant 42 : i32
      %add3A_2299 = vector.broadcast %add3A_2298 : i32 to vector<8x1024xi32>
      %add3A_2300 = arith.addi %add3A_2289, %add3A_2299 : vector<8x1024xi32>
      %add3A_2301 = arith.constant 466689012 : i32
      %add3A_2302 = vector.broadcast %add3A_2301 : i32 to vector<8x1024xi32>
      %add3A_2303 = arith.addi %xor3A_2297, %add3A_2302 : vector<8x1024xi32>
      %add3A_2304 = arith.addi %add3A_2300, %add3A_2303 : vector<8x1024xi32>
      %shift_left3A_2305 = arith.constant 13 : i32
      %shift_left3A_2306 = vector.broadcast %shift_left3A_2305 : i32 to vector<8x1024xi32>
      %shift_left3A_2307 = arith.shli %add3A_2303, %shift_left3A_2306 : vector<8x1024xi32>
      %shift_right_logical3A_2308 = arith.constant 19 : i32
      %shift_right_logical3A_2309 = vector.broadcast %shift_right_logical3A_2308 : i32 to vector<8x1024xi32>
      %shift_right_logical3A_2310 = arith.shrui %add3A_2303, %shift_right_logical3A_2309 : vector<8x1024xi32>
      %or3A_2311 = arith.ori %shift_left3A_2307, %shift_right_logical3A_2310 : vector<8x1024xi32>
      %xor3A_2312 = arith.xori %add3A_2304, %or3A_2311 : vector<8x1024xi32>
      %add3A_2313 = arith.addi %add3A_2304, %xor3A_2312 : vector<8x1024xi32>
      %shift_left3A_2314 = arith.constant 15 : i32
      %shift_left3A_2315 = vector.broadcast %shift_left3A_2314 : i32 to vector<8x1024xi32>
      %shift_left3A_2316 = arith.shli %xor3A_2312, %shift_left3A_2315 : vector<8x1024xi32>
      %shift_right_logical3A_2317 = arith.constant 17 : i32
      %shift_right_logical3A_2318 = vector.broadcast %shift_right_logical3A_2317 : i32 to vector<8x1024xi32>
      %shift_right_logical3A_2319 = arith.shrui %xor3A_2312, %shift_right_logical3A_2318 : vector<8x1024xi32>
      %or3A_2320 = arith.ori %shift_left3A_2316, %shift_right_logical3A_2319 : vector<8x1024xi32>
      %xor3A_2321 = arith.xori %add3A_2313, %or3A_2320 : vector<8x1024xi32>
      %add3A_2322 = arith.addi %add3A_2313, %xor3A_2321 : vector<8x1024xi32>
      %shift_left3A_2323 = arith.constant 26 : i32
      %shift_left3A_2324 = vector.broadcast %shift_left3A_2323 : i32 to vector<8x1024xi32>
      %shift_left3A_2325 = arith.shli %xor3A_2321, %shift_left3A_2324 : vector<8x1024xi32>
      %shift_right_logical3A_2326 = arith.constant 6 : i32
      %shift_right_logical3A_2327 = vector.broadcast %shift_right_logical3A_2326 : i32 to vector<8x1024xi32>
      %shift_right_logical3A_2328 = arith.shrui %xor3A_2321, %shift_right_logical3A_2327 : vector<8x1024xi32>
      %or3A_2329 = arith.ori %shift_left3A_2325, %shift_right_logical3A_2328 : vector<8x1024xi32>
      %xor3A_2330 = arith.xori %add3A_2322, %or3A_2329 : vector<8x1024xi32>
      %add3A_2331 = arith.addi %add3A_2322, %xor3A_2330 : vector<8x1024xi32>
      %shift_left3A_2332 = arith.constant 6 : i32
      %shift_left3A_2333 = vector.broadcast %shift_left3A_2332 : i32 to vector<8x1024xi32>
      %shift_left3A_2334 = arith.shli %xor3A_2330, %shift_left3A_2333 : vector<8x1024xi32>
      %shift_right_logical3A_2335 = arith.constant 26 : i32
      %shift_right_logical3A_2336 = vector.broadcast %shift_right_logical3A_2335 : i32 to vector<8x1024xi32>
      %shift_right_logical3A_2337 = arith.shrui %xor3A_2330, %shift_right_logical3A_2336 : vector<8x1024xi32>
      %or3A_2338 = arith.ori %shift_left3A_2334, %shift_right_logical3A_2337 : vector<8x1024xi32>
      %xor3A_2339 = arith.xori %add3A_2331, %or3A_2338 : vector<8x1024xi32>
      %add3A_2340 = arith.constant 466689008 : i32
      %add3A_2341 = vector.broadcast %add3A_2340 : i32 to vector<8x1024xi32>
      %add3A_2342 = arith.addi %add3A_2331, %add3A_2341 : vector<8x1024xi32>
      %add3A_2343 = arith.constant 5 : i32
      %add3A_2344 = vector.broadcast %add3A_2343 : i32 to vector<8x1024xi32>
      %add3A_2345 = arith.addi %xor3A_2339, %add3A_2344 : vector<8x1024xi32>
      %xor3A_2346 = arith.xori %add3A_2342, %add3A_2345 : vector<8x1024xi32>
      %shift_right_logical3A_2347 = arith.constant 9 : i32
      %shift_right_logical3A_2348 = vector.broadcast %shift_right_logical3A_2347 : i32 to vector<8x1024xi32>
      %shift_right_logical3A_2349 = arith.shrui %xor3A_2346, %shift_right_logical3A_2348 : vector<8x1024xi32>
      %or3A_2350 = arith.constant 1065353216 : i32
      %or3A_2351 = vector.broadcast %or3A_2350 : i32 to vector<8x1024xi32>
      %or3A_2352 = arith.ori %shift_right_logical3A_2349, %or3A_2351 : vector<8x1024xi32>
      %bitcast_convert_type3A_2353 = tpu.bitcast %or3A_2352 : vector<8x1024xi32> -> vector<8x1024xf32>
      %sub3A_2354 = arith.constant 1.000000e+00 : f32
      %sub3A_2355 = vector.broadcast %sub3A_2354 : f32 to vector<8x1024xf32>
      %sub3A_2356 = arith.subf %bitcast_convert_type3A_2353, %sub3A_2355 : vector<8x1024xf32>
      %add3A_2357 = arith.constant 1.17549435E-38 : f32
      %add3A_2358 = vector.broadcast %add3A_2357 : f32 to vector<8x1024xf32>
      %add3A_2359 = arith.addf %sub3A_2356, %add3A_2358 : vector<8x1024xf32>
      %max3A_2360 = arith.constant 1.17549435E-38 : f32
      %max3A_2361 = vector.broadcast %max3A_2360 : f32 to vector<8x1024xf32>
      %max3A_2362 = arith.maximumf %max3A_2361, %add3A_2359 : vector<8x1024xf32>
      %log3A_2363 = math.log %max3A_2362 : vector<8x1024xf32>
      %neg3A_2364 = arith.constant 0.000000e+00 : f32
      %neg3A_2365 = vector.broadcast %neg3A_2364 : f32 to vector<8x1024xf32>
      %neg3A_2366 = arith.subf %neg3A_2365, %log3A_2363 : vector<8x1024xf32>
      %log3A_2367 = math.log %neg3A_2366 : vector<8x1024xf32>
      %sub3A_2368 = arith.subf %get3A_2123, %log3A_2367 : vector<8x1024xf32>
      %gt3A_2369 = arith.cmpf ogt, %sub3A_2368, %select_n3A_2114 : vector<8x1024xf32>
      %select_n3A_2370 = arith.select %gt3A_2369, %sub3A_2368, %select_n3A_2114 : vector<8x1024xi1>, vector<8x1024xf32>
      %select_n3A_2371 = arith.select %gt3A_2369, %add3A_2127, %select_n3A_2115 : vector<8x1024xi1>, vector<8x1024xi32>
      %scan3A_2372 = arith.constant 6 : i32
      %scan3A_2373 = arith.addi %scan3A_835, %scan3A_2372 : i32
      %mul3A_2374 = arith.constant 1024 : i32
      %mul3A_2375 = arith.muli %scan3A_2373, %mul3A_2374 : i32
      %multiple_of3A_2376 = tpu.assume_multiple %mul3A_2375, 1024 : i32
      %get3A_2377 = arith.constant 0 : index
      %get3A_2378 = arith.index_cast %multiple_of3A_2376 : i32 to index
      %get3A_2379 = vector.load %arg1[%get3A_2377, %get3A_2378] : memref<8x100000xf32, #tpu.memory_space<vmem>>, vector<8x1024xf32>
      %mul3A_2380 = arith.constant 1024 : i32
      %mul3A_2381 = arith.muli %scan3A_2373, %mul3A_2380 : i32
      %add3A_2382 = vector.broadcast %mul3A_2381 : i32 to vector<8x1024xi32>
      %add3A_2383 = arith.addi %add3A_6, %add3A_2382 : vector<8x1024xi32>
      %broadcast_in_dim3A_2384 = arith.constant 0 : i32
      %broadcast_in_dim3A_2385 = vector.broadcast %broadcast_in_dim3A_2384 : i32 to vector<8x1024xi32>
      %add3A_2386 = arith.constant 0 : i32
      %add3A_2387 = vector.broadcast %add3A_2386 : i32 to vector<8x1024xi32>
      %add3A_2388 = arith.addi %broadcast_in_dim3A_2385, %add3A_2387 : vector<8x1024xi32>
      %add3A_2389 = arith.constant 42 : i32
      %add3A_2390 = vector.broadcast %add3A_2389 : i32 to vector<8x1024xi32>
      %add3A_2391 = arith.addi %add3A_2383, %add3A_2390 : vector<8x1024xi32>
      %add3A_2392 = arith.addi %add3A_2388, %add3A_2391 : vector<8x1024xi32>
      %shift_left3A_2393 = arith.constant 13 : i32
      %shift_left3A_2394 = vector.broadcast %shift_left3A_2393 : i32 to vector<8x1024xi32>
      %shift_left3A_2395 = arith.shli %add3A_2391, %shift_left3A_2394 : vector<8x1024xi32>
      %shift_right_logical3A_2396 = arith.constant 19 : i32
      %shift_right_logical3A_2397 = vector.broadcast %shift_right_logical3A_2396 : i32 to vector<8x1024xi32>
      %shift_right_logical3A_2398 = arith.shrui %add3A_2391, %shift_right_logical3A_2397 : vector<8x1024xi32>
      %or3A_2399 = arith.ori %shift_left3A_2395, %shift_right_logical3A_2398 : vector<8x1024xi32>
      %xor3A_2400 = arith.xori %add3A_2392, %or3A_2399 : vector<8x1024xi32>
      %add3A_2401 = arith.addi %add3A_2392, %xor3A_2400 : vector<8x1024xi32>
      %shift_left3A_2402 = arith.constant 15 : i32
      %shift_left3A_2403 = vector.broadcast %shift_left3A_2402 : i32 to vector<8x1024xi32>
      %shift_left3A_2404 = arith.shli %xor3A_2400, %shift_left3A_2403 : vector<8x1024xi32>
      %shift_right_logical3A_2405 = arith.constant 17 : i32
      %shift_right_logical3A_2406 = vector.broadcast %shift_right_logical3A_2405 : i32 to vector<8x1024xi32>
      %shift_right_logical3A_2407 = arith.shrui %xor3A_2400, %shift_right_logical3A_2406 : vector<8x1024xi32>
      %or3A_2408 = arith.ori %shift_left3A_2404, %shift_right_logical3A_2407 : vector<8x1024xi32>
      %xor3A_2409 = arith.xori %add3A_2401, %or3A_2408 : vector<8x1024xi32>
      %add3A_2410 = arith.addi %add3A_2401, %xor3A_2409 : vector<8x1024xi32>
      %shift_left3A_2411 = arith.constant 26 : i32
      %shift_left3A_2412 = vector.broadcast %shift_left3A_2411 : i32 to vector<8x1024xi32>
      %shift_left3A_2413 = arith.shli %xor3A_2409, %shift_left3A_2412 : vector<8x1024xi32>
      %shift_right_logical3A_2414 = arith.constant 6 : i32
      %shift_right_logical3A_2415 = vector.broadcast %shift_right_logical3A_2414 : i32 to vector<8x1024xi32>
      %shift_right_logical3A_2416 = arith.shrui %xor3A_2409, %shift_right_logical3A_2415 : vector<8x1024xi32>
      %or3A_2417 = arith.ori %shift_left3A_2413, %shift_right_logical3A_2416 : vector<8x1024xi32>
      %xor3A_2418 = arith.xori %add3A_2410, %or3A_2417 : vector<8x1024xi32>
      %add3A_2419 = arith.addi %add3A_2410, %xor3A_2418 : vector<8x1024xi32>
      %shift_left3A_2420 = arith.constant 6 : i32
      %shift_left3A_2421 = vector.broadcast %shift_left3A_2420 : i32 to vector<8x1024xi32>
      %shift_left3A_2422 = arith.shli %xor3A_2418, %shift_left3A_2421 : vector<8x1024xi32>
      %shift_right_logical3A_2423 = arith.constant 26 : i32
      %shift_right_logical3A_2424 = vector.broadcast %shift_right_logical3A_2423 : i32 to vector<8x1024xi32>
      %shift_right_logical3A_2425 = arith.shrui %xor3A_2418, %shift_right_logical3A_2424 : vector<8x1024xi32>
      %or3A_2426 = arith.ori %shift_left3A_2422, %shift_right_logical3A_2425 : vector<8x1024xi32>
      %xor3A_2427 = arith.xori %add3A_2419, %or3A_2426 : vector<8x1024xi32>
      %add3A_2428 = arith.constant 42 : i32
      %add3A_2429 = vector.broadcast %add3A_2428 : i32 to vector<8x1024xi32>
      %add3A_2430 = arith.addi %add3A_2419, %add3A_2429 : vector<8x1024xi32>
      %add3A_2431 = arith.constant 466689009 : i32
      %add3A_2432 = vector.broadcast %add3A_2431 : i32 to vector<8x1024xi32>
      %add3A_2433 = arith.addi %xor3A_2427, %add3A_2432 : vector<8x1024xi32>
      %add3A_2434 = arith.addi %add3A_2430, %add3A_2433 : vector<8x1024xi32>
      %shift_left3A_2435 = arith.constant 17 : i32
      %shift_left3A_2436 = vector.broadcast %shift_left3A_2435 : i32 to vector<8x1024xi32>
      %shift_left3A_2437 = arith.shli %add3A_2433, %shift_left3A_2436 : vector<8x1024xi32>
      %shift_right_logical3A_2438 = arith.constant 15 : i32
      %shift_right_logical3A_2439 = vector.broadcast %shift_right_logical3A_2438 : i32 to vector<8x1024xi32>
      %shift_right_logical3A_2440 = arith.shrui %add3A_2433, %shift_right_logical3A_2439 : vector<8x1024xi32>
      %or3A_2441 = arith.ori %shift_left3A_2437, %shift_right_logical3A_2440 : vector<8x1024xi32>
      %xor3A_2442 = arith.xori %add3A_2434, %or3A_2441 : vector<8x1024xi32>
      %add3A_2443 = arith.addi %add3A_2434, %xor3A_2442 : vector<8x1024xi32>
      %shift_left3A_2444 = arith.constant 29 : i32
      %shift_left3A_2445 = vector.broadcast %shift_left3A_2444 : i32 to vector<8x1024xi32>
      %shift_left3A_2446 = arith.shli %xor3A_2442, %shift_left3A_2445 : vector<8x1024xi32>
      %shift_right_logical3A_2447 = arith.constant 3 : i32
      %shift_right_logical3A_2448 = vector.broadcast %shift_right_logical3A_2447 : i32 to vector<8x1024xi32>
      %shift_right_logical3A_2449 = arith.shrui %xor3A_2442, %shift_right_logical3A_2448 : vector<8x1024xi32>
      %or3A_2450 = arith.ori %shift_left3A_2446, %shift_right_logical3A_2449 : vector<8x1024xi32>
      %xor3A_2451 = arith.xori %add3A_2443, %or3A_2450 : vector<8x1024xi32>
      %add3A_2452 = arith.addi %add3A_2443, %xor3A_2451 : vector<8x1024xi32>
      %shift_left3A_2453 = arith.constant 16 : i32
      %shift_left3A_2454 = vector.broadcast %shift_left3A_2453 : i32 to vector<8x1024xi32>
      %shift_left3A_2455 = arith.shli %xor3A_2451, %shift_left3A_2454 : vector<8x1024xi32>
      %shift_right_logical3A_2456 = arith.constant 16 : i32
      %shift_right_logical3A_2457 = vector.broadcast %shift_right_logical3A_2456 : i32 to vector<8x1024xi32>
      %shift_right_logical3A_2458 = arith.shrui %xor3A_2451, %shift_right_logical3A_2457 : vector<8x1024xi32>
      %or3A_2459 = arith.ori %shift_left3A_2455, %shift_right_logical3A_2458 : vector<8x1024xi32>
      %xor3A_2460 = arith.xori %add3A_2452, %or3A_2459 : vector<8x1024xi32>
      %add3A_2461 = arith.addi %add3A_2452, %xor3A_2460 : vector<8x1024xi32>
      %shift_left3A_2462 = arith.constant 24 : i32
      %shift_left3A_2463 = vector.broadcast %shift_left3A_2462 : i32 to vector<8x1024xi32>
      %shift_left3A_2464 = arith.shli %xor3A_2460, %shift_left3A_2463 : vector<8x1024xi32>
      %shift_right_logical3A_2465 = arith.constant 8 : i32
      %shift_right_logical3A_2466 = vector.broadcast %shift_right_logical3A_2465 : i32 to vector<8x1024xi32>
      %shift_right_logical3A_2467 = arith.shrui %xor3A_2460, %shift_right_logical3A_2466 : vector<8x1024xi32>
      %or3A_2468 = arith.ori %shift_left3A_2464, %shift_right_logical3A_2467 : vector<8x1024xi32>
      %xor3A_2469 = arith.xori %add3A_2461, %or3A_2468 : vector<8x1024xi32>
      %add3A_2470 = arith.constant 466689008 : i32
      %add3A_2471 = vector.broadcast %add3A_2470 : i32 to vector<8x1024xi32>
      %add3A_2472 = arith.addi %add3A_2461, %add3A_2471 : vector<8x1024xi32>
      %add3A_2473 = arith.constant 2 : i32
      %add3A_2474 = vector.broadcast %add3A_2473 : i32 to vector<8x1024xi32>
      %add3A_2475 = arith.addi %xor3A_2469, %add3A_2474 : vector<8x1024xi32>
      %add3A_2476 = arith.addi %add3A_2472, %add3A_2475 : vector<8x1024xi32>
      %shift_left3A_2477 = arith.constant 13 : i32
      %shift_left3A_2478 = vector.broadcast %shift_left3A_2477 : i32 to vector<8x1024xi32>
      %shift_left3A_2479 = arith.shli %add3A_2475, %shift_left3A_2478 : vector<8x1024xi32>
      %shift_right_logical3A_2480 = arith.constant 19 : i32
      %shift_right_logical3A_2481 = vector.broadcast %shift_right_logical3A_2480 : i32 to vector<8x1024xi32>
      %shift_right_logical3A_2482 = arith.shrui %add3A_2475, %shift_right_logical3A_2481 : vector<8x1024xi32>
      %or3A_2483 = arith.ori %shift_left3A_2479, %shift_right_logical3A_2482 : vector<8x1024xi32>
      %xor3A_2484 = arith.xori %add3A_2476, %or3A_2483 : vector<8x1024xi32>
      %add3A_2485 = arith.addi %add3A_2476, %xor3A_2484 : vector<8x1024xi32>
      %shift_left3A_2486 = arith.constant 15 : i32
      %shift_left3A_2487 = vector.broadcast %shift_left3A_2486 : i32 to vector<8x1024xi32>
      %shift_left3A_2488 = arith.shli %xor3A_2484, %shift_left3A_2487 : vector<8x1024xi32>
      %shift_right_logical3A_2489 = arith.constant 17 : i32
      %shift_right_logical3A_2490 = vector.broadcast %shift_right_logical3A_2489 : i32 to vector<8x1024xi32>
      %shift_right_logical3A_2491 = arith.shrui %xor3A_2484, %shift_right_logical3A_2490 : vector<8x1024xi32>
      %or3A_2492 = arith.ori %shift_left3A_2488, %shift_right_logical3A_2491 : vector<8x1024xi32>
      %xor3A_2493 = arith.xori %add3A_2485, %or3A_2492 : vector<8x1024xi32>
      %add3A_2494 = arith.addi %add3A_2485, %xor3A_2493 : vector<8x1024xi32>
      %shift_left3A_2495 = arith.constant 26 : i32
      %shift_left3A_2496 = vector.broadcast %shift_left3A_2495 : i32 to vector<8x1024xi32>
      %shift_left3A_2497 = arith.shli %xor3A_2493, %shift_left3A_2496 : vector<8x1024xi32>
      %shift_right_logical3A_2498 = arith.constant 6 : i32
      %shift_right_logical3A_2499 = vector.broadcast %shift_right_logical3A_2498 : i32 to vector<8x1024xi32>
      %shift_right_logical3A_2500 = arith.shrui %xor3A_2493, %shift_right_logical3A_2499 : vector<8x1024xi32>
      %or3A_2501 = arith.ori %shift_left3A_2497, %shift_right_logical3A_2500 : vector<8x1024xi32>
      %xor3A_2502 = arith.xori %add3A_2494, %or3A_2501 : vector<8x1024xi32>
      %add3A_2503 = arith.addi %add3A_2494, %xor3A_2502 : vector<8x1024xi32>
      %shift_left3A_2504 = arith.constant 6 : i32
      %shift_left3A_2505 = vector.broadcast %shift_left3A_2504 : i32 to vector<8x1024xi32>
      %shift_left3A_2506 = arith.shli %xor3A_2502, %shift_left3A_2505 : vector<8x1024xi32>
      %shift_right_logical3A_2507 = arith.constant 26 : i32
      %shift_right_logical3A_2508 = vector.broadcast %shift_right_logical3A_2507 : i32 to vector<8x1024xi32>
      %shift_right_logical3A_2509 = arith.shrui %xor3A_2502, %shift_right_logical3A_2508 : vector<8x1024xi32>
      %or3A_2510 = arith.ori %shift_left3A_2506, %shift_right_logical3A_2509 : vector<8x1024xi32>
      %xor3A_2511 = arith.xori %add3A_2503, %or3A_2510 : vector<8x1024xi32>
      %add3A_2512 = arith.constant 0 : i32
      %add3A_2513 = vector.broadcast %add3A_2512 : i32 to vector<8x1024xi32>
      %add3A_2514 = arith.addi %add3A_2503, %add3A_2513 : vector<8x1024xi32>
      %add3A_2515 = arith.constant 45 : i32
      %add3A_2516 = vector.broadcast %add3A_2515 : i32 to vector<8x1024xi32>
      %add3A_2517 = arith.addi %xor3A_2511, %add3A_2516 : vector<8x1024xi32>
      %add3A_2518 = arith.addi %add3A_2514, %add3A_2517 : vector<8x1024xi32>
      %shift_left3A_2519 = arith.constant 17 : i32
      %shift_left3A_2520 = vector.broadcast %shift_left3A_2519 : i32 to vector<8x1024xi32>
      %shift_left3A_2521 = arith.shli %add3A_2517, %shift_left3A_2520 : vector<8x1024xi32>
      %shift_right_logical3A_2522 = arith.constant 15 : i32
      %shift_right_logical3A_2523 = vector.broadcast %shift_right_logical3A_2522 : i32 to vector<8x1024xi32>
      %shift_right_logical3A_2524 = arith.shrui %add3A_2517, %shift_right_logical3A_2523 : vector<8x1024xi32>
      %or3A_2525 = arith.ori %shift_left3A_2521, %shift_right_logical3A_2524 : vector<8x1024xi32>
      %xor3A_2526 = arith.xori %add3A_2518, %or3A_2525 : vector<8x1024xi32>
      %add3A_2527 = arith.addi %add3A_2518, %xor3A_2526 : vector<8x1024xi32>
      %shift_left3A_2528 = arith.constant 29 : i32
      %shift_left3A_2529 = vector.broadcast %shift_left3A_2528 : i32 to vector<8x1024xi32>
      %shift_left3A_2530 = arith.shli %xor3A_2526, %shift_left3A_2529 : vector<8x1024xi32>
      %shift_right_logical3A_2531 = arith.constant 3 : i32
      %shift_right_logical3A_2532 = vector.broadcast %shift_right_logical3A_2531 : i32 to vector<8x1024xi32>
      %shift_right_logical3A_2533 = arith.shrui %xor3A_2526, %shift_right_logical3A_2532 : vector<8x1024xi32>
      %or3A_2534 = arith.ori %shift_left3A_2530, %shift_right_logical3A_2533 : vector<8x1024xi32>
      %xor3A_2535 = arith.xori %add3A_2527, %or3A_2534 : vector<8x1024xi32>
      %add3A_2536 = arith.addi %add3A_2527, %xor3A_2535 : vector<8x1024xi32>
      %shift_left3A_2537 = arith.constant 16 : i32
      %shift_left3A_2538 = vector.broadcast %shift_left3A_2537 : i32 to vector<8x1024xi32>
      %shift_left3A_2539 = arith.shli %xor3A_2535, %shift_left3A_2538 : vector<8x1024xi32>
      %shift_right_logical3A_2540 = arith.constant 16 : i32
      %shift_right_logical3A_2541 = vector.broadcast %shift_right_logical3A_2540 : i32 to vector<8x1024xi32>
      %shift_right_logical3A_2542 = arith.shrui %xor3A_2535, %shift_right_logical3A_2541 : vector<8x1024xi32>
      %or3A_2543 = arith.ori %shift_left3A_2539, %shift_right_logical3A_2542 : vector<8x1024xi32>
      %xor3A_2544 = arith.xori %add3A_2536, %or3A_2543 : vector<8x1024xi32>
      %add3A_2545 = arith.addi %add3A_2536, %xor3A_2544 : vector<8x1024xi32>
      %shift_left3A_2546 = arith.constant 24 : i32
      %shift_left3A_2547 = vector.broadcast %shift_left3A_2546 : i32 to vector<8x1024xi32>
      %shift_left3A_2548 = arith.shli %xor3A_2544, %shift_left3A_2547 : vector<8x1024xi32>
      %shift_right_logical3A_2549 = arith.constant 8 : i32
      %shift_right_logical3A_2550 = vector.broadcast %shift_right_logical3A_2549 : i32 to vector<8x1024xi32>
      %shift_right_logical3A_2551 = arith.shrui %xor3A_2544, %shift_right_logical3A_2550 : vector<8x1024xi32>
      %or3A_2552 = arith.ori %shift_left3A_2548, %shift_right_logical3A_2551 : vector<8x1024xi32>
      %xor3A_2553 = arith.xori %add3A_2545, %or3A_2552 : vector<8x1024xi32>
      %add3A_2554 = arith.constant 42 : i32
      %add3A_2555 = vector.broadcast %add3A_2554 : i32 to vector<8x1024xi32>
      %add3A_2556 = arith.addi %add3A_2545, %add3A_2555 : vector<8x1024xi32>
      %add3A_2557 = arith.constant 466689012 : i32
      %add3A_2558 = vector.broadcast %add3A_2557 : i32 to vector<8x1024xi32>
      %add3A_2559 = arith.addi %xor3A_2553, %add3A_2558 : vector<8x1024xi32>
      %add3A_2560 = arith.addi %add3A_2556, %add3A_2559 : vector<8x1024xi32>
      %shift_left3A_2561 = arith.constant 13 : i32
      %shift_left3A_2562 = vector.broadcast %shift_left3A_2561 : i32 to vector<8x1024xi32>
      %shift_left3A_2563 = arith.shli %add3A_2559, %shift_left3A_2562 : vector<8x1024xi32>
      %shift_right_logical3A_2564 = arith.constant 19 : i32
      %shift_right_logical3A_2565 = vector.broadcast %shift_right_logical3A_2564 : i32 to vector<8x1024xi32>
      %shift_right_logical3A_2566 = arith.shrui %add3A_2559, %shift_right_logical3A_2565 : vector<8x1024xi32>
      %or3A_2567 = arith.ori %shift_left3A_2563, %shift_right_logical3A_2566 : vector<8x1024xi32>
      %xor3A_2568 = arith.xori %add3A_2560, %or3A_2567 : vector<8x1024xi32>
      %add3A_2569 = arith.addi %add3A_2560, %xor3A_2568 : vector<8x1024xi32>
      %shift_left3A_2570 = arith.constant 15 : i32
      %shift_left3A_2571 = vector.broadcast %shift_left3A_2570 : i32 to vector<8x1024xi32>
      %shift_left3A_2572 = arith.shli %xor3A_2568, %shift_left3A_2571 : vector<8x1024xi32>
      %shift_right_logical3A_2573 = arith.constant 17 : i32
      %shift_right_logical3A_2574 = vector.broadcast %shift_right_logical3A_2573 : i32 to vector<8x1024xi32>
      %shift_right_logical3A_2575 = arith.shrui %xor3A_2568, %shift_right_logical3A_2574 : vector<8x1024xi32>
      %or3A_2576 = arith.ori %shift_left3A_2572, %shift_right_logical3A_2575 : vector<8x1024xi32>
      %xor3A_2577 = arith.xori %add3A_2569, %or3A_2576 : vector<8x1024xi32>
      %add3A_2578 = arith.addi %add3A_2569, %xor3A_2577 : vector<8x1024xi32>
      %shift_left3A_2579 = arith.constant 26 : i32
      %shift_left3A_2580 = vector.broadcast %shift_left3A_2579 : i32 to vector<8x1024xi32>
      %shift_left3A_2581 = arith.shli %xor3A_2577, %shift_left3A_2580 : vector<8x1024xi32>
      %shift_right_logical3A_2582 = arith.constant 6 : i32
      %shift_right_logical3A_2583 = vector.broadcast %shift_right_logical3A_2582 : i32 to vector<8x1024xi32>
      %shift_right_logical3A_2584 = arith.shrui %xor3A_2577, %shift_right_logical3A_2583 : vector<8x1024xi32>
      %or3A_2585 = arith.ori %shift_left3A_2581, %shift_right_logical3A_2584 : vector<8x1024xi32>
      %xor3A_2586 = arith.xori %add3A_2578, %or3A_2585 : vector<8x1024xi32>
      %add3A_2587 = arith.addi %add3A_2578, %xor3A_2586 : vector<8x1024xi32>
      %shift_left3A_2588 = arith.constant 6 : i32
      %shift_left3A_2589 = vector.broadcast %shift_left3A_2588 : i32 to vector<8x1024xi32>
      %shift_left3A_2590 = arith.shli %xor3A_2586, %shift_left3A_2589 : vector<8x1024xi32>
      %shift_right_logical3A_2591 = arith.constant 26 : i32
      %shift_right_logical3A_2592 = vector.broadcast %shift_right_logical3A_2591 : i32 to vector<8x1024xi32>
      %shift_right_logical3A_2593 = arith.shrui %xor3A_2586, %shift_right_logical3A_2592 : vector<8x1024xi32>
      %or3A_2594 = arith.ori %shift_left3A_2590, %shift_right_logical3A_2593 : vector<8x1024xi32>
      %xor3A_2595 = arith.xori %add3A_2587, %or3A_2594 : vector<8x1024xi32>
      %add3A_2596 = arith.constant 466689008 : i32
      %add3A_2597 = vector.broadcast %add3A_2596 : i32 to vector<8x1024xi32>
      %add3A_2598 = arith.addi %add3A_2587, %add3A_2597 : vector<8x1024xi32>
      %add3A_2599 = arith.constant 5 : i32
      %add3A_2600 = vector.broadcast %add3A_2599 : i32 to vector<8x1024xi32>
      %add3A_2601 = arith.addi %xor3A_2595, %add3A_2600 : vector<8x1024xi32>
      %xor3A_2602 = arith.xori %add3A_2598, %add3A_2601 : vector<8x1024xi32>
      %shift_right_logical3A_2603 = arith.constant 9 : i32
      %shift_right_logical3A_2604 = vector.broadcast %shift_right_logical3A_2603 : i32 to vector<8x1024xi32>
      %shift_right_logical3A_2605 = arith.shrui %xor3A_2602, %shift_right_logical3A_2604 : vector<8x1024xi32>
      %or3A_2606 = arith.constant 1065353216 : i32
      %or3A_2607 = vector.broadcast %or3A_2606 : i32 to vector<8x1024xi32>
      %or3A_2608 = arith.ori %shift_right_logical3A_2605, %or3A_2607 : vector<8x1024xi32>
      %bitcast_convert_type3A_2609 = tpu.bitcast %or3A_2608 : vector<8x1024xi32> -> vector<8x1024xf32>
      %sub3A_2610 = arith.constant 1.000000e+00 : f32
      %sub3A_2611 = vector.broadcast %sub3A_2610 : f32 to vector<8x1024xf32>
      %sub3A_2612 = arith.subf %bitcast_convert_type3A_2609, %sub3A_2611 : vector<8x1024xf32>
      %add3A_2613 = arith.constant 1.17549435E-38 : f32
      %add3A_2614 = vector.broadcast %add3A_2613 : f32 to vector<8x1024xf32>
      %add3A_2615 = arith.addf %sub3A_2612, %add3A_2614 : vector<8x1024xf32>
      %max3A_2616 = arith.constant 1.17549435E-38 : f32
      %max3A_2617 = vector.broadcast %max3A_2616 : f32 to vector<8x1024xf32>
      %max3A_2618 = arith.maximumf %max3A_2617, %add3A_2615 : vector<8x1024xf32>
      %log3A_2619 = math.log %max3A_2618 : vector<8x1024xf32>
      %neg3A_2620 = arith.constant 0.000000e+00 : f32
      %neg3A_2621 = vector.broadcast %neg3A_2620 : f32 to vector<8x1024xf32>
      %neg3A_2622 = arith.subf %neg3A_2621, %log3A_2619 : vector<8x1024xf32>
      %log3A_2623 = math.log %neg3A_2622 : vector<8x1024xf32>
      %sub3A_2624 = arith.subf %get3A_2379, %log3A_2623 : vector<8x1024xf32>
      %gt3A_2625 = arith.cmpf ogt, %sub3A_2624, %select_n3A_2370 : vector<8x1024xf32>
      %select_n3A_2626 = arith.select %gt3A_2625, %sub3A_2624, %select_n3A_2370 : vector<8x1024xi1>, vector<8x1024xf32>
      %select_n3A_2627 = arith.select %gt3A_2625, %add3A_2383, %select_n3A_2371 : vector<8x1024xi1>, vector<8x1024xi32>
      %scan3A_2628 = arith.constant 7 : i32
      %scan3A_2629 = arith.addi %scan3A_835, %scan3A_2628 : i32
      %mul3A_2630 = arith.constant 1024 : i32
      %mul3A_2631 = arith.muli %scan3A_2629, %mul3A_2630 : i32
      %multiple_of3A_2632 = tpu.assume_multiple %mul3A_2631, 1024 : i32
      %get3A_2633 = arith.constant 0 : index
      %get3A_2634 = arith.index_cast %multiple_of3A_2632 : i32 to index
      %get3A_2635 = vector.load %arg1[%get3A_2633, %get3A_2634] : memref<8x100000xf32, #tpu.memory_space<vmem>>, vector<8x1024xf32>
      %mul3A_2636 = arith.constant 1024 : i32
      %mul3A_2637 = arith.muli %scan3A_2629, %mul3A_2636 : i32
      %add3A_2638 = vector.broadcast %mul3A_2637 : i32 to vector<8x1024xi32>
      %add3A_2639 = arith.addi %add3A_6, %add3A_2638 : vector<8x1024xi32>
      %broadcast_in_dim3A_2640 = arith.constant 0 : i32
      %broadcast_in_dim3A_2641 = vector.broadcast %broadcast_in_dim3A_2640 : i32 to vector<8x1024xi32>
      %add3A_2642 = arith.constant 0 : i32
      %add3A_2643 = vector.broadcast %add3A_2642 : i32 to vector<8x1024xi32>
      %add3A_2644 = arith.addi %broadcast_in_dim3A_2641, %add3A_2643 : vector<8x1024xi32>
      %add3A_2645 = arith.constant 42 : i32
      %add3A_2646 = vector.broadcast %add3A_2645 : i32 to vector<8x1024xi32>
      %add3A_2647 = arith.addi %add3A_2639, %add3A_2646 : vector<8x1024xi32>
      %add3A_2648 = arith.addi %add3A_2644, %add3A_2647 : vector<8x1024xi32>
      %shift_left3A_2649 = arith.constant 13 : i32
      %shift_left3A_2650 = vector.broadcast %shift_left3A_2649 : i32 to vector<8x1024xi32>
      %shift_left3A_2651 = arith.shli %add3A_2647, %shift_left3A_2650 : vector<8x1024xi32>
      %shift_right_logical3A_2652 = arith.constant 19 : i32
      %shift_right_logical3A_2653 = vector.broadcast %shift_right_logical3A_2652 : i32 to vector<8x1024xi32>
      %shift_right_logical3A_2654 = arith.shrui %add3A_2647, %shift_right_logical3A_2653 : vector<8x1024xi32>
      %or3A_2655 = arith.ori %shift_left3A_2651, %shift_right_logical3A_2654 : vector<8x1024xi32>
      %xor3A_2656 = arith.xori %add3A_2648, %or3A_2655 : vector<8x1024xi32>
      %add3A_2657 = arith.addi %add3A_2648, %xor3A_2656 : vector<8x1024xi32>
      %shift_left3A_2658 = arith.constant 15 : i32
      %shift_left3A_2659 = vector.broadcast %shift_left3A_2658 : i32 to vector<8x1024xi32>
      %shift_left3A_2660 = arith.shli %xor3A_2656, %shift_left3A_2659 : vector<8x1024xi32>
      %shift_right_logical3A_2661 = arith.constant 17 : i32
      %shift_right_logical3A_2662 = vector.broadcast %shift_right_logical3A_2661 : i32 to vector<8x1024xi32>
      %shift_right_logical3A_2663 = arith.shrui %xor3A_2656, %shift_right_logical3A_2662 : vector<8x1024xi32>
      %or3A_2664 = arith.ori %shift_left3A_2660, %shift_right_logical3A_2663 : vector<8x1024xi32>
      %xor3A_2665 = arith.xori %add3A_2657, %or3A_2664 : vector<8x1024xi32>
      %add3A_2666 = arith.addi %add3A_2657, %xor3A_2665 : vector<8x1024xi32>
      %shift_left3A_2667 = arith.constant 26 : i32
      %shift_left3A_2668 = vector.broadcast %shift_left3A_2667 : i32 to vector<8x1024xi32>
      %shift_left3A_2669 = arith.shli %xor3A_2665, %shift_left3A_2668 : vector<8x1024xi32>
      %shift_right_logical3A_2670 = arith.constant 6 : i32
      %shift_right_logical3A_2671 = vector.broadcast %shift_right_logical3A_2670 : i32 to vector<8x1024xi32>
      %shift_right_logical3A_2672 = arith.shrui %xor3A_2665, %shift_right_logical3A_2671 : vector<8x1024xi32>
      %or3A_2673 = arith.ori %shift_left3A_2669, %shift_right_logical3A_2672 : vector<8x1024xi32>
      %xor3A_2674 = arith.xori %add3A_2666, %or3A_2673 : vector<8x1024xi32>
      %add3A_2675 = arith.addi %add3A_2666, %xor3A_2674 : vector<8x1024xi32>
      %shift_left3A_2676 = arith.constant 6 : i32
      %shift_left3A_2677 = vector.broadcast %shift_left3A_2676 : i32 to vector<8x1024xi32>
      %shift_left3A_2678 = arith.shli %xor3A_2674, %shift_left3A_2677 : vector<8x1024xi32>
      %shift_right_logical3A_2679 = arith.constant 26 : i32
      %shift_right_logical3A_2680 = vector.broadcast %shift_right_logical3A_2679 : i32 to vector<8x1024xi32>
      %shift_right_logical3A_2681 = arith.shrui %xor3A_2674, %shift_right_logical3A_2680 : vector<8x1024xi32>
      %or3A_2682 = arith.ori %shift_left3A_2678, %shift_right_logical3A_2681 : vector<8x1024xi32>
      %xor3A_2683 = arith.xori %add3A_2675, %or3A_2682 : vector<8x1024xi32>
      %add3A_2684 = arith.constant 42 : i32
      %add3A_2685 = vector.broadcast %add3A_2684 : i32 to vector<8x1024xi32>
      %add3A_2686 = arith.addi %add3A_2675, %add3A_2685 : vector<8x1024xi32>
      %add3A_2687 = arith.constant 466689009 : i32
      %add3A_2688 = vector.broadcast %add3A_2687 : i32 to vector<8x1024xi32>
      %add3A_2689 = arith.addi %xor3A_2683, %add3A_2688 : vector<8x1024xi32>
      %add3A_2690 = arith.addi %add3A_2686, %add3A_2689 : vector<8x1024xi32>
      %shift_left3A_2691 = arith.constant 17 : i32
      %shift_left3A_2692 = vector.broadcast %shift_left3A_2691 : i32 to vector<8x1024xi32>
      %shift_left3A_2693 = arith.shli %add3A_2689, %shift_left3A_2692 : vector<8x1024xi32>
      %shift_right_logical3A_2694 = arith.constant 15 : i32
      %shift_right_logical3A_2695 = vector.broadcast %shift_right_logical3A_2694 : i32 to vector<8x1024xi32>
      %shift_right_logical3A_2696 = arith.shrui %add3A_2689, %shift_right_logical3A_2695 : vector<8x1024xi32>
      %or3A_2697 = arith.ori %shift_left3A_2693, %shift_right_logical3A_2696 : vector<8x1024xi32>
      %xor3A_2698 = arith.xori %add3A_2690, %or3A_2697 : vector<8x1024xi32>
      %add3A_2699 = arith.addi %add3A_2690, %xor3A_2698 : vector<8x1024xi32>
      %shift_left3A_2700 = arith.constant 29 : i32
      %shift_left3A_2701 = vector.broadcast %shift_left3A_2700 : i32 to vector<8x1024xi32>
      %shift_left3A_2702 = arith.shli %xor3A_2698, %shift_left3A_2701 : vector<8x1024xi32>
      %shift_right_logical3A_2703 = arith.constant 3 : i32
      %shift_right_logical3A_2704 = vector.broadcast %shift_right_logical3A_2703 : i32 to vector<8x1024xi32>
      %shift_right_logical3A_2705 = arith.shrui %xor3A_2698, %shift_right_logical3A_2704 : vector<8x1024xi32>
      %or3A_2706 = arith.ori %shift_left3A_2702, %shift_right_logical3A_2705 : vector<8x1024xi32>
      %xor3A_2707 = arith.xori %add3A_2699, %or3A_2706 : vector<8x1024xi32>
      %add3A_2708 = arith.addi %add3A_2699, %xor3A_2707 : vector<8x1024xi32>
      %shift_left3A_2709 = arith.constant 16 : i32
      %shift_left3A_2710 = vector.broadcast %shift_left3A_2709 : i32 to vector<8x1024xi32>
      %shift_left3A_2711 = arith.shli %xor3A_2707, %shift_left3A_2710 : vector<8x1024xi32>
      %shift_right_logical3A_2712 = arith.constant 16 : i32
      %shift_right_logical3A_2713 = vector.broadcast %shift_right_logical3A_2712 : i32 to vector<8x1024xi32>
      %shift_right_logical3A_2714 = arith.shrui %xor3A_2707, %shift_right_logical3A_2713 : vector<8x1024xi32>
      %or3A_2715 = arith.ori %shift_left3A_2711, %shift_right_logical3A_2714 : vector<8x1024xi32>
      %xor3A_2716 = arith.xori %add3A_2708, %or3A_2715 : vector<8x1024xi32>
      %add3A_2717 = arith.addi %add3A_2708, %xor3A_2716 : vector<8x1024xi32>
      %shift_left3A_2718 = arith.constant 24 : i32
      %shift_left3A_2719 = vector.broadcast %shift_left3A_2718 : i32 to vector<8x1024xi32>
      %shift_left3A_2720 = arith.shli %xor3A_2716, %shift_left3A_2719 : vector<8x1024xi32>
      %shift_right_logical3A_2721 = arith.constant 8 : i32
      %shift_right_logical3A_2722 = vector.broadcast %shift_right_logical3A_2721 : i32 to vector<8x1024xi32>
      %shift_right_logical3A_2723 = arith.shrui %xor3A_2716, %shift_right_logical3A_2722 : vector<8x1024xi32>
      %or3A_2724 = arith.ori %shift_left3A_2720, %shift_right_logical3A_2723 : vector<8x1024xi32>
      %xor3A_2725 = arith.xori %add3A_2717, %or3A_2724 : vector<8x1024xi32>
      %add3A_2726 = arith.constant 466689008 : i32
      %add3A_2727 = vector.broadcast %add3A_2726 : i32 to vector<8x1024xi32>
      %add3A_2728 = arith.addi %add3A_2717, %add3A_2727 : vector<8x1024xi32>
      %add3A_2729 = arith.constant 2 : i32
      %add3A_2730 = vector.broadcast %add3A_2729 : i32 to vector<8x1024xi32>
      %add3A_2731 = arith.addi %xor3A_2725, %add3A_2730 : vector<8x1024xi32>
      %add3A_2732 = arith.addi %add3A_2728, %add3A_2731 : vector<8x1024xi32>
      %shift_left3A_2733 = arith.constant 13 : i32
      %shift_left3A_2734 = vector.broadcast %shift_left3A_2733 : i32 to vector<8x1024xi32>
      %shift_left3A_2735 = arith.shli %add3A_2731, %shift_left3A_2734 : vector<8x1024xi32>
      %shift_right_logical3A_2736 = arith.constant 19 : i32
      %shift_right_logical3A_2737 = vector.broadcast %shift_right_logical3A_2736 : i32 to vector<8x1024xi32>
      %shift_right_logical3A_2738 = arith.shrui %add3A_2731, %shift_right_logical3A_2737 : vector<8x1024xi32>
      %or3A_2739 = arith.ori %shift_left3A_2735, %shift_right_logical3A_2738 : vector<8x1024xi32>
      %xor3A_2740 = arith.xori %add3A_2732, %or3A_2739 : vector<8x1024xi32>
      %add3A_2741 = arith.addi %add3A_2732, %xor3A_2740 : vector<8x1024xi32>
      %shift_left3A_2742 = arith.constant 15 : i32
      %shift_left3A_2743 = vector.broadcast %shift_left3A_2742 : i32 to vector<8x1024xi32>
      %shift_left3A_2744 = arith.shli %xor3A_2740, %shift_left3A_2743 : vector<8x1024xi32>
      %shift_right_logical3A_2745 = arith.constant 17 : i32
      %shift_right_logical3A_2746 = vector.broadcast %shift_right_logical3A_2745 : i32 to vector<8x1024xi32>
      %shift_right_logical3A_2747 = arith.shrui %xor3A_2740, %shift_right_logical3A_2746 : vector<8x1024xi32>
      %or3A_2748 = arith.ori %shift_left3A_2744, %shift_right_logical3A_2747 : vector<8x1024xi32>
      %xor3A_2749 = arith.xori %add3A_2741, %or3A_2748 : vector<8x1024xi32>
      %add3A_2750 = arith.addi %add3A_2741, %xor3A_2749 : vector<8x1024xi32>
      %shift_left3A_2751 = arith.constant 26 : i32
      %shift_left3A_2752 = vector.broadcast %shift_left3A_2751 : i32 to vector<8x1024xi32>
      %shift_left3A_2753 = arith.shli %xor3A_2749, %shift_left3A_2752 : vector<8x1024xi32>
      %shift_right_logical3A_2754 = arith.constant 6 : i32
      %shift_right_logical3A_2755 = vector.broadcast %shift_right_logical3A_2754 : i32 to vector<8x1024xi32>
      %shift_right_logical3A_2756 = arith.shrui %xor3A_2749, %shift_right_logical3A_2755 : vector<8x1024xi32>
      %or3A_2757 = arith.ori %shift_left3A_2753, %shift_right_logical3A_2756 : vector<8x1024xi32>
      %xor3A_2758 = arith.xori %add3A_2750, %or3A_2757 : vector<8x1024xi32>
      %add3A_2759 = arith.addi %add3A_2750, %xor3A_2758 : vector<8x1024xi32>
      %shift_left3A_2760 = arith.constant 6 : i32
      %shift_left3A_2761 = vector.broadcast %shift_left3A_2760 : i32 to vector<8x1024xi32>
      %shift_left3A_2762 = arith.shli %xor3A_2758, %shift_left3A_2761 : vector<8x1024xi32>
      %shift_right_logical3A_2763 = arith.constant 26 : i32
      %shift_right_logical3A_2764 = vector.broadcast %shift_right_logical3A_2763 : i32 to vector<8x1024xi32>
      %shift_right_logical3A_2765 = arith.shrui %xor3A_2758, %shift_right_logical3A_2764 : vector<8x1024xi32>
      %or3A_2766 = arith.ori %shift_left3A_2762, %shift_right_logical3A_2765 : vector<8x1024xi32>
      %xor3A_2767 = arith.xori %add3A_2759, %or3A_2766 : vector<8x1024xi32>
      %add3A_2768 = arith.constant 0 : i32
      %add3A_2769 = vector.broadcast %add3A_2768 : i32 to vector<8x1024xi32>
      %add3A_2770 = arith.addi %add3A_2759, %add3A_2769 : vector<8x1024xi32>
      %add3A_2771 = arith.constant 45 : i32
      %add3A_2772 = vector.broadcast %add3A_2771 : i32 to vector<8x1024xi32>
      %add3A_2773 = arith.addi %xor3A_2767, %add3A_2772 : vector<8x1024xi32>
      %add3A_2774 = arith.addi %add3A_2770, %add3A_2773 : vector<8x1024xi32>
      %shift_left3A_2775 = arith.constant 17 : i32
      %shift_left3A_2776 = vector.broadcast %shift_left3A_2775 : i32 to vector<8x1024xi32>
      %shift_left3A_2777 = arith.shli %add3A_2773, %shift_left3A_2776 : vector<8x1024xi32>
      %shift_right_logical3A_2778 = arith.constant 15 : i32
      %shift_right_logical3A_2779 = vector.broadcast %shift_right_logical3A_2778 : i32 to vector<8x1024xi32>
      %shift_right_logical3A_2780 = arith.shrui %add3A_2773, %shift_right_logical3A_2779 : vector<8x1024xi32>
      %or3A_2781 = arith.ori %shift_left3A_2777, %shift_right_logical3A_2780 : vector<8x1024xi32>
      %xor3A_2782 = arith.xori %add3A_2774, %or3A_2781 : vector<8x1024xi32>
      %add3A_2783 = arith.addi %add3A_2774, %xor3A_2782 : vector<8x1024xi32>
      %shift_left3A_2784 = arith.constant 29 : i32
      %shift_left3A_2785 = vector.broadcast %shift_left3A_2784 : i32 to vector<8x1024xi32>
      %shift_left3A_2786 = arith.shli %xor3A_2782, %shift_left3A_2785 : vector<8x1024xi32>
      %shift_right_logical3A_2787 = arith.constant 3 : i32
      %shift_right_logical3A_2788 = vector.broadcast %shift_right_logical3A_2787 : i32 to vector<8x1024xi32>
      %shift_right_logical3A_2789 = arith.shrui %xor3A_2782, %shift_right_logical3A_2788 : vector<8x1024xi32>
      %or3A_2790 = arith.ori %shift_left3A_2786, %shift_right_logical3A_2789 : vector<8x1024xi32>
      %xor3A_2791 = arith.xori %add3A_2783, %or3A_2790 : vector<8x1024xi32>
      %add3A_2792 = arith.addi %add3A_2783, %xor3A_2791 : vector<8x1024xi32>
      %shift_left3A_2793 = arith.constant 16 : i32
      %shift_left3A_2794 = vector.broadcast %shift_left3A_2793 : i32 to vector<8x1024xi32>
      %shift_left3A_2795 = arith.shli %xor3A_2791, %shift_left3A_2794 : vector<8x1024xi32>
      %shift_right_logical3A_2796 = arith.constant 16 : i32
      %shift_right_logical3A_2797 = vector.broadcast %shift_right_logical3A_2796 : i32 to vector<8x1024xi32>
      %shift_right_logical3A_2798 = arith.shrui %xor3A_2791, %shift_right_logical3A_2797 : vector<8x1024xi32>
      %or3A_2799 = arith.ori %shift_left3A_2795, %shift_right_logical3A_2798 : vector<8x1024xi32>
      %xor3A_2800 = arith.xori %add3A_2792, %or3A_2799 : vector<8x1024xi32>
      %add3A_2801 = arith.addi %add3A_2792, %xor3A_2800 : vector<8x1024xi32>
      %shift_left3A_2802 = arith.constant 24 : i32
      %shift_left3A_2803 = vector.broadcast %shift_left3A_2802 : i32 to vector<8x1024xi32>
      %shift_left3A_2804 = arith.shli %xor3A_2800, %shift_left3A_2803 : vector<8x1024xi32>
      %shift_right_logical3A_2805 = arith.constant 8 : i32
      %shift_right_logical3A_2806 = vector.broadcast %shift_right_logical3A_2805 : i32 to vector<8x1024xi32>
      %shift_right_logical3A_2807 = arith.shrui %xor3A_2800, %shift_right_logical3A_2806 : vector<8x1024xi32>
      %or3A_2808 = arith.ori %shift_left3A_2804, %shift_right_logical3A_2807 : vector<8x1024xi32>
      %xor3A_2809 = arith.xori %add3A_2801, %or3A_2808 : vector<8x1024xi32>
      %add3A_2810 = arith.constant 42 : i32
      %add3A_2811 = vector.broadcast %add3A_2810 : i32 to vector<8x1024xi32>
      %add3A_2812 = arith.addi %add3A_2801, %add3A_2811 : vector<8x1024xi32>
      %add3A_2813 = arith.constant 466689012 : i32
      %add3A_2814 = vector.broadcast %add3A_2813 : i32 to vector<8x1024xi32>
      %add3A_2815 = arith.addi %xor3A_2809, %add3A_2814 : vector<8x1024xi32>
      %add3A_2816 = arith.addi %add3A_2812, %add3A_2815 : vector<8x1024xi32>
      %shift_left3A_2817 = arith.constant 13 : i32
      %shift_left3A_2818 = vector.broadcast %shift_left3A_2817 : i32 to vector<8x1024xi32>
      %shift_left3A_2819 = arith.shli %add3A_2815, %shift_left3A_2818 : vector<8x1024xi32>
      %shift_right_logical3A_2820 = arith.constant 19 : i32
      %shift_right_logical3A_2821 = vector.broadcast %shift_right_logical3A_2820 : i32 to vector<8x1024xi32>
      %shift_right_logical3A_2822 = arith.shrui %add3A_2815, %shift_right_logical3A_2821 : vector<8x1024xi32>
      %or3A_2823 = arith.ori %shift_left3A_2819, %shift_right_logical3A_2822 : vector<8x1024xi32>
      %xor3A_2824 = arith.xori %add3A_2816, %or3A_2823 : vector<8x1024xi32>
      %add3A_2825 = arith.addi %add3A_2816, %xor3A_2824 : vector<8x1024xi32>
      %shift_left3A_2826 = arith.constant 15 : i32
      %shift_left3A_2827 = vector.broadcast %shift_left3A_2826 : i32 to vector<8x1024xi32>
      %shift_left3A_2828 = arith.shli %xor3A_2824, %shift_left3A_2827 : vector<8x1024xi32>
      %shift_right_logical3A_2829 = arith.constant 17 : i32
      %shift_right_logical3A_2830 = vector.broadcast %shift_right_logical3A_2829 : i32 to vector<8x1024xi32>
      %shift_right_logical3A_2831 = arith.shrui %xor3A_2824, %shift_right_logical3A_2830 : vector<8x1024xi32>
      %or3A_2832 = arith.ori %shift_left3A_2828, %shift_right_logical3A_2831 : vector<8x1024xi32>
      %xor3A_2833 = arith.xori %add3A_2825, %or3A_2832 : vector<8x1024xi32>
      %add3A_2834 = arith.addi %add3A_2825, %xor3A_2833 : vector<8x1024xi32>
      %shift_left3A_2835 = arith.constant 26 : i32
      %shift_left3A_2836 = vector.broadcast %shift_left3A_2835 : i32 to vector<8x1024xi32>
      %shift_left3A_2837 = arith.shli %xor3A_2833, %shift_left3A_2836 : vector<8x1024xi32>
      %shift_right_logical3A_2838 = arith.constant 6 : i32
      %shift_right_logical3A_2839 = vector.broadcast %shift_right_logical3A_2838 : i32 to vector<8x1024xi32>
      %shift_right_logical3A_2840 = arith.shrui %xor3A_2833, %shift_right_logical3A_2839 : vector<8x1024xi32>
      %or3A_2841 = arith.ori %shift_left3A_2837, %shift_right_logical3A_2840 : vector<8x1024xi32>
      %xor3A_2842 = arith.xori %add3A_2834, %or3A_2841 : vector<8x1024xi32>
      %add3A_2843 = arith.addi %add3A_2834, %xor3A_2842 : vector<8x1024xi32>
      %shift_left3A_2844 = arith.constant 6 : i32
      %shift_left3A_2845 = vector.broadcast %shift_left3A_2844 : i32 to vector<8x1024xi32>
      %shift_left3A_2846 = arith.shli %xor3A_2842, %shift_left3A_2845 : vector<8x1024xi32>
      %shift_right_logical3A_2847 = arith.constant 26 : i32
      %shift_right_logical3A_2848 = vector.broadcast %shift_right_logical3A_2847 : i32 to vector<8x1024xi32>
      %shift_right_logical3A_2849 = arith.shrui %xor3A_2842, %shift_right_logical3A_2848 : vector<8x1024xi32>
      %or3A_2850 = arith.ori %shift_left3A_2846, %shift_right_logical3A_2849 : vector<8x1024xi32>
      %xor3A_2851 = arith.xori %add3A_2843, %or3A_2850 : vector<8x1024xi32>
      %add3A_2852 = arith.constant 466689008 : i32
      %add3A_2853 = vector.broadcast %add3A_2852 : i32 to vector<8x1024xi32>
      %add3A_2854 = arith.addi %add3A_2843, %add3A_2853 : vector<8x1024xi32>
      %add3A_2855 = arith.constant 5 : i32
      %add3A_2856 = vector.broadcast %add3A_2855 : i32 to vector<8x1024xi32>
      %add3A_2857 = arith.addi %xor3A_2851, %add3A_2856 : vector<8x1024xi32>
      %xor3A_2858 = arith.xori %add3A_2854, %add3A_2857 : vector<8x1024xi32>
      %shift_right_logical3A_2859 = arith.constant 9 : i32
      %shift_right_logical3A_2860 = vector.broadcast %shift_right_logical3A_2859 : i32 to vector<8x1024xi32>
      %shift_right_logical3A_2861 = arith.shrui %xor3A_2858, %shift_right_logical3A_2860 : vector<8x1024xi32>
      %or3A_2862 = arith.constant 1065353216 : i32
      %or3A_2863 = vector.broadcast %or3A_2862 : i32 to vector<8x1024xi32>
      %or3A_2864 = arith.ori %shift_right_logical3A_2861, %or3A_2863 : vector<8x1024xi32>
      %bitcast_convert_type3A_2865 = tpu.bitcast %or3A_2864 : vector<8x1024xi32> -> vector<8x1024xf32>
      %sub3A_2866 = arith.constant 1.000000e+00 : f32
      %sub3A_2867 = vector.broadcast %sub3A_2866 : f32 to vector<8x1024xf32>
      %sub3A_2868 = arith.subf %bitcast_convert_type3A_2865, %sub3A_2867 : vector<8x1024xf32>
      %add3A_2869 = arith.constant 1.17549435E-38 : f32
      %add3A_2870 = vector.broadcast %add3A_2869 : f32 to vector<8x1024xf32>
      %add3A_2871 = arith.addf %sub3A_2868, %add3A_2870 : vector<8x1024xf32>
      %max3A_2872 = arith.constant 1.17549435E-38 : f32
      %max3A_2873 = vector.broadcast %max3A_2872 : f32 to vector<8x1024xf32>
      %max3A_2874 = arith.maximumf %max3A_2873, %add3A_2871 : vector<8x1024xf32>
      %log3A_2875 = math.log %max3A_2874 : vector<8x1024xf32>
      %neg3A_2876 = arith.constant 0.000000e+00 : f32
      %neg3A_2877 = vector.broadcast %neg3A_2876 : f32 to vector<8x1024xf32>
      %neg3A_2878 = arith.subf %neg3A_2877, %log3A_2875 : vector<8x1024xf32>
      %log3A_2879 = math.log %neg3A_2878 : vector<8x1024xf32>
      %sub3A_2880 = arith.subf %get3A_2635, %log3A_2879 : vector<8x1024xf32>
      %gt3A_2881 = arith.cmpf ogt, %sub3A_2880, %select_n3A_2626 : vector<8x1024xf32>
      %select_n3A_2882 = arith.select %gt3A_2881, %sub3A_2880, %select_n3A_2626 : vector<8x1024xi1>, vector<8x1024xf32>
      %select_n3A_2883 = arith.select %gt3A_2881, %add3A_2639, %select_n3A_2627 : vector<8x1024xi1>, vector<8x1024xi32>
      scf.yield %select_n3A_2882, %select_n3A_2883 : vector<8x1024xf32>, vector<8x1024xi32>
    }
    %scan3A_14 = arith.constant 96 : i32
    %scan3A_15 = arith.addi %scan3A, %scan3A_14 : i32
    %mul3A_16 = arith.constant 1024 : i32
    %mul3A_17 = arith.muli %scan3A_15, %mul3A_16 : i32
    %multiple_of3A = tpu.assume_multiple %mul3A_17, 1024 : i32
    %get3A = arith.constant 0 : index
    %get3A_18 = arith.index_cast %multiple_of3A : i32 to index
    %get3A_19 = vector.load %arg1[%get3A, %get3A_18] : memref<8x100000xf32, #tpu.memory_space<vmem>>, vector<8x1024xf32>
    %mul3A_20 = arith.constant 1024 : i32
    %mul3A_21 = arith.muli %scan3A_15, %mul3A_20 : i32
    %add3A_22 = vector.broadcast %mul3A_21 : i32 to vector<8x1024xi32>
    %add3A_23 = arith.addi %add3A_6, %add3A_22 : vector<8x1024xi32>
    %broadcast_in_dim3A_24 = arith.constant 0 : i32
    %broadcast_in_dim3A_25 = vector.broadcast %broadcast_in_dim3A_24 : i32 to vector<8x1024xi32>
    %add3A_26 = arith.constant 0 : i32
    %add3A_27 = vector.broadcast %add3A_26 : i32 to vector<8x1024xi32>
    %add3A_28 = arith.addi %broadcast_in_dim3A_25, %add3A_27 : vector<8x1024xi32>
    %add3A_29 = arith.constant 42 : i32
    %add3A_30 = vector.broadcast %add3A_29 : i32 to vector<8x1024xi32>
    %add3A_31 = arith.addi %add3A_23, %add3A_30 : vector<8x1024xi32>
    %add3A_32 = arith.addi %add3A_28, %add3A_31 : vector<8x1024xi32>
    %shift_left3A = arith.constant 13 : i32
    %shift_left3A_33 = vector.broadcast %shift_left3A : i32 to vector<8x1024xi32>
    %shift_left3A_34 = arith.shli %add3A_31, %shift_left3A_33 : vector<8x1024xi32>
    %shift_right_logical3A = arith.constant 19 : i32
    %shift_right_logical3A_35 = vector.broadcast %shift_right_logical3A : i32 to vector<8x1024xi32>
    %shift_right_logical3A_36 = arith.shrui %add3A_31, %shift_right_logical3A_35 : vector<8x1024xi32>
    %or3A = arith.ori %shift_left3A_34, %shift_right_logical3A_36 : vector<8x1024xi32>
    %xor3A = arith.xori %add3A_32, %or3A : vector<8x1024xi32>
    %add3A_37 = arith.addi %add3A_32, %xor3A : vector<8x1024xi32>
    %shift_left3A_38 = arith.constant 15 : i32
    %shift_left3A_39 = vector.broadcast %shift_left3A_38 : i32 to vector<8x1024xi32>
    %shift_left3A_40 = arith.shli %xor3A, %shift_left3A_39 : vector<8x1024xi32>
    %shift_right_logical3A_41 = arith.constant 17 : i32
    %shift_right_logical3A_42 = vector.broadcast %shift_right_logical3A_41 : i32 to vector<8x1024xi32>
    %shift_right_logical3A_43 = arith.shrui %xor3A, %shift_right_logical3A_42 : vector<8x1024xi32>
    %or3A_44 = arith.ori %shift_left3A_40, %shift_right_logical3A_43 : vector<8x1024xi32>
    %xor3A_45 = arith.xori %add3A_37, %or3A_44 : vector<8x1024xi32>
    %add3A_46 = arith.addi %add3A_37, %xor3A_45 : vector<8x1024xi32>
    %shift_left3A_47 = arith.constant 26 : i32
    %shift_left3A_48 = vector.broadcast %shift_left3A_47 : i32 to vector<8x1024xi32>
    %shift_left3A_49 = arith.shli %xor3A_45, %shift_left3A_48 : vector<8x1024xi32>
    %shift_right_logical3A_50 = arith.constant 6 : i32
    %shift_right_logical3A_51 = vector.broadcast %shift_right_logical3A_50 : i32 to vector<8x1024xi32>
    %shift_right_logical3A_52 = arith.shrui %xor3A_45, %shift_right_logical3A_51 : vector<8x1024xi32>
    %or3A_53 = arith.ori %shift_left3A_49, %shift_right_logical3A_52 : vector<8x1024xi32>
    %xor3A_54 = arith.xori %add3A_46, %or3A_53 : vector<8x1024xi32>
    %add3A_55 = arith.addi %add3A_46, %xor3A_54 : vector<8x1024xi32>
    %shift_left3A_56 = arith.constant 6 : i32
    %shift_left3A_57 = vector.broadcast %shift_left3A_56 : i32 to vector<8x1024xi32>
    %shift_left3A_58 = arith.shli %xor3A_54, %shift_left3A_57 : vector<8x1024xi32>
    %shift_right_logical3A_59 = arith.constant 26 : i32
    %shift_right_logical3A_60 = vector.broadcast %shift_right_logical3A_59 : i32 to vector<8x1024xi32>
    %shift_right_logical3A_61 = arith.shrui %xor3A_54, %shift_right_logical3A_60 : vector<8x1024xi32>
    %or3A_62 = arith.ori %shift_left3A_58, %shift_right_logical3A_61 : vector<8x1024xi32>
    %xor3A_63 = arith.xori %add3A_55, %or3A_62 : vector<8x1024xi32>
    %add3A_64 = arith.constant 42 : i32
    %add3A_65 = vector.broadcast %add3A_64 : i32 to vector<8x1024xi32>
    %add3A_66 = arith.addi %add3A_55, %add3A_65 : vector<8x1024xi32>
    %add3A_67 = arith.constant 466689009 : i32
    %add3A_68 = vector.broadcast %add3A_67 : i32 to vector<8x1024xi32>
    %add3A_69 = arith.addi %xor3A_63, %add3A_68 : vector<8x1024xi32>
    %add3A_70 = arith.addi %add3A_66, %add3A_69 : vector<8x1024xi32>
    %shift_left3A_71 = arith.constant 17 : i32
    %shift_left3A_72 = vector.broadcast %shift_left3A_71 : i32 to vector<8x1024xi32>
    %shift_left3A_73 = arith.shli %add3A_69, %shift_left3A_72 : vector<8x1024xi32>
    %shift_right_logical3A_74 = arith.constant 15 : i32
    %shift_right_logical3A_75 = vector.broadcast %shift_right_logical3A_74 : i32 to vector<8x1024xi32>
    %shift_right_logical3A_76 = arith.shrui %add3A_69, %shift_right_logical3A_75 : vector<8x1024xi32>
    %or3A_77 = arith.ori %shift_left3A_73, %shift_right_logical3A_76 : vector<8x1024xi32>
    %xor3A_78 = arith.xori %add3A_70, %or3A_77 : vector<8x1024xi32>
    %add3A_79 = arith.addi %add3A_70, %xor3A_78 : vector<8x1024xi32>
    %shift_left3A_80 = arith.constant 29 : i32
    %shift_left3A_81 = vector.broadcast %shift_left3A_80 : i32 to vector<8x1024xi32>
    %shift_left3A_82 = arith.shli %xor3A_78, %shift_left3A_81 : vector<8x1024xi32>
    %shift_right_logical3A_83 = arith.constant 3 : i32
    %shift_right_logical3A_84 = vector.broadcast %shift_right_logical3A_83 : i32 to vector<8x1024xi32>
    %shift_right_logical3A_85 = arith.shrui %xor3A_78, %shift_right_logical3A_84 : vector<8x1024xi32>
    %or3A_86 = arith.ori %shift_left3A_82, %shift_right_logical3A_85 : vector<8x1024xi32>
    %xor3A_87 = arith.xori %add3A_79, %or3A_86 : vector<8x1024xi32>
    %add3A_88 = arith.addi %add3A_79, %xor3A_87 : vector<8x1024xi32>
    %shift_left3A_89 = arith.constant 16 : i32
    %shift_left3A_90 = vector.broadcast %shift_left3A_89 : i32 to vector<8x1024xi32>
    %shift_left3A_91 = arith.shli %xor3A_87, %shift_left3A_90 : vector<8x1024xi32>
    %shift_right_logical3A_92 = arith.constant 16 : i32
    %shift_right_logical3A_93 = vector.broadcast %shift_right_logical3A_92 : i32 to vector<8x1024xi32>
    %shift_right_logical3A_94 = arith.shrui %xor3A_87, %shift_right_logical3A_93 : vector<8x1024xi32>
    %or3A_95 = arith.ori %shift_left3A_91, %shift_right_logical3A_94 : vector<8x1024xi32>
    %xor3A_96 = arith.xori %add3A_88, %or3A_95 : vector<8x1024xi32>
    %add3A_97 = arith.addi %add3A_88, %xor3A_96 : vector<8x1024xi32>
    %shift_left3A_98 = arith.constant 24 : i32
    %shift_left3A_99 = vector.broadcast %shift_left3A_98 : i32 to vector<8x1024xi32>
    %shift_left3A_100 = arith.shli %xor3A_96, %shift_left3A_99 : vector<8x1024xi32>
    %shift_right_logical3A_101 = arith.constant 8 : i32
    %shift_right_logical3A_102 = vector.broadcast %shift_right_logical3A_101 : i32 to vector<8x1024xi32>
    %shift_right_logical3A_103 = arith.shrui %xor3A_96, %shift_right_logical3A_102 : vector<8x1024xi32>
    %or3A_104 = arith.ori %shift_left3A_100, %shift_right_logical3A_103 : vector<8x1024xi32>
    %xor3A_105 = arith.xori %add3A_97, %or3A_104 : vector<8x1024xi32>
    %add3A_106 = arith.constant 466689008 : i32
    %add3A_107 = vector.broadcast %add3A_106 : i32 to vector<8x1024xi32>
    %add3A_108 = arith.addi %add3A_97, %add3A_107 : vector<8x1024xi32>
    %add3A_109 = arith.constant 2 : i32
    %add3A_110 = vector.broadcast %add3A_109 : i32 to vector<8x1024xi32>
    %add3A_111 = arith.addi %xor3A_105, %add3A_110 : vector<8x1024xi32>
    %add3A_112 = arith.addi %add3A_108, %add3A_111 : vector<8x1024xi32>
    %shift_left3A_113 = arith.constant 13 : i32
    %shift_left3A_114 = vector.broadcast %shift_left3A_113 : i32 to vector<8x1024xi32>
    %shift_left3A_115 = arith.shli %add3A_111, %shift_left3A_114 : vector<8x1024xi32>
    %shift_right_logical3A_116 = arith.constant 19 : i32
    %shift_right_logical3A_117 = vector.broadcast %shift_right_logical3A_116 : i32 to vector<8x1024xi32>
    %shift_right_logical3A_118 = arith.shrui %add3A_111, %shift_right_logical3A_117 : vector<8x1024xi32>
    %or3A_119 = arith.ori %shift_left3A_115, %shift_right_logical3A_118 : vector<8x1024xi32>
    %xor3A_120 = arith.xori %add3A_112, %or3A_119 : vector<8x1024xi32>
    %add3A_121 = arith.addi %add3A_112, %xor3A_120 : vector<8x1024xi32>
    %shift_left3A_122 = arith.constant 15 : i32
    %shift_left3A_123 = vector.broadcast %shift_left3A_122 : i32 to vector<8x1024xi32>
    %shift_left3A_124 = arith.shli %xor3A_120, %shift_left3A_123 : vector<8x1024xi32>
    %shift_right_logical3A_125 = arith.constant 17 : i32
    %shift_right_logical3A_126 = vector.broadcast %shift_right_logical3A_125 : i32 to vector<8x1024xi32>
    %shift_right_logical3A_127 = arith.shrui %xor3A_120, %shift_right_logical3A_126 : vector<8x1024xi32>
    %or3A_128 = arith.ori %shift_left3A_124, %shift_right_logical3A_127 : vector<8x1024xi32>
    %xor3A_129 = arith.xori %add3A_121, %or3A_128 : vector<8x1024xi32>
    %add3A_130 = arith.addi %add3A_121, %xor3A_129 : vector<8x1024xi32>
    %shift_left3A_131 = arith.constant 26 : i32
    %shift_left3A_132 = vector.broadcast %shift_left3A_131 : i32 to vector<8x1024xi32>
    %shift_left3A_133 = arith.shli %xor3A_129, %shift_left3A_132 : vector<8x1024xi32>
    %shift_right_logical3A_134 = arith.constant 6 : i32
    %shift_right_logical3A_135 = vector.broadcast %shift_right_logical3A_134 : i32 to vector<8x1024xi32>
    %shift_right_logical3A_136 = arith.shrui %xor3A_129, %shift_right_logical3A_135 : vector<8x1024xi32>
    %or3A_137 = arith.ori %shift_left3A_133, %shift_right_logical3A_136 : vector<8x1024xi32>
    %xor3A_138 = arith.xori %add3A_130, %or3A_137 : vector<8x1024xi32>
    %add3A_139 = arith.addi %add3A_130, %xor3A_138 : vector<8x1024xi32>
    %shift_left3A_140 = arith.constant 6 : i32
    %shift_left3A_141 = vector.broadcast %shift_left3A_140 : i32 to vector<8x1024xi32>
    %shift_left3A_142 = arith.shli %xor3A_138, %shift_left3A_141 : vector<8x1024xi32>
    %shift_right_logical3A_143 = arith.constant 26 : i32
    %shift_right_logical3A_144 = vector.broadcast %shift_right_logical3A_143 : i32 to vector<8x1024xi32>
    %shift_right_logical3A_145 = arith.shrui %xor3A_138, %shift_right_logical3A_144 : vector<8x1024xi32>
    %or3A_146 = arith.ori %shift_left3A_142, %shift_right_logical3A_145 : vector<8x1024xi32>
    %xor3A_147 = arith.xori %add3A_139, %or3A_146 : vector<8x1024xi32>
    %add3A_148 = arith.constant 0 : i32
    %add3A_149 = vector.broadcast %add3A_148 : i32 to vector<8x1024xi32>
    %add3A_150 = arith.addi %add3A_139, %add3A_149 : vector<8x1024xi32>
    %add3A_151 = arith.constant 45 : i32
    %add3A_152 = vector.broadcast %add3A_151 : i32 to vector<8x1024xi32>
    %add3A_153 = arith.addi %xor3A_147, %add3A_152 : vector<8x1024xi32>
    %add3A_154 = arith.addi %add3A_150, %add3A_153 : vector<8x1024xi32>
    %shift_left3A_155 = arith.constant 17 : i32
    %shift_left3A_156 = vector.broadcast %shift_left3A_155 : i32 to vector<8x1024xi32>
    %shift_left3A_157 = arith.shli %add3A_153, %shift_left3A_156 : vector<8x1024xi32>
    %shift_right_logical3A_158 = arith.constant 15 : i32
    %shift_right_logical3A_159 = vector.broadcast %shift_right_logical3A_158 : i32 to vector<8x1024xi32>
    %shift_right_logical3A_160 = arith.shrui %add3A_153, %shift_right_logical3A_159 : vector<8x1024xi32>
    %or3A_161 = arith.ori %shift_left3A_157, %shift_right_logical3A_160 : vector<8x1024xi32>
    %xor3A_162 = arith.xori %add3A_154, %or3A_161 : vector<8x1024xi32>
    %add3A_163 = arith.addi %add3A_154, %xor3A_162 : vector<8x1024xi32>
    %shift_left3A_164 = arith.constant 29 : i32
    %shift_left3A_165 = vector.broadcast %shift_left3A_164 : i32 to vector<8x1024xi32>
    %shift_left3A_166 = arith.shli %xor3A_162, %shift_left3A_165 : vector<8x1024xi32>
    %shift_right_logical3A_167 = arith.constant 3 : i32
    %shift_right_logical3A_168 = vector.broadcast %shift_right_logical3A_167 : i32 to vector<8x1024xi32>
    %shift_right_logical3A_169 = arith.shrui %xor3A_162, %shift_right_logical3A_168 : vector<8x1024xi32>
    %or3A_170 = arith.ori %shift_left3A_166, %shift_right_logical3A_169 : vector<8x1024xi32>
    %xor3A_171 = arith.xori %add3A_163, %or3A_170 : vector<8x1024xi32>
    %add3A_172 = arith.addi %add3A_163, %xor3A_171 : vector<8x1024xi32>
    %shift_left3A_173 = arith.constant 16 : i32
    %shift_left3A_174 = vector.broadcast %shift_left3A_173 : i32 to vector<8x1024xi32>
    %shift_left3A_175 = arith.shli %xor3A_171, %shift_left3A_174 : vector<8x1024xi32>
    %shift_right_logical3A_176 = arith.constant 16 : i32
    %shift_right_logical3A_177 = vector.broadcast %shift_right_logical3A_176 : i32 to vector<8x1024xi32>
    %shift_right_logical3A_178 = arith.shrui %xor3A_171, %shift_right_logical3A_177 : vector<8x1024xi32>
    %or3A_179 = arith.ori %shift_left3A_175, %shift_right_logical3A_178 : vector<8x1024xi32>
    %xor3A_180 = arith.xori %add3A_172, %or3A_179 : vector<8x1024xi32>
    %add3A_181 = arith.addi %add3A_172, %xor3A_180 : vector<8x1024xi32>
    %shift_left3A_182 = arith.constant 24 : i32
    %shift_left3A_183 = vector.broadcast %shift_left3A_182 : i32 to vector<8x1024xi32>
    %shift_left3A_184 = arith.shli %xor3A_180, %shift_left3A_183 : vector<8x1024xi32>
    %shift_right_logical3A_185 = arith.constant 8 : i32
    %shift_right_logical3A_186 = vector.broadcast %shift_right_logical3A_185 : i32 to vector<8x1024xi32>
    %shift_right_logical3A_187 = arith.shrui %xor3A_180, %shift_right_logical3A_186 : vector<8x1024xi32>
    %or3A_188 = arith.ori %shift_left3A_184, %shift_right_logical3A_187 : vector<8x1024xi32>
    %xor3A_189 = arith.xori %add3A_181, %or3A_188 : vector<8x1024xi32>
    %add3A_190 = arith.constant 42 : i32
    %add3A_191 = vector.broadcast %add3A_190 : i32 to vector<8x1024xi32>
    %add3A_192 = arith.addi %add3A_181, %add3A_191 : vector<8x1024xi32>
    %add3A_193 = arith.constant 466689012 : i32
    %add3A_194 = vector.broadcast %add3A_193 : i32 to vector<8x1024xi32>
    %add3A_195 = arith.addi %xor3A_189, %add3A_194 : vector<8x1024xi32>
    %add3A_196 = arith.addi %add3A_192, %add3A_195 : vector<8x1024xi32>
    %shift_left3A_197 = arith.constant 13 : i32
    %shift_left3A_198 = vector.broadcast %shift_left3A_197 : i32 to vector<8x1024xi32>
    %shift_left3A_199 = arith.shli %add3A_195, %shift_left3A_198 : vector<8x1024xi32>
    %shift_right_logical3A_200 = arith.constant 19 : i32
    %shift_right_logical3A_201 = vector.broadcast %shift_right_logical3A_200 : i32 to vector<8x1024xi32>
    %shift_right_logical3A_202 = arith.shrui %add3A_195, %shift_right_logical3A_201 : vector<8x1024xi32>
    %or3A_203 = arith.ori %shift_left3A_199, %shift_right_logical3A_202 : vector<8x1024xi32>
    %xor3A_204 = arith.xori %add3A_196, %or3A_203 : vector<8x1024xi32>
    %add3A_205 = arith.addi %add3A_196, %xor3A_204 : vector<8x1024xi32>
    %shift_left3A_206 = arith.constant 15 : i32
    %shift_left3A_207 = vector.broadcast %shift_left3A_206 : i32 to vector<8x1024xi32>
    %shift_left3A_208 = arith.shli %xor3A_204, %shift_left3A_207 : vector<8x1024xi32>
    %shift_right_logical3A_209 = arith.constant 17 : i32
    %shift_right_logical3A_210 = vector.broadcast %shift_right_logical3A_209 : i32 to vector<8x1024xi32>
    %shift_right_logical3A_211 = arith.shrui %xor3A_204, %shift_right_logical3A_210 : vector<8x1024xi32>
    %or3A_212 = arith.ori %shift_left3A_208, %shift_right_logical3A_211 : vector<8x1024xi32>
    %xor3A_213 = arith.xori %add3A_205, %or3A_212 : vector<8x1024xi32>
    %add3A_214 = arith.addi %add3A_205, %xor3A_213 : vector<8x1024xi32>
    %shift_left3A_215 = arith.constant 26 : i32
    %shift_left3A_216 = vector.broadcast %shift_left3A_215 : i32 to vector<8x1024xi32>
    %shift_left3A_217 = arith.shli %xor3A_213, %shift_left3A_216 : vector<8x1024xi32>
    %shift_right_logical3A_218 = arith.constant 6 : i32
    %shift_right_logical3A_219 = vector.broadcast %shift_right_logical3A_218 : i32 to vector<8x1024xi32>
    %shift_right_logical3A_220 = arith.shrui %xor3A_213, %shift_right_logical3A_219 : vector<8x1024xi32>
    %or3A_221 = arith.ori %shift_left3A_217, %shift_right_logical3A_220 : vector<8x1024xi32>
    %xor3A_222 = arith.xori %add3A_214, %or3A_221 : vector<8x1024xi32>
    %add3A_223 = arith.addi %add3A_214, %xor3A_222 : vector<8x1024xi32>
    %shift_left3A_224 = arith.constant 6 : i32
    %shift_left3A_225 = vector.broadcast %shift_left3A_224 : i32 to vector<8x1024xi32>
    %shift_left3A_226 = arith.shli %xor3A_222, %shift_left3A_225 : vector<8x1024xi32>
    %shift_right_logical3A_227 = arith.constant 26 : i32
    %shift_right_logical3A_228 = vector.broadcast %shift_right_logical3A_227 : i32 to vector<8x1024xi32>
    %shift_right_logical3A_229 = arith.shrui %xor3A_222, %shift_right_logical3A_228 : vector<8x1024xi32>
    %or3A_230 = arith.ori %shift_left3A_226, %shift_right_logical3A_229 : vector<8x1024xi32>
    %xor3A_231 = arith.xori %add3A_223, %or3A_230 : vector<8x1024xi32>
    %add3A_232 = arith.constant 466689008 : i32
    %add3A_233 = vector.broadcast %add3A_232 : i32 to vector<8x1024xi32>
    %add3A_234 = arith.addi %add3A_223, %add3A_233 : vector<8x1024xi32>
    %add3A_235 = arith.constant 5 : i32
    %add3A_236 = vector.broadcast %add3A_235 : i32 to vector<8x1024xi32>
    %add3A_237 = arith.addi %xor3A_231, %add3A_236 : vector<8x1024xi32>
    %xor3A_238 = arith.xori %add3A_234, %add3A_237 : vector<8x1024xi32>
    %shift_right_logical3A_239 = arith.constant 9 : i32
    %shift_right_logical3A_240 = vector.broadcast %shift_right_logical3A_239 : i32 to vector<8x1024xi32>
    %shift_right_logical3A_241 = arith.shrui %xor3A_238, %shift_right_logical3A_240 : vector<8x1024xi32>
    %or3A_242 = arith.constant 1065353216 : i32
    %or3A_243 = vector.broadcast %or3A_242 : i32 to vector<8x1024xi32>
    %or3A_244 = arith.ori %shift_right_logical3A_241, %or3A_243 : vector<8x1024xi32>
    %bitcast_convert_type3A = tpu.bitcast %or3A_244 : vector<8x1024xi32> -> vector<8x1024xf32>
    %sub3A = arith.constant 1.000000e+00 : f32
    %sub3A_245 = vector.broadcast %sub3A : f32 to vector<8x1024xf32>
    %sub3A_246 = arith.subf %bitcast_convert_type3A, %sub3A_245 : vector<8x1024xf32>
    %add3A_247 = arith.constant 1.17549435E-38 : f32
    %add3A_248 = vector.broadcast %add3A_247 : f32 to vector<8x1024xf32>
    %add3A_249 = arith.addf %sub3A_246, %add3A_248 : vector<8x1024xf32>
    %max3A = arith.constant 1.17549435E-38 : f32
    %max3A_250 = vector.broadcast %max3A : f32 to vector<8x1024xf32>
    %max3A_251 = arith.maximumf %max3A_250, %add3A_249 : vector<8x1024xf32>
    %log3A = math.log %max3A_251 : vector<8x1024xf32>
    %neg3A = arith.constant 0.000000e+00 : f32
    %neg3A_252 = vector.broadcast %neg3A : f32 to vector<8x1024xf32>
    %neg3A_253 = arith.subf %neg3A_252, %log3A : vector<8x1024xf32>
    %log3A_254 = math.log %neg3A_253 : vector<8x1024xf32>
    %sub3A_255 = arith.subf %get3A_19, %log3A_254 : vector<8x1024xf32>
    %gt3A = arith.cmpf ogt, %sub3A_255, %scan3A_13#0 : vector<8x1024xf32>
    %select_n3A = arith.select %gt3A, %sub3A_255, %scan3A_13#0 : vector<8x1024xi1>, vector<8x1024xf32>
    %select_n3A_256 = arith.select %gt3A, %add3A_23, %scan3A_13#1 : vector<8x1024xi1>, vector<8x1024xi32>
    %scan3A_257 = arith.constant 97 : i32
    %scan3A_258 = arith.constant 0 : i32
    %scan3A_259 = arith.constant 96 : i32
    %scan3A_260 = arith.addi %scan3A_258, %scan3A_259 : i32
    %scan3A_261 = arith.constant 8 : i32
    %scan3A_262 = scf.for %scan3A_835 = %scan3A_258 to %scan3A_260 step %scan3A_261 iter_args(%scan3A_836 = %broadcast_in_dim3A_7) -> (vector<8x1024xf32>)  : i32 {
      %mul3A_837 = arith.constant 1024 : i32
      %mul3A_838 = arith.muli %scan3A_835, %mul3A_837 : i32
      %multiple_of3A_839 = tpu.assume_multiple %mul3A_838, 1024 : i32
      %get3A_840 = arith.constant 0 : index
      %get3A_841 = arith.index_cast %multiple_of3A_839 : i32 to index
      %get3A_842 = vector.load %arg1[%get3A_840, %get3A_841] : memref<8x100000xf32, #tpu.memory_space<vmem>>, vector<8x1024xf32>
      %max3A_843 = arith.maximumf %scan3A_836, %get3A_842 : vector<8x1024xf32>
      %scan3A_844 = arith.constant 1 : i32
      %scan3A_845 = arith.addi %scan3A_835, %scan3A_844 : i32
      %mul3A_846 = arith.constant 1024 : i32
      %mul3A_847 = arith.muli %scan3A_845, %mul3A_846 : i32
      %multiple_of3A_848 = tpu.assume_multiple %mul3A_847, 1024 : i32
      %get3A_849 = arith.constant 0 : index
      %get3A_850 = arith.index_cast %multiple_of3A_848 : i32 to index
      %get3A_851 = vector.load %arg1[%get3A_849, %get3A_850] : memref<8x100000xf32, #tpu.memory_space<vmem>>, vector<8x1024xf32>
      %max3A_852 = arith.maximumf %max3A_843, %get3A_851 : vector<8x1024xf32>
      %scan3A_853 = arith.constant 2 : i32
      %scan3A_854 = arith.addi %scan3A_835, %scan3A_853 : i32
      %mul3A_855 = arith.constant 1024 : i32
      %mul3A_856 = arith.muli %scan3A_854, %mul3A_855 : i32
      %multiple_of3A_857 = tpu.assume_multiple %mul3A_856, 1024 : i32
      %get3A_858 = arith.constant 0 : index
      %get3A_859 = arith.index_cast %multiple_of3A_857 : i32 to index
      %get3A_860 = vector.load %arg1[%get3A_858, %get3A_859] : memref<8x100000xf32, #tpu.memory_space<vmem>>, vector<8x1024xf32>
      %max3A_861 = arith.maximumf %max3A_852, %get3A_860 : vector<8x1024xf32>
      %scan3A_862 = arith.constant 3 : i32
      %scan3A_863 = arith.addi %scan3A_835, %scan3A_862 : i32
      %mul3A_864 = arith.constant 1024 : i32
      %mul3A_865 = arith.muli %scan3A_863, %mul3A_864 : i32
      %multiple_of3A_866 = tpu.assume_multiple %mul3A_865, 1024 : i32
      %get3A_867 = arith.constant 0 : index
      %get3A_868 = arith.index_cast %multiple_of3A_866 : i32 to index
      %get3A_869 = vector.load %arg1[%get3A_867, %get3A_868] : memref<8x100000xf32, #tpu.memory_space<vmem>>, vector<8x1024xf32>
      %max3A_870 = arith.maximumf %max3A_861, %get3A_869 : vector<8x1024xf32>
      %scan3A_871 = arith.constant 4 : i32
      %scan3A_872 = arith.addi %scan3A_835, %scan3A_871 : i32
      %mul3A_873 = arith.constant 1024 : i32
      %mul3A_874 = arith.muli %scan3A_872, %mul3A_873 : i32
      %multiple_of3A_875 = tpu.assume_multiple %mul3A_874, 1024 : i32
      %get3A_876 = arith.constant 0 : index
      %get3A_877 = arith.index_cast %multiple_of3A_875 : i32 to index
      %get3A_878 = vector.load %arg1[%get3A_876, %get3A_877] : memref<8x100000xf32, #tpu.memory_space<vmem>>, vector<8x1024xf32>
      %max3A_879 = arith.maximumf %max3A_870, %get3A_878 : vector<8x1024xf32>
      %scan3A_880 = arith.constant 5 : i32
      %scan3A_881 = arith.addi %scan3A_835, %scan3A_880 : i32
      %mul3A_882 = arith.constant 1024 : i32
      %mul3A_883 = arith.muli %scan3A_881, %mul3A_882 : i32
      %multiple_of3A_884 = tpu.assume_multiple %mul3A_883, 1024 : i32
      %get3A_885 = arith.constant 0 : index
      %get3A_886 = arith.index_cast %multiple_of3A_884 : i32 to index
      %get3A_887 = vector.load %arg1[%get3A_885, %get3A_886] : memref<8x100000xf32, #tpu.memory_space<vmem>>, vector<8x1024xf32>
      %max3A_888 = arith.maximumf %max3A_879, %get3A_887 : vector<8x1024xf32>
      %scan3A_889 = arith.constant 6 : i32
      %scan3A_890 = arith.addi %scan3A_835, %scan3A_889 : i32
      %mul3A_891 = arith.constant 1024 : i32
      %mul3A_892 = arith.muli %scan3A_890, %mul3A_891 : i32
      %multiple_of3A_893 = tpu.assume_multiple %mul3A_892, 1024 : i32
      %get3A_894 = arith.constant 0 : index
      %get3A_895 = arith.index_cast %multiple_of3A_893 : i32 to index
      %get3A_896 = vector.load %arg1[%get3A_894, %get3A_895] : memref<8x100000xf32, #tpu.memory_space<vmem>>, vector<8x1024xf32>
      %max3A_897 = arith.maximumf %max3A_888, %get3A_896 : vector<8x1024xf32>
      %scan3A_898 = arith.constant 7 : i32
      %scan3A_899 = arith.addi %scan3A_835, %scan3A_898 : i32
      %mul3A_900 = arith.constant 1024 : i32
      %mul3A_901 = arith.muli %scan3A_899, %mul3A_900 : i32
      %multiple_of3A_902 = tpu.assume_multiple %mul3A_901, 1024 : i32
      %get3A_903 = arith.constant 0 : index
      %get3A_904 = arith.index_cast %multiple_of3A_902 : i32 to index
      %get3A_905 = vector.load %arg1[%get3A_903, %get3A_904] : memref<8x100000xf32, #tpu.memory_space<vmem>>, vector<8x1024xf32>
      %max3A_906 = arith.maximumf %max3A_897, %get3A_905 : vector<8x1024xf32>
      scf.yield %max3A_906 : vector<8x1024xf32>
    }
    %scan3A_263 = arith.constant 96 : i32
    %scan3A_264 = arith.addi %scan3A_258, %scan3A_263 : i32
    %mul3A_265 = arith.constant 1024 : i32
    %mul3A_266 = arith.muli %scan3A_264, %mul3A_265 : i32
    %multiple_of3A_267 = tpu.assume_multiple %mul3A_266, 1024 : i32
    %get3A_268 = arith.constant 0 : index
    %get3A_269 = arith.index_cast %multiple_of3A_267 : i32 to index
    %get3A_270 = vector.load %arg1[%get3A_268, %get3A_269] : memref<8x100000xf32, #tpu.memory_space<vmem>>, vector<8x1024xf32>
    %max3A_271 = arith.maximumf %scan3A_262, %get3A_270 : vector<8x1024xf32>
    %scan3A_272 = arith.constant 97 : i32
    %broadcast_in_dim3A_273 = arith.constant 0.000000e+00 : f32
    %broadcast_in_dim3A_274 = vector.broadcast %broadcast_in_dim3A_273 : f32 to vector<8x1024xf32>
    %scan3A_275 = arith.constant 0 : i32
    %scan3A_276 = arith.constant 96 : i32
    %scan3A_277 = arith.addi %scan3A_275, %scan3A_276 : i32
    %scan3A_278 = arith.constant 8 : i32
    %scan3A_279 = scf.for %scan3A_835 = %scan3A_275 to %scan3A_277 step %scan3A_278 iter_args(%scan3A_836 = %broadcast_in_dim3A_274) -> (vector<8x1024xf32>)  : i32 {
      %mul3A_837 = arith.constant 1024 : i32
      %mul3A_838 = arith.muli %scan3A_835, %mul3A_837 : i32
      %multiple_of3A_839 = tpu.assume_multiple %mul3A_838, 1024 : i32
      %get3A_840 = arith.constant 0 : index
      %get3A_841 = arith.index_cast %multiple_of3A_839 : i32 to index
      %get3A_842 = vector.load %arg1[%get3A_840, %get3A_841] : memref<8x100000xf32, #tpu.memory_space<vmem>>, vector<8x1024xf32>
      %sub3A_843 = arith.subf %get3A_842, %max3A_271 : vector<8x1024xf32>
      %exp3A_844 = math.exp %sub3A_843 : vector<8x1024xf32>
      %add3A_845 = arith.addf %scan3A_836, %exp3A_844 : vector<8x1024xf32>
      %scan3A_846 = arith.constant 1 : i32
      %scan3A_847 = arith.addi %scan3A_835, %scan3A_846 : i32
      %mul3A_848 = arith.constant 1024 : i32
      %mul3A_849 = arith.muli %scan3A_847, %mul3A_848 : i32
      %multiple_of3A_850 = tpu.assume_multiple %mul3A_849, 1024 : i32
      %get3A_851 = arith.constant 0 : index
      %get3A_852 = arith.index_cast %multiple_of3A_850 : i32 to index
      %get3A_853 = vector.load %arg1[%get3A_851, %get3A_852] : memref<8x100000xf32, #tpu.memory_space<vmem>>, vector<8x1024xf32>
      %sub3A_854 = arith.subf %get3A_853, %max3A_271 : vector<8x1024xf32>
      %exp3A_855 = math.exp %sub3A_854 : vector<8x1024xf32>
      %add3A_856 = arith.addf %add3A_845, %exp3A_855 : vector<8x1024xf32>
      %scan3A_857 = arith.constant 2 : i32
      %scan3A_858 = arith.addi %scan3A_835, %scan3A_857 : i32
      %mul3A_859 = arith.constant 1024 : i32
      %mul3A_860 = arith.muli %scan3A_858, %mul3A_859 : i32
      %multiple_of3A_861 = tpu.assume_multiple %mul3A_860, 1024 : i32
      %get3A_862 = arith.constant 0 : index
      %get3A_863 = arith.index_cast %multiple_of3A_861 : i32 to index
      %get3A_864 = vector.load %arg1[%get3A_862, %get3A_863] : memref<8x100000xf32, #tpu.memory_space<vmem>>, vector<8x1024xf32>
      %sub3A_865 = arith.subf %get3A_864, %max3A_271 : vector<8x1024xf32>
      %exp3A_866 = math.exp %sub3A_865 : vector<8x1024xf32>
      %add3A_867 = arith.addf %add3A_856, %exp3A_866 : vector<8x1024xf32>
      %scan3A_868 = arith.constant 3 : i32
      %scan3A_869 = arith.addi %scan3A_835, %scan3A_868 : i32
      %mul3A_870 = arith.constant 1024 : i32
      %mul3A_871 = arith.muli %scan3A_869, %mul3A_870 : i32
      %multiple_of3A_872 = tpu.assume_multiple %mul3A_871, 1024 : i32
      %get3A_873 = arith.constant 0 : index
      %get3A_874 = arith.index_cast %multiple_of3A_872 : i32 to index
      %get3A_875 = vector.load %arg1[%get3A_873, %get3A_874] : memref<8x100000xf32, #tpu.memory_space<vmem>>, vector<8x1024xf32>
      %sub3A_876 = arith.subf %get3A_875, %max3A_271 : vector<8x1024xf32>
      %exp3A_877 = math.exp %sub3A_876 : vector<8x1024xf32>
      %add3A_878 = arith.addf %add3A_867, %exp3A_877 : vector<8x1024xf32>
      %scan3A_879 = arith.constant 4 : i32
      %scan3A_880 = arith.addi %scan3A_835, %scan3A_879 : i32
      %mul3A_881 = arith.constant 1024 : i32
      %mul3A_882 = arith.muli %scan3A_880, %mul3A_881 : i32
      %multiple_of3A_883 = tpu.assume_multiple %mul3A_882, 1024 : i32
      %get3A_884 = arith.constant 0 : index
      %get3A_885 = arith.index_cast %multiple_of3A_883 : i32 to index
      %get3A_886 = vector.load %arg1[%get3A_884, %get3A_885] : memref<8x100000xf32, #tpu.memory_space<vmem>>, vector<8x1024xf32>
      %sub3A_887 = arith.subf %get3A_886, %max3A_271 : vector<8x1024xf32>
      %exp3A_888 = math.exp %sub3A_887 : vector<8x1024xf32>
      %add3A_889 = arith.addf %add3A_878, %exp3A_888 : vector<8x1024xf32>
      %scan3A_890 = arith.constant 5 : i32
      %scan3A_891 = arith.addi %scan3A_835, %scan3A_890 : i32
      %mul3A_892 = arith.constant 1024 : i32
      %mul3A_893 = arith.muli %scan3A_891, %mul3A_892 : i32
      %multiple_of3A_894 = tpu.assume_multiple %mul3A_893, 1024 : i32
      %get3A_895 = arith.constant 0 : index
      %get3A_896 = arith.index_cast %multiple_of3A_894 : i32 to index
      %get3A_897 = vector.load %arg1[%get3A_895, %get3A_896] : memref<8x100000xf32, #tpu.memory_space<vmem>>, vector<8x1024xf32>
      %sub3A_898 = arith.subf %get3A_897, %max3A_271 : vector<8x1024xf32>
      %exp3A_899 = math.exp %sub3A_898 : vector<8x1024xf32>
      %add3A_900 = arith.addf %add3A_889, %exp3A_899 : vector<8x1024xf32>
      %scan3A_901 = arith.constant 6 : i32
      %scan3A_902 = arith.addi %scan3A_835, %scan3A_901 : i32
      %mul3A_903 = arith.constant 1024 : i32
      %mul3A_904 = arith.muli %scan3A_902, %mul3A_903 : i32
      %multiple_of3A_905 = tpu.assume_multiple %mul3A_904, 1024 : i32
      %get3A_906 = arith.constant 0 : index
      %get3A_907 = arith.index_cast %multiple_of3A_905 : i32 to index
      %get3A_908 = vector.load %arg1[%get3A_906, %get3A_907] : memref<8x100000xf32, #tpu.memory_space<vmem>>, vector<8x1024xf32>
      %sub3A_909 = arith.subf %get3A_908, %max3A_271 : vector<8x1024xf32>
      %exp3A_910 = math.exp %sub3A_909 : vector<8x1024xf32>
      %add3A_911 = arith.addf %add3A_900, %exp3A_910 : vector<8x1024xf32>
      %scan3A_912 = arith.constant 7 : i32
      %scan3A_913 = arith.addi %scan3A_835, %scan3A_912 : i32
      %mul3A_914 = arith.constant 1024 : i32
      %mul3A_915 = arith.muli %scan3A_913, %mul3A_914 : i32
      %multiple_of3A_916 = tpu.assume_multiple %mul3A_915, 1024 : i32
      %get3A_917 = arith.constant 0 : index
      %get3A_918 = arith.index_cast %multiple_of3A_916 : i32 to index
      %get3A_919 = vector.load %arg1[%get3A_917, %get3A_918] : memref<8x100000xf32, #tpu.memory_space<vmem>>, vector<8x1024xf32>
      %sub3A_920 = arith.subf %get3A_919, %max3A_271 : vector<8x1024xf32>
      %exp3A_921 = math.exp %sub3A_920 : vector<8x1024xf32>
      %add3A_922 = arith.addf %add3A_911, %exp3A_921 : vector<8x1024xf32>
      scf.yield %add3A_922 : vector<8x1024xf32>
    }
    %scan3A_280 = arith.constant 96 : i32
    %scan3A_281 = arith.addi %scan3A_275, %scan3A_280 : i32
    %mul3A_282 = arith.constant 1024 : i32
    %mul3A_283 = arith.muli %scan3A_281, %mul3A_282 : i32
    %multiple_of3A_284 = tpu.assume_multiple %mul3A_283, 1024 : i32
    %get3A_285 = arith.constant 0 : index
    %get3A_286 = arith.index_cast %multiple_of3A_284 : i32 to index
    %get3A_287 = vector.load %arg1[%get3A_285, %get3A_286] : memref<8x100000xf32, #tpu.memory_space<vmem>>, vector<8x1024xf32>
    %sub3A_288 = arith.subf %get3A_287, %max3A_271 : vector<8x1024xf32>
    %exp3A = math.exp %sub3A_288 : vector<8x1024xf32>
    %add3A_289 = arith.addf %scan3A_279, %exp3A : vector<8x1024xf32>
    %scan3A_290 = arith.constant 97 : i32
    %get3A_291 = arith.constant 0 : index
    %get3A_292 = arith.constant 99328 : index
    %get3A_293 = vector.load %arg1[%get3A_291, %get3A_292] : memref<8x100000xf32, #tpu.memory_space<vmem>>, vector<8x672xf32>
    %iota3A_294 = tpu.iota {dimensions = array<i32: 0>} : vector<8x672xi32>
    %add3A_295 = vector.broadcast %mul3A_0 : i32 to vector<8x672xi32>
    %add3A_296 = arith.addi %add3A_295, %iota3A_294 : vector<8x672xi32>
    %mul3A_297 = arith.constant 100000 : i32
    %mul3A_298 = vector.broadcast %mul3A_297 : i32 to vector<8x672xi32>
    %mul3A_299 = arith.muli %add3A_296, %mul3A_298 : vector<8x672xi32>
    %add3A_300 = arith.constant 99328 : i32
    %add3A_301 = vector.broadcast %add3A_300 : i32 to vector<8x672xi32>
    %add3A_302 = arith.addi %mul3A_299, %add3A_301 : vector<8x672xi32>
    %iota3A_303 = tpu.iota {dimensions = array<i32: 1>} : vector<8x672xi32>
    %add3A_304 = arith.addi %add3A_302, %iota3A_303 : vector<8x672xi32>
    %broadcast_in_dim3A_305 = arith.constant 0 : i32
    %broadcast_in_dim3A_306 = vector.broadcast %broadcast_in_dim3A_305 : i32 to vector<8x672xi32>
    %add3A_307 = arith.constant 0 : i32
    %add3A_308 = vector.broadcast %add3A_307 : i32 to vector<8x672xi32>
    %add3A_309 = arith.addi %broadcast_in_dim3A_306, %add3A_308 : vector<8x672xi32>
    %add3A_310 = arith.constant 42 : i32
    %add3A_311 = vector.broadcast %add3A_310 : i32 to vector<8x672xi32>
    %add3A_312 = arith.addi %add3A_304, %add3A_311 : vector<8x672xi32>
    %add3A_313 = arith.addi %add3A_309, %add3A_312 : vector<8x672xi32>
    %shift_left3A_314 = arith.constant 13 : i32
    %shift_left3A_315 = vector.broadcast %shift_left3A_314 : i32 to vector<8x672xi32>
    %shift_left3A_316 = arith.shli %add3A_312, %shift_left3A_315 : vector<8x672xi32>
    %shift_right_logical3A_317 = arith.constant 19 : i32
    %shift_right_logical3A_318 = vector.broadcast %shift_right_logical3A_317 : i32 to vector<8x672xi32>
    %shift_right_logical3A_319 = arith.shrui %add3A_312, %shift_right_logical3A_318 : vector<8x672xi32>
    %or3A_320 = arith.ori %shift_left3A_316, %shift_right_logical3A_319 : vector<8x672xi32>
    %xor3A_321 = arith.xori %add3A_313, %or3A_320 : vector<8x672xi32>
    %add3A_322 = arith.addi %add3A_313, %xor3A_321 : vector<8x672xi32>
    %shift_left3A_323 = arith.constant 15 : i32
    %shift_left3A_324 = vector.broadcast %shift_left3A_323 : i32 to vector<8x672xi32>
    %shift_left3A_325 = arith.shli %xor3A_321, %shift_left3A_324 : vector<8x672xi32>
    %shift_right_logical3A_326 = arith.constant 17 : i32
    %shift_right_logical3A_327 = vector.broadcast %shift_right_logical3A_326 : i32 to vector<8x672xi32>
    %shift_right_logical3A_328 = arith.shrui %xor3A_321, %shift_right_logical3A_327 : vector<8x672xi32>
    %or3A_329 = arith.ori %shift_left3A_325, %shift_right_logical3A_328 : vector<8x672xi32>
    %xor3A_330 = arith.xori %add3A_322, %or3A_329 : vector<8x672xi32>
    %add3A_331 = arith.addi %add3A_322, %xor3A_330 : vector<8x672xi32>
    %shift_left3A_332 = arith.constant 26 : i32
    %shift_left3A_333 = vector.broadcast %shift_left3A_332 : i32 to vector<8x672xi32>
    %shift_left3A_334 = arith.shli %xor3A_330, %shift_left3A_333 : vector<8x672xi32>
    %shift_right_logical3A_335 = arith.constant 6 : i32
    %shift_right_logical3A_336 = vector.broadcast %shift_right_logical3A_335 : i32 to vector<8x672xi32>
    %shift_right_logical3A_337 = arith.shrui %xor3A_330, %shift_right_logical3A_336 : vector<8x672xi32>
    %or3A_338 = arith.ori %shift_left3A_334, %shift_right_logical3A_337 : vector<8x672xi32>
    %xor3A_339 = arith.xori %add3A_331, %or3A_338 : vector<8x672xi32>
    %add3A_340 = arith.addi %add3A_331, %xor3A_339 : vector<8x672xi32>
    %shift_left3A_341 = arith.constant 6 : i32
    %shift_left3A_342 = vector.broadcast %shift_left3A_341 : i32 to vector<8x672xi32>
    %shift_left3A_343 = arith.shli %xor3A_339, %shift_left3A_342 : vector<8x672xi32>
    %shift_right_logical3A_344 = arith.constant 26 : i32
    %shift_right_logical3A_345 = vector.broadcast %shift_right_logical3A_344 : i32 to vector<8x672xi32>
    %shift_right_logical3A_346 = arith.shrui %xor3A_339, %shift_right_logical3A_345 : vector<8x672xi32>
    %or3A_347 = arith.ori %shift_left3A_343, %shift_right_logical3A_346 : vector<8x672xi32>
    %xor3A_348 = arith.xori %add3A_340, %or3A_347 : vector<8x672xi32>
    %add3A_349 = arith.constant 42 : i32
    %add3A_350 = vector.broadcast %add3A_349 : i32 to vector<8x672xi32>
    %add3A_351 = arith.addi %add3A_340, %add3A_350 : vector<8x672xi32>
    %add3A_352 = arith.constant 466689009 : i32
    %add3A_353 = vector.broadcast %add3A_352 : i32 to vector<8x672xi32>
    %add3A_354 = arith.addi %xor3A_348, %add3A_353 : vector<8x672xi32>
    %add3A_355 = arith.addi %add3A_351, %add3A_354 : vector<8x672xi32>
    %shift_left3A_356 = arith.constant 17 : i32
    %shift_left3A_357 = vector.broadcast %shift_left3A_356 : i32 to vector<8x672xi32>
    %shift_left3A_358 = arith.shli %add3A_354, %shift_left3A_357 : vector<8x672xi32>
    %shift_right_logical3A_359 = arith.constant 15 : i32
    %shift_right_logical3A_360 = vector.broadcast %shift_right_logical3A_359 : i32 to vector<8x672xi32>
    %shift_right_logical3A_361 = arith.shrui %add3A_354, %shift_right_logical3A_360 : vector<8x672xi32>
    %or3A_362 = arith.ori %shift_left3A_358, %shift_right_logical3A_361 : vector<8x672xi32>
    %xor3A_363 = arith.xori %add3A_355, %or3A_362 : vector<8x672xi32>
    %add3A_364 = arith.addi %add3A_355, %xor3A_363 : vector<8x672xi32>
    %shift_left3A_365 = arith.constant 29 : i32
    %shift_left3A_366 = vector.broadcast %shift_left3A_365 : i32 to vector<8x672xi32>
    %shift_left3A_367 = arith.shli %xor3A_363, %shift_left3A_366 : vector<8x672xi32>
    %shift_right_logical3A_368 = arith.constant 3 : i32
    %shift_right_logical3A_369 = vector.broadcast %shift_right_logical3A_368 : i32 to vector<8x672xi32>
    %shift_right_logical3A_370 = arith.shrui %xor3A_363, %shift_right_logical3A_369 : vector<8x672xi32>
    %or3A_371 = arith.ori %shift_left3A_367, %shift_right_logical3A_370 : vector<8x672xi32>
    %xor3A_372 = arith.xori %add3A_364, %or3A_371 : vector<8x672xi32>
    %add3A_373 = arith.addi %add3A_364, %xor3A_372 : vector<8x672xi32>
    %shift_left3A_374 = arith.constant 16 : i32
    %shift_left3A_375 = vector.broadcast %shift_left3A_374 : i32 to vector<8x672xi32>
    %shift_left3A_376 = arith.shli %xor3A_372, %shift_left3A_375 : vector<8x672xi32>
    %shift_right_logical3A_377 = arith.constant 16 : i32
    %shift_right_logical3A_378 = vector.broadcast %shift_right_logical3A_377 : i32 to vector<8x672xi32>
    %shift_right_logical3A_379 = arith.shrui %xor3A_372, %shift_right_logical3A_378 : vector<8x672xi32>
    %or3A_380 = arith.ori %shift_left3A_376, %shift_right_logical3A_379 : vector<8x672xi32>
    %xor3A_381 = arith.xori %add3A_373, %or3A_380 : vector<8x672xi32>
    %add3A_382 = arith.addi %add3A_373, %xor3A_381 : vector<8x672xi32>
    %shift_left3A_383 = arith.constant 24 : i32
    %shift_left3A_384 = vector.broadcast %shift_left3A_383 : i32 to vector<8x672xi32>
    %shift_left3A_385 = arith.shli %xor3A_381, %shift_left3A_384 : vector<8x672xi32>
    %shift_right_logical3A_386 = arith.constant 8 : i32
    %shift_right_logical3A_387 = vector.broadcast %shift_right_logical3A_386 : i32 to vector<8x672xi32>
    %shift_right_logical3A_388 = arith.shrui %xor3A_381, %shift_right_logical3A_387 : vector<8x672xi32>
    %or3A_389 = arith.ori %shift_left3A_385, %shift_right_logical3A_388 : vector<8x672xi32>
    %xor3A_390 = arith.xori %add3A_382, %or3A_389 : vector<8x672xi32>
    %add3A_391 = arith.constant 466689008 : i32
    %add3A_392 = vector.broadcast %add3A_391 : i32 to vector<8x672xi32>
    %add3A_393 = arith.addi %add3A_382, %add3A_392 : vector<8x672xi32>
    %add3A_394 = arith.constant 2 : i32
    %add3A_395 = vector.broadcast %add3A_394 : i32 to vector<8x672xi32>
    %add3A_396 = arith.addi %xor3A_390, %add3A_395 : vector<8x672xi32>
    %add3A_397 = arith.addi %add3A_393, %add3A_396 : vector<8x672xi32>
    %shift_left3A_398 = arith.constant 13 : i32
    %shift_left3A_399 = vector.broadcast %shift_left3A_398 : i32 to vector<8x672xi32>
    %shift_left3A_400 = arith.shli %add3A_396, %shift_left3A_399 : vector<8x672xi32>
    %shift_right_logical3A_401 = arith.constant 19 : i32
    %shift_right_logical3A_402 = vector.broadcast %shift_right_logical3A_401 : i32 to vector<8x672xi32>
    %shift_right_logical3A_403 = arith.shrui %add3A_396, %shift_right_logical3A_402 : vector<8x672xi32>
    %or3A_404 = arith.ori %shift_left3A_400, %shift_right_logical3A_403 : vector<8x672xi32>
    %xor3A_405 = arith.xori %add3A_397, %or3A_404 : vector<8x672xi32>
    %add3A_406 = arith.addi %add3A_397, %xor3A_405 : vector<8x672xi32>
    %shift_left3A_407 = arith.constant 15 : i32
    %shift_left3A_408 = vector.broadcast %shift_left3A_407 : i32 to vector<8x672xi32>
    %shift_left3A_409 = arith.shli %xor3A_405, %shift_left3A_408 : vector<8x672xi32>
    %shift_right_logical3A_410 = arith.constant 17 : i32
    %shift_right_logical3A_411 = vector.broadcast %shift_right_logical3A_410 : i32 to vector<8x672xi32>
    %shift_right_logical3A_412 = arith.shrui %xor3A_405, %shift_right_logical3A_411 : vector<8x672xi32>
    %or3A_413 = arith.ori %shift_left3A_409, %shift_right_logical3A_412 : vector<8x672xi32>
    %xor3A_414 = arith.xori %add3A_406, %or3A_413 : vector<8x672xi32>
    %add3A_415 = arith.addi %add3A_406, %xor3A_414 : vector<8x672xi32>
    %shift_left3A_416 = arith.constant 26 : i32
    %shift_left3A_417 = vector.broadcast %shift_left3A_416 : i32 to vector<8x672xi32>
    %shift_left3A_418 = arith.shli %xor3A_414, %shift_left3A_417 : vector<8x672xi32>
    %shift_right_logical3A_419 = arith.constant 6 : i32
    %shift_right_logical3A_420 = vector.broadcast %shift_right_logical3A_419 : i32 to vector<8x672xi32>
    %shift_right_logical3A_421 = arith.shrui %xor3A_414, %shift_right_logical3A_420 : vector<8x672xi32>
    %or3A_422 = arith.ori %shift_left3A_418, %shift_right_logical3A_421 : vector<8x672xi32>
    %xor3A_423 = arith.xori %add3A_415, %or3A_422 : vector<8x672xi32>
    %add3A_424 = arith.addi %add3A_415, %xor3A_423 : vector<8x672xi32>
    %shift_left3A_425 = arith.constant 6 : i32
    %shift_left3A_426 = vector.broadcast %shift_left3A_425 : i32 to vector<8x672xi32>
    %shift_left3A_427 = arith.shli %xor3A_423, %shift_left3A_426 : vector<8x672xi32>
    %shift_right_logical3A_428 = arith.constant 26 : i32
    %shift_right_logical3A_429 = vector.broadcast %shift_right_logical3A_428 : i32 to vector<8x672xi32>
    %shift_right_logical3A_430 = arith.shrui %xor3A_423, %shift_right_logical3A_429 : vector<8x672xi32>
    %or3A_431 = arith.ori %shift_left3A_427, %shift_right_logical3A_430 : vector<8x672xi32>
    %xor3A_432 = arith.xori %add3A_424, %or3A_431 : vector<8x672xi32>
    %add3A_433 = arith.constant 0 : i32
    %add3A_434 = vector.broadcast %add3A_433 : i32 to vector<8x672xi32>
    %add3A_435 = arith.addi %add3A_424, %add3A_434 : vector<8x672xi32>
    %add3A_436 = arith.constant 45 : i32
    %add3A_437 = vector.broadcast %add3A_436 : i32 to vector<8x672xi32>
    %add3A_438 = arith.addi %xor3A_432, %add3A_437 : vector<8x672xi32>
    %add3A_439 = arith.addi %add3A_435, %add3A_438 : vector<8x672xi32>
    %shift_left3A_440 = arith.constant 17 : i32
    %shift_left3A_441 = vector.broadcast %shift_left3A_440 : i32 to vector<8x672xi32>
    %shift_left3A_442 = arith.shli %add3A_438, %shift_left3A_441 : vector<8x672xi32>
    %shift_right_logical3A_443 = arith.constant 15 : i32
    %shift_right_logical3A_444 = vector.broadcast %shift_right_logical3A_443 : i32 to vector<8x672xi32>
    %shift_right_logical3A_445 = arith.shrui %add3A_438, %shift_right_logical3A_444 : vector<8x672xi32>
    %or3A_446 = arith.ori %shift_left3A_442, %shift_right_logical3A_445 : vector<8x672xi32>
    %xor3A_447 = arith.xori %add3A_439, %or3A_446 : vector<8x672xi32>
    %add3A_448 = arith.addi %add3A_439, %xor3A_447 : vector<8x672xi32>
    %shift_left3A_449 = arith.constant 29 : i32
    %shift_left3A_450 = vector.broadcast %shift_left3A_449 : i32 to vector<8x672xi32>
    %shift_left3A_451 = arith.shli %xor3A_447, %shift_left3A_450 : vector<8x672xi32>
    %shift_right_logical3A_452 = arith.constant 3 : i32
    %shift_right_logical3A_453 = vector.broadcast %shift_right_logical3A_452 : i32 to vector<8x672xi32>
    %shift_right_logical3A_454 = arith.shrui %xor3A_447, %shift_right_logical3A_453 : vector<8x672xi32>
    %or3A_455 = arith.ori %shift_left3A_451, %shift_right_logical3A_454 : vector<8x672xi32>
    %xor3A_456 = arith.xori %add3A_448, %or3A_455 : vector<8x672xi32>
    %add3A_457 = arith.addi %add3A_448, %xor3A_456 : vector<8x672xi32>
    %shift_left3A_458 = arith.constant 16 : i32
    %shift_left3A_459 = vector.broadcast %shift_left3A_458 : i32 to vector<8x672xi32>
    %shift_left3A_460 = arith.shli %xor3A_456, %shift_left3A_459 : vector<8x672xi32>
    %shift_right_logical3A_461 = arith.constant 16 : i32
    %shift_right_logical3A_462 = vector.broadcast %shift_right_logical3A_461 : i32 to vector<8x672xi32>
    %shift_right_logical3A_463 = arith.shrui %xor3A_456, %shift_right_logical3A_462 : vector<8x672xi32>
    %or3A_464 = arith.ori %shift_left3A_460, %shift_right_logical3A_463 : vector<8x672xi32>
    %xor3A_465 = arith.xori %add3A_457, %or3A_464 : vector<8x672xi32>
    %add3A_466 = arith.addi %add3A_457, %xor3A_465 : vector<8x672xi32>
    %shift_left3A_467 = arith.constant 24 : i32
    %shift_left3A_468 = vector.broadcast %shift_left3A_467 : i32 to vector<8x672xi32>
    %shift_left3A_469 = arith.shli %xor3A_465, %shift_left3A_468 : vector<8x672xi32>
    %shift_right_logical3A_470 = arith.constant 8 : i32
    %shift_right_logical3A_471 = vector.broadcast %shift_right_logical3A_470 : i32 to vector<8x672xi32>
    %shift_right_logical3A_472 = arith.shrui %xor3A_465, %shift_right_logical3A_471 : vector<8x672xi32>
    %or3A_473 = arith.ori %shift_left3A_469, %shift_right_logical3A_472 : vector<8x672xi32>
    %xor3A_474 = arith.xori %add3A_466, %or3A_473 : vector<8x672xi32>
    %add3A_475 = arith.constant 42 : i32
    %add3A_476 = vector.broadcast %add3A_475 : i32 to vector<8x672xi32>
    %add3A_477 = arith.addi %add3A_466, %add3A_476 : vector<8x672xi32>
    %add3A_478 = arith.constant 466689012 : i32
    %add3A_479 = vector.broadcast %add3A_478 : i32 to vector<8x672xi32>
    %add3A_480 = arith.addi %xor3A_474, %add3A_479 : vector<8x672xi32>
    %add3A_481 = arith.addi %add3A_477, %add3A_480 : vector<8x672xi32>
    %shift_left3A_482 = arith.constant 13 : i32
    %shift_left3A_483 = vector.broadcast %shift_left3A_482 : i32 to vector<8x672xi32>
    %shift_left3A_484 = arith.shli %add3A_480, %shift_left3A_483 : vector<8x672xi32>
    %shift_right_logical3A_485 = arith.constant 19 : i32
    %shift_right_logical3A_486 = vector.broadcast %shift_right_logical3A_485 : i32 to vector<8x672xi32>
    %shift_right_logical3A_487 = arith.shrui %add3A_480, %shift_right_logical3A_486 : vector<8x672xi32>
    %or3A_488 = arith.ori %shift_left3A_484, %shift_right_logical3A_487 : vector<8x672xi32>
    %xor3A_489 = arith.xori %add3A_481, %or3A_488 : vector<8x672xi32>
    %add3A_490 = arith.addi %add3A_481, %xor3A_489 : vector<8x672xi32>
    %shift_left3A_491 = arith.constant 15 : i32
    %shift_left3A_492 = vector.broadcast %shift_left3A_491 : i32 to vector<8x672xi32>
    %shift_left3A_493 = arith.shli %xor3A_489, %shift_left3A_492 : vector<8x672xi32>
    %shift_right_logical3A_494 = arith.constant 17 : i32
    %shift_right_logical3A_495 = vector.broadcast %shift_right_logical3A_494 : i32 to vector<8x672xi32>
    %shift_right_logical3A_496 = arith.shrui %xor3A_489, %shift_right_logical3A_495 : vector<8x672xi32>
    %or3A_497 = arith.ori %shift_left3A_493, %shift_right_logical3A_496 : vector<8x672xi32>
    %xor3A_498 = arith.xori %add3A_490, %or3A_497 : vector<8x672xi32>
    %add3A_499 = arith.addi %add3A_490, %xor3A_498 : vector<8x672xi32>
    %shift_left3A_500 = arith.constant 26 : i32
    %shift_left3A_501 = vector.broadcast %shift_left3A_500 : i32 to vector<8x672xi32>
    %shift_left3A_502 = arith.shli %xor3A_498, %shift_left3A_501 : vector<8x672xi32>
    %shift_right_logical3A_503 = arith.constant 6 : i32
    %shift_right_logical3A_504 = vector.broadcast %shift_right_logical3A_503 : i32 to vector<8x672xi32>
    %shift_right_logical3A_505 = arith.shrui %xor3A_498, %shift_right_logical3A_504 : vector<8x672xi32>
    %or3A_506 = arith.ori %shift_left3A_502, %shift_right_logical3A_505 : vector<8x672xi32>
    %xor3A_507 = arith.xori %add3A_499, %or3A_506 : vector<8x672xi32>
    %add3A_508 = arith.addi %add3A_499, %xor3A_507 : vector<8x672xi32>
    %shift_left3A_509 = arith.constant 6 : i32
    %shift_left3A_510 = vector.broadcast %shift_left3A_509 : i32 to vector<8x672xi32>
    %shift_left3A_511 = arith.shli %xor3A_507, %shift_left3A_510 : vector<8x672xi32>
    %shift_right_logical3A_512 = arith.constant 26 : i32
    %shift_right_logical3A_513 = vector.broadcast %shift_right_logical3A_512 : i32 to vector<8x672xi32>
    %shift_right_logical3A_514 = arith.shrui %xor3A_507, %shift_right_logical3A_513 : vector<8x672xi32>
    %or3A_515 = arith.ori %shift_left3A_511, %shift_right_logical3A_514 : vector<8x672xi32>
    %xor3A_516 = arith.xori %add3A_508, %or3A_515 : vector<8x672xi32>
    %add3A_517 = arith.constant 466689008 : i32
    %add3A_518 = vector.broadcast %add3A_517 : i32 to vector<8x672xi32>
    %add3A_519 = arith.addi %add3A_508, %add3A_518 : vector<8x672xi32>
    %add3A_520 = arith.constant 5 : i32
    %add3A_521 = vector.broadcast %add3A_520 : i32 to vector<8x672xi32>
    %add3A_522 = arith.addi %xor3A_516, %add3A_521 : vector<8x672xi32>
    %xor3A_523 = arith.xori %add3A_519, %add3A_522 : vector<8x672xi32>
    %shift_right_logical3A_524 = arith.constant 9 : i32
    %shift_right_logical3A_525 = vector.broadcast %shift_right_logical3A_524 : i32 to vector<8x672xi32>
    %shift_right_logical3A_526 = arith.shrui %xor3A_523, %shift_right_logical3A_525 : vector<8x672xi32>
    %or3A_527 = arith.constant 1065353216 : i32
    %or3A_528 = vector.broadcast %or3A_527 : i32 to vector<8x672xi32>
    %or3A_529 = arith.ori %shift_right_logical3A_526, %or3A_528 : vector<8x672xi32>
    %bitcast_convert_type3A_530 = tpu.bitcast %or3A_529 : vector<8x672xi32> -> vector<8x672xf32>
    %sub3A_531 = arith.constant 1.000000e+00 : f32
    %sub3A_532 = vector.broadcast %sub3A_531 : f32 to vector<8x672xf32>
    %sub3A_533 = arith.subf %bitcast_convert_type3A_530, %sub3A_532 : vector<8x672xf32>
    %add3A_534 = arith.constant 1.17549435E-38 : f32
    %add3A_535 = vector.broadcast %add3A_534 : f32 to vector<8x672xf32>
    %add3A_536 = arith.addf %sub3A_533, %add3A_535 : vector<8x672xf32>
    %max3A_537 = arith.constant 1.17549435E-38 : f32
    %max3A_538 = vector.broadcast %max3A_537 : f32 to vector<8x672xf32>
    %max3A_539 = arith.maximumf %max3A_538, %add3A_536 : vector<8x672xf32>
    %log3A_540 = math.log %max3A_539 : vector<8x672xf32>
    %neg3A_541 = arith.constant 0.000000e+00 : f32
    %neg3A_542 = vector.broadcast %neg3A_541 : f32 to vector<8x672xf32>
    %neg3A_543 = arith.subf %neg3A_542, %log3A_540 : vector<8x672xf32>
    %log3A_544 = math.log %neg3A_543 : vector<8x672xf32>
    %sub3A_545 = arith.subf %get3A_293, %log3A_544 : vector<8x672xf32>
    %reduce_max3A = arith.constant dense<0xFF800000> : vector<8xf32>
    %reduce_max3A_546 = vector.multi_reduction <maximumf>, %select_n3A, %reduce_max3A [1] : vector<8x1024xf32> to vector<8xf32>
    %reduce_max3A_547 = arith.constant dense<0xFF800000> : vector<8xf32>
    %reduce_max3A_548 = vector.multi_reduction <maximumf>, %sub3A_545, %reduce_max3A_547 [1] : vector<8x672xf32> to vector<8xf32>
    %max3A_549 = arith.maximumf %reduce_max3A_546, %reduce_max3A_548 : vector<8xf32>
    %broadcast_in_dim3A_550 = vector.shape_cast %max3A_549 : vector<8xf32> to vector<8x1xf32>
    %eq3A = vector.broadcast %broadcast_in_dim3A_550 : vector<8x1xf32> to vector<8x1024xf32>
    %eq3A_551 = arith.cmpf oeq, %select_n3A, %eq3A : vector<8x1024xf32>
    %jit3A = arith.constant 2147483647 : i32
    %broadcast_in_dim3A_552 = vector.broadcast %jit3A : i32 to vector<8x1024xi32>
    %select_n3A_553 = arith.select %eq3A_551, %select_n3A_256, %broadcast_in_dim3A_552 : vector<8x1024xi1>, vector<8x1024xi32>
    %reduce_min3A = arith.constant dense<2147483647> : vector<8xi32>
    %reduce_min3A_554 = vector.multi_reduction <minsi>, %select_n3A_553, %reduce_min3A [1] : vector<8x1024xi32> to vector<8xi32>
    %broadcast_in_dim3A_555 = vector.shape_cast %max3A_549 : vector<8xf32> to vector<8x1xf32>
    %eq3A_556 = vector.broadcast %broadcast_in_dim3A_555 : vector<8x1xf32> to vector<8x672xf32>
    %eq3A_557 = arith.cmpf oeq, %sub3A_545, %eq3A_556 : vector<8x672xf32>
    %jit3A_558 = arith.constant 2147483647 : i32
    %broadcast_in_dim3A_559 = vector.broadcast %jit3A_558 : i32 to vector<8x672xi32>
    %select_n3A_560 = arith.select %eq3A_557, %add3A_304, %broadcast_in_dim3A_559 : vector<8x672xi1>, vector<8x672xi32>
    %reduce_min3A_561 = arith.constant dense<2147483647> : vector<8xi32>
    %reduce_min3A_562 = vector.multi_reduction <minsi>, %select_n3A_560, %reduce_min3A_561 [1] : vector<8x672xi32> to vector<8xi32>
    %min3A = arith.minsi %reduce_min3A_554, %reduce_min3A_562 : vector<8xi32>
    %reduce_max3A_563 = arith.constant dense<0xFF800000> : vector<8xf32>
    %reduce_max3A_564 = vector.multi_reduction <maximumf>, %get3A_293, %reduce_max3A_563 [1] : vector<8x672xf32> to vector<8xf32>
    %reduce_max3A_565 = arith.constant dense<0xFF800000> : vector<8xf32>
    %reduce_max3A_566 = vector.multi_reduction <maximumf>, %max3A_271, %reduce_max3A_565 [1] : vector<8x1024xf32> to vector<8xf32>
    %max3A_567 = arith.maximumf %reduce_max3A_566, %reduce_max3A_564 : vector<8xf32>
    %broadcast_in_dim3A_568 = vector.shape_cast %max3A_567 : vector<8xf32> to vector<8x1xf32>
    %sub3A_569 = vector.broadcast %broadcast_in_dim3A_568 : vector<8x1xf32> to vector<8x1024xf32>
    %sub3A_570 = arith.subf %max3A_271, %sub3A_569 : vector<8x1024xf32>
    %exp3A_571 = math.exp %sub3A_570 : vector<8x1024xf32>
    %mul3A_572 = arith.mulf %add3A_289, %exp3A_571 : vector<8x1024xf32>
    %reduce_sum3A = arith.constant dense<0.000000e+00> : vector<8xf32>
    %reduce_sum3A_573 = vector.multi_reduction <add>, %mul3A_572, %reduce_sum3A [1] : vector<8x1024xf32> to vector<8xf32>
    %broadcast_in_dim3A_574 = vector.shape_cast %max3A_567 : vector<8xf32> to vector<8x1xf32>
    %sub3A_575 = vector.broadcast %broadcast_in_dim3A_574 : vector<8x1xf32> to vector<8x672xf32>
    %sub3A_576 = arith.subf %get3A_293, %sub3A_575 : vector<8x672xf32>
    %exp3A_577 = math.exp %sub3A_576 : vector<8x672xf32>
    %reduce_sum3A_578 = arith.constant dense<0.000000e+00> : vector<8xf32>
    %reduce_sum3A_579 = vector.multi_reduction <add>, %exp3A_577, %reduce_sum3A_578 [1] : vector<8x672xf32> to vector<8xf32>
    %add3A_580 = arith.addf %reduce_sum3A_573, %reduce_sum3A_579 : vector<8xf32>
    %broadcast_in_dim3A_581 = arith.constant 0 : i32
    %broadcast_in_dim3A_582 = vector.broadcast %broadcast_in_dim3A_581 : i32 to vector<8xi32>
    %add3A_583 = arith.constant 0 : i32
    %add3A_584 = vector.broadcast %add3A_583 : i32 to vector<8xi32>
    %add3A_585 = arith.addi %broadcast_in_dim3A_582, %add3A_584 : vector<8xi32>
    %add3A_586 = arith.constant 42 : i32
    %add3A_587 = vector.broadcast %add3A_586 : i32 to vector<8xi32>
    %add3A_588 = arith.addi %min3A, %add3A_587 : vector<8xi32>
    %add3A_589 = arith.addi %add3A_585, %add3A_588 : vector<8xi32>
    %shift_left3A_590 = arith.constant 13 : i32
    %shift_left3A_591 = vector.broadcast %shift_left3A_590 : i32 to vector<8xi32>
    %shift_left3A_592 = arith.shli %add3A_588, %shift_left3A_591 : vector<8xi32>
    %shift_right_logical3A_593 = arith.constant 19 : i32
    %shift_right_logical3A_594 = vector.broadcast %shift_right_logical3A_593 : i32 to vector<8xi32>
    %shift_right_logical3A_595 = arith.shrui %add3A_588, %shift_right_logical3A_594 : vector<8xi32>
    %or3A_596 = arith.ori %shift_left3A_592, %shift_right_logical3A_595 : vector<8xi32>
    %xor3A_597 = arith.xori %add3A_589, %or3A_596 : vector<8xi32>
    %add3A_598 = arith.addi %add3A_589, %xor3A_597 : vector<8xi32>
    %shift_left3A_599 = arith.constant 15 : i32
    %shift_left3A_600 = vector.broadcast %shift_left3A_599 : i32 to vector<8xi32>
    %shift_left3A_601 = arith.shli %xor3A_597, %shift_left3A_600 : vector<8xi32>
    %shift_right_logical3A_602 = arith.constant 17 : i32
    %shift_right_logical3A_603 = vector.broadcast %shift_right_logical3A_602 : i32 to vector<8xi32>
    %shift_right_logical3A_604 = arith.shrui %xor3A_597, %shift_right_logical3A_603 : vector<8xi32>
    %or3A_605 = arith.ori %shift_left3A_601, %shift_right_logical3A_604 : vector<8xi32>
    %xor3A_606 = arith.xori %add3A_598, %or3A_605 : vector<8xi32>
    %add3A_607 = arith.addi %add3A_598, %xor3A_606 : vector<8xi32>
    %shift_left3A_608 = arith.constant 26 : i32
    %shift_left3A_609 = vector.broadcast %shift_left3A_608 : i32 to vector<8xi32>
    %shift_left3A_610 = arith.shli %xor3A_606, %shift_left3A_609 : vector<8xi32>
    %shift_right_logical3A_611 = arith.constant 6 : i32
    %shift_right_logical3A_612 = vector.broadcast %shift_right_logical3A_611 : i32 to vector<8xi32>
    %shift_right_logical3A_613 = arith.shrui %xor3A_606, %shift_right_logical3A_612 : vector<8xi32>
    %or3A_614 = arith.ori %shift_left3A_610, %shift_right_logical3A_613 : vector<8xi32>
    %xor3A_615 = arith.xori %add3A_607, %or3A_614 : vector<8xi32>
    %add3A_616 = arith.addi %add3A_607, %xor3A_615 : vector<8xi32>
    %shift_left3A_617 = arith.constant 6 : i32
    %shift_left3A_618 = vector.broadcast %shift_left3A_617 : i32 to vector<8xi32>
    %shift_left3A_619 = arith.shli %xor3A_615, %shift_left3A_618 : vector<8xi32>
    %shift_right_logical3A_620 = arith.constant 26 : i32
    %shift_right_logical3A_621 = vector.broadcast %shift_right_logical3A_620 : i32 to vector<8xi32>
    %shift_right_logical3A_622 = arith.shrui %xor3A_615, %shift_right_logical3A_621 : vector<8xi32>
    %or3A_623 = arith.ori %shift_left3A_619, %shift_right_logical3A_622 : vector<8xi32>
    %xor3A_624 = arith.xori %add3A_616, %or3A_623 : vector<8xi32>
    %add3A_625 = arith.constant 42 : i32
    %add3A_626 = vector.broadcast %add3A_625 : i32 to vector<8xi32>
    %add3A_627 = arith.addi %add3A_616, %add3A_626 : vector<8xi32>
    %add3A_628 = arith.constant 466689009 : i32
    %add3A_629 = vector.broadcast %add3A_628 : i32 to vector<8xi32>
    %add3A_630 = arith.addi %xor3A_624, %add3A_629 : vector<8xi32>
    %add3A_631 = arith.addi %add3A_627, %add3A_630 : vector<8xi32>
    %shift_left3A_632 = arith.constant 17 : i32
    %shift_left3A_633 = vector.broadcast %shift_left3A_632 : i32 to vector<8xi32>
    %shift_left3A_634 = arith.shli %add3A_630, %shift_left3A_633 : vector<8xi32>
    %shift_right_logical3A_635 = arith.constant 15 : i32
    %shift_right_logical3A_636 = vector.broadcast %shift_right_logical3A_635 : i32 to vector<8xi32>
    %shift_right_logical3A_637 = arith.shrui %add3A_630, %shift_right_logical3A_636 : vector<8xi32>
    %or3A_638 = arith.ori %shift_left3A_634, %shift_right_logical3A_637 : vector<8xi32>
    %xor3A_639 = arith.xori %add3A_631, %or3A_638 : vector<8xi32>
    %add3A_640 = arith.addi %add3A_631, %xor3A_639 : vector<8xi32>
    %shift_left3A_641 = arith.constant 29 : i32
    %shift_left3A_642 = vector.broadcast %shift_left3A_641 : i32 to vector<8xi32>
    %shift_left3A_643 = arith.shli %xor3A_639, %shift_left3A_642 : vector<8xi32>
    %shift_right_logical3A_644 = arith.constant 3 : i32
    %shift_right_logical3A_645 = vector.broadcast %shift_right_logical3A_644 : i32 to vector<8xi32>
    %shift_right_logical3A_646 = arith.shrui %xor3A_639, %shift_right_logical3A_645 : vector<8xi32>
    %or3A_647 = arith.ori %shift_left3A_643, %shift_right_logical3A_646 : vector<8xi32>
    %xor3A_648 = arith.xori %add3A_640, %or3A_647 : vector<8xi32>
    %add3A_649 = arith.addi %add3A_640, %xor3A_648 : vector<8xi32>
    %shift_left3A_650 = arith.constant 16 : i32
    %shift_left3A_651 = vector.broadcast %shift_left3A_650 : i32 to vector<8xi32>
    %shift_left3A_652 = arith.shli %xor3A_648, %shift_left3A_651 : vector<8xi32>
    %shift_right_logical3A_653 = arith.constant 16 : i32
    %shift_right_logical3A_654 = vector.broadcast %shift_right_logical3A_653 : i32 to vector<8xi32>
    %shift_right_logical3A_655 = arith.shrui %xor3A_648, %shift_right_logical3A_654 : vector<8xi32>
    %or3A_656 = arith.ori %shift_left3A_652, %shift_right_logical3A_655 : vector<8xi32>
    %xor3A_657 = arith.xori %add3A_649, %or3A_656 : vector<8xi32>
    %add3A_658 = arith.addi %add3A_649, %xor3A_657 : vector<8xi32>
    %shift_left3A_659 = arith.constant 24 : i32
    %shift_left3A_660 = vector.broadcast %shift_left3A_659 : i32 to vector<8xi32>
    %shift_left3A_661 = arith.shli %xor3A_657, %shift_left3A_660 : vector<8xi32>
    %shift_right_logical3A_662 = arith.constant 8 : i32
    %shift_right_logical3A_663 = vector.broadcast %shift_right_logical3A_662 : i32 to vector<8xi32>
    %shift_right_logical3A_664 = arith.shrui %xor3A_657, %shift_right_logical3A_663 : vector<8xi32>
    %or3A_665 = arith.ori %shift_left3A_661, %shift_right_logical3A_664 : vector<8xi32>
    %xor3A_666 = arith.xori %add3A_658, %or3A_665 : vector<8xi32>
    %add3A_667 = arith.constant 466689008 : i32
    %add3A_668 = vector.broadcast %add3A_667 : i32 to vector<8xi32>
    %add3A_669 = arith.addi %add3A_658, %add3A_668 : vector<8xi32>
    %add3A_670 = arith.constant 2 : i32
    %add3A_671 = vector.broadcast %add3A_670 : i32 to vector<8xi32>
    %add3A_672 = arith.addi %xor3A_666, %add3A_671 : vector<8xi32>
    %add3A_673 = arith.addi %add3A_669, %add3A_672 : vector<8xi32>
    %shift_left3A_674 = arith.constant 13 : i32
    %shift_left3A_675 = vector.broadcast %shift_left3A_674 : i32 to vector<8xi32>
    %shift_left3A_676 = arith.shli %add3A_672, %shift_left3A_675 : vector<8xi32>
    %shift_right_logical3A_677 = arith.constant 19 : i32
    %shift_right_logical3A_678 = vector.broadcast %shift_right_logical3A_677 : i32 to vector<8xi32>
    %shift_right_logical3A_679 = arith.shrui %add3A_672, %shift_right_logical3A_678 : vector<8xi32>
    %or3A_680 = arith.ori %shift_left3A_676, %shift_right_logical3A_679 : vector<8xi32>
    %xor3A_681 = arith.xori %add3A_673, %or3A_680 : vector<8xi32>
    %add3A_682 = arith.addi %add3A_673, %xor3A_681 : vector<8xi32>
    %shift_left3A_683 = arith.constant 15 : i32
    %shift_left3A_684 = vector.broadcast %shift_left3A_683 : i32 to vector<8xi32>
    %shift_left3A_685 = arith.shli %xor3A_681, %shift_left3A_684 : vector<8xi32>
    %shift_right_logical3A_686 = arith.constant 17 : i32
    %shift_right_logical3A_687 = vector.broadcast %shift_right_logical3A_686 : i32 to vector<8xi32>
    %shift_right_logical3A_688 = arith.shrui %xor3A_681, %shift_right_logical3A_687 : vector<8xi32>
    %or3A_689 = arith.ori %shift_left3A_685, %shift_right_logical3A_688 : vector<8xi32>
    %xor3A_690 = arith.xori %add3A_682, %or3A_689 : vector<8xi32>
    %add3A_691 = arith.addi %add3A_682, %xor3A_690 : vector<8xi32>
    %shift_left3A_692 = arith.constant 26 : i32
    %shift_left3A_693 = vector.broadcast %shift_left3A_692 : i32 to vector<8xi32>
    %shift_left3A_694 = arith.shli %xor3A_690, %shift_left3A_693 : vector<8xi32>
    %shift_right_logical3A_695 = arith.constant 6 : i32
    %shift_right_logical3A_696 = vector.broadcast %shift_right_logical3A_695 : i32 to vector<8xi32>
    %shift_right_logical3A_697 = arith.shrui %xor3A_690, %shift_right_logical3A_696 : vector<8xi32>
    %or3A_698 = arith.ori %shift_left3A_694, %shift_right_logical3A_697 : vector<8xi32>
    %xor3A_699 = arith.xori %add3A_691, %or3A_698 : vector<8xi32>
    %add3A_700 = arith.addi %add3A_691, %xor3A_699 : vector<8xi32>
    %shift_left3A_701 = arith.constant 6 : i32
    %shift_left3A_702 = vector.broadcast %shift_left3A_701 : i32 to vector<8xi32>
    %shift_left3A_703 = arith.shli %xor3A_699, %shift_left3A_702 : vector<8xi32>
    %shift_right_logical3A_704 = arith.constant 26 : i32
    %shift_right_logical3A_705 = vector.broadcast %shift_right_logical3A_704 : i32 to vector<8xi32>
    %shift_right_logical3A_706 = arith.shrui %xor3A_699, %shift_right_logical3A_705 : vector<8xi32>
    %or3A_707 = arith.ori %shift_left3A_703, %shift_right_logical3A_706 : vector<8xi32>
    %xor3A_708 = arith.xori %add3A_700, %or3A_707 : vector<8xi32>
    %add3A_709 = arith.constant 0 : i32
    %add3A_710 = vector.broadcast %add3A_709 : i32 to vector<8xi32>
    %add3A_711 = arith.addi %add3A_700, %add3A_710 : vector<8xi32>
    %add3A_712 = arith.constant 45 : i32
    %add3A_713 = vector.broadcast %add3A_712 : i32 to vector<8xi32>
    %add3A_714 = arith.addi %xor3A_708, %add3A_713 : vector<8xi32>
    %add3A_715 = arith.addi %add3A_711, %add3A_714 : vector<8xi32>
    %shift_left3A_716 = arith.constant 17 : i32
    %shift_left3A_717 = vector.broadcast %shift_left3A_716 : i32 to vector<8xi32>
    %shift_left3A_718 = arith.shli %add3A_714, %shift_left3A_717 : vector<8xi32>
    %shift_right_logical3A_719 = arith.constant 15 : i32
    %shift_right_logical3A_720 = vector.broadcast %shift_right_logical3A_719 : i32 to vector<8xi32>
    %shift_right_logical3A_721 = arith.shrui %add3A_714, %shift_right_logical3A_720 : vector<8xi32>
    %or3A_722 = arith.ori %shift_left3A_718, %shift_right_logical3A_721 : vector<8xi32>
    %xor3A_723 = arith.xori %add3A_715, %or3A_722 : vector<8xi32>
    %add3A_724 = arith.addi %add3A_715, %xor3A_723 : vector<8xi32>
    %shift_left3A_725 = arith.constant 29 : i32
    %shift_left3A_726 = vector.broadcast %shift_left3A_725 : i32 to vector<8xi32>
    %shift_left3A_727 = arith.shli %xor3A_723, %shift_left3A_726 : vector<8xi32>
    %shift_right_logical3A_728 = arith.constant 3 : i32
    %shift_right_logical3A_729 = vector.broadcast %shift_right_logical3A_728 : i32 to vector<8xi32>
    %shift_right_logical3A_730 = arith.shrui %xor3A_723, %shift_right_logical3A_729 : vector<8xi32>
    %or3A_731 = arith.ori %shift_left3A_727, %shift_right_logical3A_730 : vector<8xi32>
    %xor3A_732 = arith.xori %add3A_724, %or3A_731 : vector<8xi32>
    %add3A_733 = arith.addi %add3A_724, %xor3A_732 : vector<8xi32>
    %shift_left3A_734 = arith.constant 16 : i32
    %shift_left3A_735 = vector.broadcast %shift_left3A_734 : i32 to vector<8xi32>
    %shift_left3A_736 = arith.shli %xor3A_732, %shift_left3A_735 : vector<8xi32>
    %shift_right_logical3A_737 = arith.constant 16 : i32
    %shift_right_logical3A_738 = vector.broadcast %shift_right_logical3A_737 : i32 to vector<8xi32>
    %shift_right_logical3A_739 = arith.shrui %xor3A_732, %shift_right_logical3A_738 : vector<8xi32>
    %or3A_740 = arith.ori %shift_left3A_736, %shift_right_logical3A_739 : vector<8xi32>
    %xor3A_741 = arith.xori %add3A_733, %or3A_740 : vector<8xi32>
    %add3A_742 = arith.addi %add3A_733, %xor3A_741 : vector<8xi32>
    %shift_left3A_743 = arith.constant 24 : i32
    %shift_left3A_744 = vector.broadcast %shift_left3A_743 : i32 to vector<8xi32>
    %shift_left3A_745 = arith.shli %xor3A_741, %shift_left3A_744 : vector<8xi32>
    %shift_right_logical3A_746 = arith.constant 8 : i32
    %shift_right_logical3A_747 = vector.broadcast %shift_right_logical3A_746 : i32 to vector<8xi32>
    %shift_right_logical3A_748 = arith.shrui %xor3A_741, %shift_right_logical3A_747 : vector<8xi32>
    %or3A_749 = arith.ori %shift_left3A_745, %shift_right_logical3A_748 : vector<8xi32>
    %xor3A_750 = arith.xori %add3A_742, %or3A_749 : vector<8xi32>
    %add3A_751 = arith.constant 42 : i32
    %add3A_752 = vector.broadcast %add3A_751 : i32 to vector<8xi32>
    %add3A_753 = arith.addi %add3A_742, %add3A_752 : vector<8xi32>
    %add3A_754 = arith.constant 466689012 : i32
    %add3A_755 = vector.broadcast %add3A_754 : i32 to vector<8xi32>
    %add3A_756 = arith.addi %xor3A_750, %add3A_755 : vector<8xi32>
    %add3A_757 = arith.addi %add3A_753, %add3A_756 : vector<8xi32>
    %shift_left3A_758 = arith.constant 13 : i32
    %shift_left3A_759 = vector.broadcast %shift_left3A_758 : i32 to vector<8xi32>
    %shift_left3A_760 = arith.shli %add3A_756, %shift_left3A_759 : vector<8xi32>
    %shift_right_logical3A_761 = arith.constant 19 : i32
    %shift_right_logical3A_762 = vector.broadcast %shift_right_logical3A_761 : i32 to vector<8xi32>
    %shift_right_logical3A_763 = arith.shrui %add3A_756, %shift_right_logical3A_762 : vector<8xi32>
    %or3A_764 = arith.ori %shift_left3A_760, %shift_right_logical3A_763 : vector<8xi32>
    %xor3A_765 = arith.xori %add3A_757, %or3A_764 : vector<8xi32>
    %add3A_766 = arith.addi %add3A_757, %xor3A_765 : vector<8xi32>
    %shift_left3A_767 = arith.constant 15 : i32
    %shift_left3A_768 = vector.broadcast %shift_left3A_767 : i32 to vector<8xi32>
    %shift_left3A_769 = arith.shli %xor3A_765, %shift_left3A_768 : vector<8xi32>
    %shift_right_logical3A_770 = arith.constant 17 : i32
    %shift_right_logical3A_771 = vector.broadcast %shift_right_logical3A_770 : i32 to vector<8xi32>
    %shift_right_logical3A_772 = arith.shrui %xor3A_765, %shift_right_logical3A_771 : vector<8xi32>
    %or3A_773 = arith.ori %shift_left3A_769, %shift_right_logical3A_772 : vector<8xi32>
    %xor3A_774 = arith.xori %add3A_766, %or3A_773 : vector<8xi32>
    %add3A_775 = arith.addi %add3A_766, %xor3A_774 : vector<8xi32>
    %shift_left3A_776 = arith.constant 26 : i32
    %shift_left3A_777 = vector.broadcast %shift_left3A_776 : i32 to vector<8xi32>
    %shift_left3A_778 = arith.shli %xor3A_774, %shift_left3A_777 : vector<8xi32>
    %shift_right_logical3A_779 = arith.constant 6 : i32
    %shift_right_logical3A_780 = vector.broadcast %shift_right_logical3A_779 : i32 to vector<8xi32>
    %shift_right_logical3A_781 = arith.shrui %xor3A_774, %shift_right_logical3A_780 : vector<8xi32>
    %or3A_782 = arith.ori %shift_left3A_778, %shift_right_logical3A_781 : vector<8xi32>
    %xor3A_783 = arith.xori %add3A_775, %or3A_782 : vector<8xi32>
    %add3A_784 = arith.addi %add3A_775, %xor3A_783 : vector<8xi32>
    %shift_left3A_785 = arith.constant 6 : i32
    %shift_left3A_786 = vector.broadcast %shift_left3A_785 : i32 to vector<8xi32>
    %shift_left3A_787 = arith.shli %xor3A_783, %shift_left3A_786 : vector<8xi32>
    %shift_right_logical3A_788 = arith.constant 26 : i32
    %shift_right_logical3A_789 = vector.broadcast %shift_right_logical3A_788 : i32 to vector<8xi32>
    %shift_right_logical3A_790 = arith.shrui %xor3A_783, %shift_right_logical3A_789 : vector<8xi32>
    %or3A_791 = arith.ori %shift_left3A_787, %shift_right_logical3A_790 : vector<8xi32>
    %xor3A_792 = arith.xori %add3A_784, %or3A_791 : vector<8xi32>
    %add3A_793 = arith.constant 466689008 : i32
    %add3A_794 = vector.broadcast %add3A_793 : i32 to vector<8xi32>
    %add3A_795 = arith.addi %add3A_784, %add3A_794 : vector<8xi32>
    %add3A_796 = arith.constant 5 : i32
    %add3A_797 = vector.broadcast %add3A_796 : i32 to vector<8xi32>
    %add3A_798 = arith.addi %xor3A_792, %add3A_797 : vector<8xi32>
    %xor3A_799 = arith.xori %add3A_795, %add3A_798 : vector<8xi32>
    %shift_right_logical3A_800 = arith.constant 9 : i32
    %shift_right_logical3A_801 = vector.broadcast %shift_right_logical3A_800 : i32 to vector<8xi32>
    %shift_right_logical3A_802 = arith.shrui %xor3A_799, %shift_right_logical3A_801 : vector<8xi32>
    %or3A_803 = arith.constant 1065353216 : i32
    %or3A_804 = vector.broadcast %or3A_803 : i32 to vector<8xi32>
    %or3A_805 = arith.ori %shift_right_logical3A_802, %or3A_804 : vector<8xi32>
    %bitcast_convert_type3A_806 = tpu.bitcast %or3A_805 : vector<8xi32> -> vector<8xf32>
    %sub3A_807 = arith.constant 1.000000e+00 : f32
    %sub3A_808 = vector.broadcast %sub3A_807 : f32 to vector<8xf32>
    %sub3A_809 = arith.subf %bitcast_convert_type3A_806, %sub3A_808 : vector<8xf32>
    %add3A_810 = arith.constant 1.17549435E-38 : f32
    %add3A_811 = vector.broadcast %add3A_810 : f32 to vector<8xf32>
    %add3A_812 = arith.addf %sub3A_809, %add3A_811 : vector<8xf32>
    %max3A_813 = arith.constant 1.17549435E-38 : f32
    %max3A_814 = vector.broadcast %max3A_813 : f32 to vector<8xf32>
    %max3A_815 = arith.maximumf %max3A_814, %add3A_812 : vector<8xf32>
    %log3A_816 = math.log %max3A_815 : vector<8xf32>
    %neg3A_817 = arith.constant 0.000000e+00 : f32
    %neg3A_818 = vector.broadcast %neg3A_817 : f32 to vector<8xf32>
    %neg3A_819 = arith.subf %neg3A_818, %log3A_816 : vector<8xf32>
    %log3A_820 = math.log %neg3A_819 : vector<8xf32>
    %add3A_821 = arith.addf %max3A_549, %log3A_820 : vector<8xf32>
    %slice3A = vector.extract_strided_slice %add3A_6 {offsets = [0, 0], sizes = [8, 1], strides = [1, 1]} : vector<8x1024xi32> to vector<8x1xi32>
    %squeeze3A = vector.shape_cast %slice3A : vector<8x1xi32> to vector<8xi32>
    %log3A_822 = math.log %add3A_580 : vector<8xf32>
    %add3A_823 = arith.addf %max3A_567, %log3A_822 : vector<8xf32>
    %sub3A_824 = arith.subf %add3A_821, %add3A_823 : vector<8xf32>
    %swap3A = arith.index_cast %arg0 : i32 to index
    %swap3A_825 = arith.constant 0 : index
    %swap3A_826 = vector.load %arg2[%swap3A, %swap3A_825] : memref<16x8xf32, #tpu.memory_space<vmem>>, vector<1x8xf32>
    %swap3A_827 = vector.shape_cast %swap3A_826 : vector<1x8xf32> to vector<8xf32>
    %swap3A_828 = vector.shape_cast %sub3A_824 : vector<8xf32> to vector<1x8xf32>
    tpu.vector_store %arg2[%swap3A, %swap3A_825], %swap3A_828 {strides = array<i32>} : memref<16x8xf32, #tpu.memory_space<vmem>>, vector<1x8xf32>,
    %sub3A_829 = arith.subi %min3A, %squeeze3A : vector<8xi32>
    %swap3A_830 = arith.index_cast %arg0 : i32 to index
    %swap3A_831 = arith.constant 0 : index
    %swap3A_832 = vector.load %arg3[%swap3A_830, %swap3A_831] : memref<16x8xi32, #tpu.memory_space<vmem>>, vector<1x8xi32>
    %swap3A_833 = vector.shape_cast %swap3A_832 : vector<1x8xi32> to vector<8xi32>
    %swap3A_834 = vector.shape_cast %sub3A_829 : vector<8xi32> to vector<1x8xi32>
    tpu.vector_store %arg3[%swap3A_830, %swap3A_831], %swap3A_834 {strides = array<i32>} : memref<16x8xi32, #tpu.memory_space<vmem>>, vector<1x8xi32>,
    return
  }
  func.func @transform_0(%arg0: i32) -> (i32, i32) {
    %c0_i32 = arith.constant 0 : i32
    %c0_i32_0 = arith.constant 0 : i32
    return %arg0, %c0_i32 : i32, i32
  }
  func.func @transform_1(%arg0: i32) -> (i32, i32) {
    %c0_i32 = arith.constant 0 : i32
    %c0_i32_0 = arith.constant 0 : i32
    %c0_i32_1 = arith.constant 0 : i32
    return %c0_i32, %c0_i32_0 : i32, i32
  }
  func.func @transform_2(%arg0: i32) -> (i32, i32) {
    %c0_i32 = arith.constant 0 : i32
    %c0_i32_0 = arith.constant 0 : i32
    %c0_i32_1 = arith.constant 0 : i32
    return %c0_i32, %c0_i32_0 : i32, i32
  }
}

</mosaic_0001>

<sc_bundles>
// kernel: kernel.4.cloned.1.call-start
scs
__scs_entry_jumppad:
0x0: {  	(pc) =	sbr.rel $0x88, $3  }
0x1: {  	(tag) =	ssettag $0x0;
	lr =	simm.s32 $0x1  }
0x2: {  	[smem:$0x3F9F] =	sst lr;
	_ =	strace $0xD0000000  }
0x3: {  	_ = 	snop  }
0x4: {  	_ = 	snop  }
0x5: {  	_ = 	snop  }
0x6: {  	_ = 	snop  }
0x7: {  	_ = 	snop  }
__scs_overlays_trampoline_lowered:
0x8: {  	[smem:$0x3FAE] =	sst s0  }
0x9: {  	[smem:$0x3FAF] =	sst s1  }
0xa: {  	[smem:$0x3FB0] =	sst s2  }
0xb: {  	[smem:$0x3FB1] =	sst s3  }
0xc: {  	[smem:$0x3FB2] =	sst s4  }
0xd: {  	[smem:$0x3FB3] =	sst s5  }
0xe: {  	[smem:$0x3FB4] =	sst s6  }
0xf: {  	[smem:$0x3FB5] =	sst s7  }
0x10: {  	[smem:$0x3FB6] =	sst s8  }
0x11: {  	[smem:$0x3FB7] =	sst s9;
	s0 =	simm.s32 @!p0 $0x0  }
0x12: {  	s1 =	sld [smem:$0x3F9D];
	s0 =	simm.s32 @p0 $0x1  }
0x13: {  	[smem:$0x3FB8] =	sst s0;
	s0 =	simm.s32 @!p1 $0x0  }
0x14: {  	s2 =	sld [smem:$0x3F9C];
	s0 =	simm.s32 @p1 $0x1  }
0x15: {  	[smem:$0x3FB9] =	sst s0;
	s0 =	simm.s32 @!p2 $0x0  }
0x16: {  	s3 =	sld [smem:$0x3FDB];
	s0 =	simm.s32 @p2 $0x1  }
0x17: {  	s4 =	simm.s32 $0x1BF5;
	[smem:$0x3FBB] =	sst s0  }
0x18: {  	s0 =	sld [smem:$0x3F9E];
	_ =	swait.ge [sflag:s4], $0x0  }
0x19: {  	s7 =	sld [smem:$0x3F9F]  }
0x1a: {  	s8 =	sadd.s32 $0xFFFFE003, lr  }
0x1b: {  	s9 =	sadd.s32 $0xFFFFFEF7, lr;
	s5 =	simm.s32 $0xFFFFFFFF;
	p2 =	slt.u32 s8, $0xFFFFF086  }
0x1c: {  	p1 =	slt.u32 s9, $0xF7A;
	s5 =	simm.s32 @!p2 $0x0  }
0x1d: {  	s5 =	simm.s32 @p1 $0x1;
	p0 =	seq.s32 s7, s2  }
0x1e: {  	s7 =	smul.u32 @!p0 $0xF7A, s2;
	p2 =	seq.s32 @!p0 s5, $0x0  }
0x1f: {  	s9 =	smul.u32 $0xF7A, s1;
	s8 =	simm.s32 @!p0 $0x1BF5;
	p2 =	por !p2, p0  }
0x20: {  	[sflag:s8] =	ssyncset.s32 @!p0 $0xFFFFF086;
	s6 =	sadd.s32 @!p0 s3, s7;
	s7 =	simm.s32 @!p0 $0x108  }
0x21: {  	s3 =	sadd.s32 s3, s9;
	s6 =	sadd.s32 @!p0 $0x88, s6;
	s7 =	simm.s32 @p2 $0x1082  }
0x22: {  	[simem:s7], [sflag:s8] =	dma.local @!p0 [hbm:s6], $0xF7A  }
0x23: {  	s9 =	sor.u32 $0xD0000000, s2;
	s6 =	simm.s32 $0x108;
	_ =	swait.ge @!p0 [sflag:s8], $0x0  }
0x24: {  	s3 =	sadd.s32 $0x88, s3;
	s6 =	simm.s32 @!p1 $0x1082;
	[sflag:s4] =	ssyncset.s32 $0xFFFFF086  }
0x25: {  	[simem:s6], [sflag:s4] =	dma.local [hbm:s3], $0xF7A  }
0x26: {  	[smem:$0x3F9F] =	sst s1;
	(tag) =	ssettag s2;
	_ =	strace s9  }
0x27: {  	s1 =	sld [smem:$0x3FAF]  }
0x28: {  	s2 =	sld [smem:$0x3FB0]  }
0x29: {  	s4 =	sld [smem:$0x3FB2]  }
0x2a: {  	p0 =	seq.s32 s5, $0x0;
	s5 =	sld [smem:$0x3FB3]  }
0x2b: {  	s6 =	sld [smem:$0x3FB4]  }
0x2c: {  	s7 =	sld [smem:$0x3FB5]  }
0x2d: {  	s3 =	simm.s32 $0x108;
	s8 =	sld [smem:$0x3FB6]  }
0x2e: {  	s3 =	simm.s32 @!p0 $0x1082;
	s9 =	sld [smem:$0x3FB7]  }
0x2f: {  	lr =	sadd.s32 s0, s3;
	s0 =	sld [smem:$0x3FAE]  }
0x30: {  	s3 =	sld [smem:$0x3FB1]  }
0x31: {  	[smem:$0x3FBA] =	sst s10  }
0x32: {  	s10 =	sld [smem:$0x3FB8];
	_ =	sdelay $0x3  }
0x33: {  	p0 =	seq.s32 s10, $0x1;
	s10 =	sld [smem:$0x3FBA];
	_ =	sdelay $0x3  }
0x34: {  	[smem:$0x3FBA] =	sst s10  }
0x35: {  	s10 =	sld [smem:$0x3FB9];
	_ =	sdelay $0x3  }
0x36: {  	p1 =	seq.s32 s10, $0x1;
	s10 =	sld [smem:$0x3FBA];
	_ =	sdelay $0x3  }
0x37: {  	[smem:$0x3FBA] =	sst s10  }
0x38: {  	s10 =	sld [smem:$0x3FBB]  }
0x39: {  	_ = 	snop;
	(pc) =	sbr.ind lr, $3  }
0x3a: {  	_ = 	snop  }
0x3b: {  	_ = 	snop  }
0x3c: {  	p2 =	seq.s32 s10, $0x1;
	s10 =	sld [smem:$0x3FBA]  }
0x3d: {  	_ =	shalt  }
0x3e: {  	_ =	shalt  }
0x3f: {  	_ =	shalt  }
0x40: {  	_ =	shalt  }
0x41: {  	_ =	shalt  }
0x42: {  	_ =	shalt  }
0x43: {  	_ =	shalt  }
0x44: {  	_ =	shalt  }
0x45: {  	_ =	shalt  }
0x46: {  	_ =	shalt  }
0x47: {  	_ =	shalt  }
0x48: {  	_ =	shalt  }
0x49: {  	_ =	shalt  }
0x4a: {  	_ =	shalt  }
0x4b: {  	_ =	shalt  }
0x4c: {  	_ =	shalt  }
0x4d: {  	_ =	shalt  }
0x4e: {  	_ =	shalt  }
0x4f: {  	_ =	shalt  }
0x50: {  	_ =	shalt  }
0x51: {  	_ =	shalt  }
0x52: {  	_ =	shalt  }
0x53: {  	_ =	shalt  }
0x54: {  	_ =	shalt  }
0x55: {  	_ =	shalt  }
0x56: {  	_ =	shalt  }
0x57: {  	_ =	shalt  }
0x58: {  	_ =	shalt  }
0x59: {  	_ =	shalt  }
0x5a: {  	_ =	shalt  }
0x5b: {  	_ =	shalt  }
0x5c: {  	_ =	shalt  }
0x5d: {  	_ =	shalt  }
0x5e: {  	_ =	shalt  }
0x5f: {  	_ =	shalt  }
0x60: {  	_ =	shalt  }
0x61: {  	_ =	shalt  }
0x62: {  	_ =	shalt  }
0x63: {  	_ =	shalt  }
0x64: {  	_ =	shalt  }
0x65: {  	_ =	shalt  }
0x66: {  	_ =	shalt  }
0x67: {  	_ =	shalt  }
0x68: {  	_ =	shalt  }
0x69: {  	_ =	shalt  }
0x6a: {  	_ =	shalt  }
0x6b: {  	_ =	shalt  }
0x6c: {  	_ =	shalt  }
0x6d: {  	_ =	shalt  }
0x6e: {  	_ =	shalt  }
0x6f: {  	_ =	shalt  }
0x70: {  	_ =	shalt  }
0x71: {  	_ =	shalt  }
0x72: {  	_ =	shalt  }
0x73: {  	_ =	shalt  }
0x74: {  	_ =	shalt  }
0x75: {  	_ =	shalt  }
0x76: {  	_ =	shalt  }
0x77: {  	_ =	shalt  }
0x78: {  	_ =	shalt  }
0x79: {  	_ =	shalt  }
0x7a: {  	_ =	shalt  }
0x7b: {  	_ =	shalt  }
0x7c: {  	_ =	shalt  }
0x7d: {  	_ =	shalt  }
0x7e: {  	_ =	shalt  }
0x7f: {  	_ =	shalt  }
0x80: {  	_ =	shalt  }
0x81: {  	_ =	shalt  }
0x82: {  	_ =	shalt  }
0x83: {  	_ =	shalt  }
0x84: {  	_ =	shalt  }
0x85: {  	_ =	shalt  }
0x86: {  	_ =	shalt  }
0x87: {  	_ =	shalt  }
.Lfunc_end0:
.L_simem_size_0:
called_computation_lowered:
.L_overlay_start_0:
0x88: {  	s2 =	sld [smem:$0x3FD9]  }
0x89: {  	s3 =	sld [smem:$0x3FFE];
	_ =	sdelay $0x1  }
0x8a: {  	s1 =	srdreg.scid  }
0x8b: {  	s0 =	sand.u32 $0x1, s1  }
0x8c: {  	s14 =	sshll.u32 s0, $0xA;
	s2 =	sadd.s32 s3, s2  }
0x8d: {  	s2 =	sadd.s32 s2, s14  }
0x8e: {  	[smem:$0x3FC6] =	sst s2  }
0x8f: {  	_ = 	snop  }
0x90: {  	s2 =	sld [smem:$0x3FD0];
	_ =	sdelay $0x2  }
0x91: {  	s4 =	simm.s32 $0xA;
	s5 =	simm.s32 $0x10;
	s15 =	sld [smem:$0x3FC8]  }
0x92: {  	[smem:s5], [sflag:s4] =	dma.local [hbm:s2], $0x1  }
0x93: {  	_ =	swait.eq [sflag:s4], $0x1  }
0x94: {  	[sflag:s4] =	ssyncset.done $0x0  }
0x95: {  	[sflag:s4] =	ssyncadd.s32 $0xFFFFFFFF  }
0x96: {  	s16 =	sld [smem:$0x11];
	(tm) =	ssettm $0x1  }
0x97: {  	s17 =	sld [smem:$0x3FFB];
	_ =	sdelay $0x3  }
0x98: {  	_ =	strace s17  }
0x99: {  	s4 =	sld [smem:$0x3FFC];
	_ =	sdelay $0x3  }
0x9a: {  	_ =	strace s4  }
0x9b: {  	s4 =	sld [smem:$0x3FFD];
	_ =	sdelay $0x3  }
0x9c: {  	_ =	strace s4  }
0x9d: {  	_ =	strace $0x8FFFFFFF  }
0x9e: {  	s18 =	sld [smem:$0x3FDB];
	_ =	sdelay $0x1  }
0x9f: {  	s19 =	simm.s32 $_scs_section_size  }
0xa0: {  	s6 =	simm.s32 $_size__tile_overlayer_lowered;
	s7 =	simm.s32 $_tile_overlayer_lowered  }
0xa1: {  	s22 =	simm.s32 $0x1BFF;
	s21 =	sshll.u32 s7, $0x1;
	s4 =	sadd.s32 s19, s18  }
0xa2: {  	s8 =	simm.s32 $0x0;
	s20 =	sshll.u32 s6, $0x1;
	s6 =	sadd.s32 s21, s4  }
0xa3: {  	[timem:s8], [sflag:s22] =	dma.local [hbm:s6], s20  }
0xa4: {  	_ =	swait.ge [sflag:s22], s20  }
0xa5: {  	s5 =	ssub.s32 $0x0, s20;
	[sflag:s22] =	ssyncset.done $0x0  }
0xa6: {  	[sflag:s22] =	ssyncadd.s32 s5;
	_ =	sdelay $0x1  }
0xa7: {  	s23 =	simm.s32 $0x1B8B  }
0xa8: {  	_ =	swait.ge [sflag:s23], $0x1  }
0xa9: {  	[sflag:s23] =	ssyncset.done $0x0  }
0xaa: {  	s25 =	simm.s32 $0x1B8E;
	s24 =	sld [smem:$0x3FFE];
	[sflag:s23] =	ssyncadd.s32 $0xFFFFFFFF  }
0xab: {  	s26 =	simm.s32 $execute0_lowered;
	[smem:$0x3FD2] =	sst s25  }
0xac: {  	s6 =	sshll.u32 s26, $0x1;
	_ =	strace $0x80000046;
	[dreg:$0x1] =	wrdreg $0xFFFFFFFF  }
0xad: {  	s28 =	simm.s32 $_size_execute0_lowered;
	s4 =	sadd.s32 s4, s6;
	[dreg:$0x0] =	wrdreg $0x0  }
0xae: {  	s6 =	sshll.u32 s28, $0x1;
	[dreg:$0x2] =	wrdreg s4  }
0xaf: {  	[dreg:$0x3] =	wrdreg s6  }
0xb0: {  	[dreg:$0x4] =	wrdreg $0xC0  }
0xb1: {  	_ =	task [dreg:s8], $0x5FFFF  }
0xb2: {  	[dreg:$0x1] =	wrdreg $0xFFFFFFFF  }
0xb3: {  	[dreg:$0x0] =	wrdreg $0x60  }
0xb4: {  	[dreg:$0x2] =	wrdreg s15  }
0xb5: {  	[dreg:$0x3] =	wrdreg s24  }
0xb6: {  	[dreg:$0x4] =	wrdreg s16  }
0xb7: {  	[dreg:$0x5] =	wrdreg $0x9  }
0xb8: {  	_ =	task.clear_ibuf [dreg:s8], $0x6FFFF;
	_ =	strace $0x90000046  }
0xb9: {  	s29 =	simm.s32 $0x9;
	_ =	strace $0x80000048  }
0xba: {  	_ =	swait.ge [sflag:s29], $0x1  }
0xbb: {  	[sflag:s29] =	ssyncadd.s32 $0xFFFFFFFF  }
0xbc: {  	_ =	strace $0x90000048  }
0xbd: {  	_ =	sfence  }
0xbe: {  	s30 =	sld [smem:$0x0];
	_ =	sdelay $0x2  }
0xbf: {  	s31 =	sshll.u32 s1, $0xD;
	s1 =	sshrl.u32 s1, $0x2  }
0xc0: {  	s3 =	sand.u32 $0x4000, s31;
	s1 =	sadd.s32 s1, s30  }
0xc1: {  	s0 =	sor.u32 s3, s0;
	s1 =	sshll.u32 s1, $0x11  }
0xc2: {  	s0 =	sor.u32 s1, s0  }
0xc3: {  	s0 =	sadd.s32 $0x8F2B, s0  }
0xc4: {  	[sflag:s0] =	ssyncadd.remote.s32 $0x1  }
0xc5: {  	_ =	sfence.sel $0xFFFF  }
0xc6: {  	[dreg:$0x0] =	wrdreg $0xFFFFFFFF;
	(pc) =	sbr.abs _section_cstart, $3  }
0xc7: {  	[dreg:$0x1] =	wrdreg $0xFFFFFFFF  }
0xc8: {  	_ =	task.clear_ibuf [dreg:s8], $0x2FFFF;
	_ =	strace $0x9FFFFFFF  }
0xc9: {  	(tm) =	ssettm $0x7FFFFFFF  }
tec
execute0_lowered:
.L_overlay_start_1:
0x0: {  	(tag) =	ssettag $0x1  }
0x1: {  	s1 =	stileid.u32  }
0x2: {  	p0 =	sgt.u32 s1, $0x7  }
.Ltmp0:
0x3: {  	s2 =	rddreg [dreg:$0x0];
	(pc) =	sbr.rel @p0 .LBB2_4-.Ltmp0, $4  }
0x4: {  	s4 =	rddreg [dreg:$0x1]  }
0x5: {  	s9 =	rddreg [dreg:$0x2];
	s3 =	simm.s32 $0x0  }
0x6: {  	[smem:$0x7FF] =	sst s3  }
0x7: {  	s0 =	rddreg [dreg:$0x3];
	_ =	strace $0x80000047  }
0x8: {  	s5 =	srdreg.scid  }
0x9: {  	s30 =	sshll.u32 s1, $0x1;
	s6 =	sand.u32 $0x1, s5  }
0xa: {  	s4 =	sadd.s32 $0x600, s4;
	s10 =	sor.u32 s6, s30  }
0xb: {  	s11 =	ssub.s32 $0x2, s6;
	s5 =	sadd.s32 s4, s10;
	s4 =	simm.s32 $0x2  }
0xc: {  	[tilespmem:s3], [sflag:$0x2] =	stream.linear.gather [hbm4b:s5+s3], $0x8, $0x38;
	[tilespmem:$0x100] =	vst v63  }
0xd: {  	s7 =	simm.s32 $0x80;
	s12 =	sshrl.u32 s11, $0x1;
	_ =	swait.ge [sflag:s4], $0x8  }
0xe: {  	s8 =	simm.s32 $0x1;
	s11 =	ssub.s32 s11, s12;
	[sflag:s4] =	ssyncset.done $0x0  }
0xf: {  	s6 =	simm.s32 $0x8;
	s31 =	smax.u32 s11, $0x1;
	[sflag:s4] =	ssyncadd.s32 $0xFFFFFFF8  }
0x10: {  	[tilespmem:s7], [sflag:$0x1] =	stream.indirect.gather [hbm4b:s2+s6], $0x1, s3, s6, $0xb8;
	[tilespmem:$0x100] =	vst v63  }
0x11: {  	p0 =	sne.s32 s31, $0x1;
	_ =	swait.ge [sflag:s8], $0x8  }
.Ltmp1:
0x12: {  	[sflag:s8] =	ssyncset.done $0x0;
	(pc) =	sbr.rel @!p0 .LBB2_3-.Ltmp1, $4  }
0x13: {  	s9 =	sadd.s32 s9, s10;
	[sflag:s8] =	ssyncadd.s32 $0xFFFFFFF8  }
0x14: {  	[hbm4b:s9+s3] =	stream.linear.scatter [tilespmem:s7], [sflag:$0x2], $0x8, $0x38;
	[tilespmem:$0x100] =	vst v63  }
0x15: {  	_ =	swait.ge [sflag:s4], $0x8  }
0x16: {  	s10 =	sadd.s32 $0xFFFFFFFF, s31;
	[sflag:s4] =	ssyncset.done $0x0  }
.LBB2_2:
0x17: {  	p0 =	sne.s32 s10, $0x1;
	s10 =	sadd.s32 $0xFFFFFFFF, s10;
	[sflag:s4] =	ssyncadd.s32 $0xFFFFFFF8  }
0x18: {  	[tilespmem:s3], [sflag:$0x2] =	stream.linear.gather [hbm4b:s5+s3], $0x8, $0x38;
	[tilespmem:$0x100] =	vst v63  }
0x19: {  	_ =	swait.ge [sflag:s4], $0x8  }
0x1a: {  	[sflag:s4] =	ssyncset.done $0x0  }
0x1b: {  	[sflag:s4] =	ssyncadd.s32 $0xFFFFFFF8  }
0x1c: {  	[tilespmem:s7], [sflag:$0x1] =	stream.indirect.gather [hbm4b:s2+s6], $0x1, s3, s6, $0xb8;
	[tilespmem:$0x100] =	vst v63  }
0x1d: {  	_ =	swait.ge [sflag:s8], $0x8  }
.Ltmp2:
0x1e: {  	[sflag:s8] =	ssyncset.done $0x0;
	(pc) =	sbr.rel @p0 .LBB2_2-.Ltmp2, $4  }
0x1f: {  	[sflag:s8] =	ssyncadd.s32 $0xFFFFFFF8  }
0x20: {  	[hbm4b:s9+s3] =	stream.linear.scatter [tilespmem:s7], [sflag:$0x2], $0x8, $0x38;
	[tilespmem:$0x100] =	vst v63  }
0x21: {  	_ =	swait.ge [sflag:s4], $0x8  }
0x22: {  	[sflag:s4] =	ssyncset.done $0x0  }
.LBB2_3:
0x23: {  	[sflag:s4] =	ssyncadd.s32 $0xFFFFFFF8  }
.LBB2_4:
0x24: {  	_ =	sfence.sel $0x180000  }
0x25: {  	[bflag:$0x0] =	sbarrier.arrive $0xFFFF  }
0x26: {  	p0 =	sne.s32 s1, $0x0;
	_ =	strace $0x90000047  }
0x27: {  	s0 =	sadd.s32 @!p0 $0x100000, s0;
	[bflag:$0x2] =	sbarrier.arrive $0xFFFF  }
0x28: {  	[sflag:s0] =	ssyncadd.tile.s32 @!p0 $0x1;
	_ =	shalt  }
.Lfunc_end2:
_tile_overlayer_lowered:
.L_overlay_start_2:
0x29: {  	(tag) =	ssettag $0x2  }
0x2a: {  	s0 =	rddreg [dreg:$0x0];
	s2 =	stileid.u32  }
0x2b: {  	s1 =	rddreg [dreg:$0x1];
	p0 =	sne.s32 s2, $0x0  }
0x2c: {  	s3 =	rddreg [dreg:$0x2];
	[bflag:$0x3] =	sbarrier.arrive $0xFFFF;
	s2 =	simm.s32 @!p0 $0x1C02  }
0x2d: {  	[timem:s3], [sflag:s2] =	dma.local @!p0 [hbm:s0], s1  }
0x2e: {  	s0 =	simm.s32 @!p0 $0x2  }
0x2f: {  	_ =	swait.ge @!p0 [sflag:s0], s1  }
0x30: {  	s1 =	ssub.s32 @!p0 $0x0, s1;
	[sflag:s0] =	ssyncset.done @!p0 $0x0  }
0x31: {  	[sflag:s0] =	ssyncadd.s32 @!p0 s1  }
0x32: {  	[bflag:$0x3] =	sbarrier.arrive $0xFFFF  }
0x33: {  	_ =	shalt  }

</sc_bundles>
